<compile_context>
chip_gen: v7x
topology: tpu7x:2x2x1
jax: 0.10.2.dev20260603
libtpu: 0.0.44.dev20260713+nightly
codegen_flags: <defaults>
</compile_context>

<pallas_src>
import functools

import jax
import jax.numpy as jnp
from jax import lax
from jax.experimental import pallas as pl
from jax.experimental.pallas import tpu as pltpu
from jax.experimental.pallas import tpu_sc as plsc

B, L = 4096, 200
V, D = 1000, 64
VP = 1024
KS = VP // 256
T = 100

NC, NS = 2, 16
NW = NC * NS
ROWS_PER_W = B // NW
CH = 32
NCH = ROWS_PER_W // CH
NCHUNKS = B // CH

UNROLL = 8


def _hist_body(sent_hbm, counts_hbm, sent_a, sent_b, cnt_a, cnt_b,
               sem_a, sem_b):
    wid = lax.axis_index("s") * NC + lax.axis_index("c")
    lanes = lax.iota(jnp.int32, 16)
    zeros16 = jnp.zeros((16,), jnp.int32)
    zeros_i = jnp.zeros((16,), jnp.int32)
    ones16 = jnp.ones((16,), jnp.int32)

    def zero_buf(cnt):
        @plsc.parallel_loop(0, KS * CH, unroll=4)
        def _zbody(r):
            for j in range(8):
                cnt[r, pl.ds(j * 16, 16)] = zeros16

    zero_buf(cnt_a)
    zero_buf(cnt_b)

    def sweep(sent, cnt, op):
        for g in range(CH // 16):
            row = g * 16 + lanes
            rowoff_s = row * L

            @plsc.parallel_loop(0, L, unroll=UNROLL)
            def _lbody(l):
                col = plsc.load_gather(sent, [zeros_i, rowoff_s + l])
                ridx = ((col >> 8) << 5) + row
                cidx = (col >> 1) & 127
                if op == "add":
                    val = ones16 << ((col & 1) << 4)
                    plsc.addupdate_scatter(cnt, [ridx, cidx], val)
                else:
                    plsc.store_scatter(cnt, [ridx, cidx], zeros16)

    bufs = [(sent_a, cnt_a, sem_a), (sent_b, cnt_b, sem_b)]
    for c in range(NCH):
        sent, cnt, sem = bufs[c % 2]
        chunk = wid * NCH + c
        if c >= 2:
            pltpu.make_async_copy(cnt.reshape(KS, CH, 128),
                                  counts_hbm.at[chunk - 2], sem).wait()
            sweep(sent, cnt, "zero")
        pltpu.sync_copy(sent_hbm.at[chunk], sent.at[0])
        sweep(sent, cnt, "add")
        pltpu.async_copy(cnt.reshape(KS, CH, 128), counts_hbm.at[chunk], sem)
    for c in (NCH - 2, NCH - 1):
        sent, cnt, sem = bufs[c % 2]
        chunk = wid * NCH + c
        pltpu.make_async_copy(cnt.reshape(KS, CH, 128),
                              counts_hbm.at[chunk], sem).wait()


@functools.cache
def _make_hist():
    mesh = plsc.VectorSubcoreMesh(core_axis_name="c", subcore_axis_name="s")
    return functools.partial(
        pl.kernel,
        mesh=mesh,
        out_type=jax.ShapeDtypeStruct((NCHUNKS, KS, CH, 128), jnp.int32),
        scratch_types=[
            pltpu.VMEM((1, CH * L), jnp.int32),
            pltpu.VMEM((1, CH * L), jnp.int32),
            pltpu.VMEM((KS * CH, 128), jnp.int32),
            pltpu.VMEM((KS * CH, 128), jnp.int32),
            pltpu.SemaphoreType.DMA,
            pltpu.SemaphoreType.DMA,
        ],
        compiler_params=pltpu.CompilerParams(needs_layout_passes=False),
    )(_hist_body)


BB = 512
CB = BB // CH


def _tc_body(counts_ref, table_ref, w_ref, b_ref, out_ref):
    counts = counts_ref[...]
    bow = None
    for k in range(KS):
        w = counts[:, k].reshape(BB, 128)
        lo = (w & 0xFFFF).astype(jnp.bfloat16)
        hi = lax.shift_right_logical(w, 16).astype(jnp.bfloat16)
        tbl = table_ref[k]
        part = jnp.dot(lo, tbl[:, 0].astype(jnp.bfloat16),
                       preferred_element_type=jnp.float32)
        part += jnp.dot(hi, tbl[:, 1].astype(jnp.bfloat16),
                        preferred_element_type=jnp.float32)
        bow = part if bow is None else bow + part
    sig = 1.0 / (1.0 + jnp.exp(-bow))
    tag = lax.dot_general(sig, w_ref[...], (((1,), (1,)), ((), ())),
                          preferred_element_type=jnp.float32)
    out_ref[...] = tag + b_ref[...]


def _tc_call(counts, table2, w, b2d):
    return pl.pallas_call(
        _tc_body,
        grid=(B // BB,),
        in_specs=[
            pl.BlockSpec((CB, KS, CH, 128), lambda i: (i, 0, 0, 0)),
            pl.BlockSpec((KS, 128, 2, D), lambda i: (0, 0, 0, 0)),
            pl.BlockSpec((T, D), lambda i: (0, 0)),
            pl.BlockSpec((1, T), lambda i: (0, 0)),
        ],
        out_specs=pl.BlockSpec((BB, T), lambda i: (i, 0)),
        out_shape=jax.ShapeDtypeStruct((B, T), jnp.float32),
    )(counts, table2, w, b2d)


def kernel(sentence, emb_table, W, b):
    sent_rows = sentence.astype(jnp.int32).reshape(NCHUNKS, CH * L)
    counts = _make_hist()(sent_rows)
    table2 = jnp.pad(emb_table, ((0, VP - V), (0, 0))).reshape(KS, 128, 2, D)
    return _tc_call(counts, table2, W, b.reshape(1, T))

# --- scband reference (transcript-rebuilt; emitter-appended) ---
"""Pipeline reference for scband-bowclassifier-18880676233939 (READ-ONLY COPY).

The authoritative reference and input builder live on the scoring server;
editing this copy changes nothing except your own understanding.
"""

import jax, jax.numpy as jnp
import numpy as np


def setup_inputs(seed: int = 0) -> dict:
    key = jax.random.key(seed)
    k1, k2, k3, k4 = jax.random.split(key, 4)
    sentence = jax.random.randint(k1, (4096, 200), 0, 1000)
    emb_table = jax.random.normal(k2, (1000, 64), dtype=jnp.float32) * 0.02
    W = jax.random.normal(k3, (100, 64), dtype=jnp.float32) * 0.02
    b = jnp.zeros((100,), dtype=jnp.float32)
    return {"sentence": sentence, "emb_table": emb_table, "W": W, "b": b}


def reference(sentence, emb_table, W, b):
    # embedding lookup (gather)
    embeds = jnp.take(emb_table, sentence, axis=0)  # [B, L, D]
    # dropout is identity in eval mode
    bow = embeds.sum(axis=1)  # [B, D]
    bow = jax.nn.sigmoid(bow)
    tag_space = bow @ W.T + b  # [B, tagset]
    return tag_space

if __name__ == "__main__":
    import jax
    _d = setup_inputs()
    print(jax.jit(kernel)(*tuple(_d.values())))

</pallas_src>

<mosaic_0001>
#map = affine_map<(d0, d1) -> (0, 0)>
#map1 = affine_map<(d0, d1) -> (0, 0, 0, 0)>
module attributes {stable_mosaic.version = 14 : i64} {
  func.func @_hist_body(%arg0: i32, %arg1: i32, %arg2: memref<128x6400xi32, #tpu.memory_space<hbm>>, %arg3: memref<128x4x32x128xi32, #tpu.memory_space<hbm>>, %arg4: memref<1x6400xi32, #tpu.memory_space<vmem>>, %arg5: memref<1x6400xi32, #tpu.memory_space<vmem>>, %arg6: memref<128x128xi32, #tpu.memory_space<vmem>>, %arg7: memref<128x128xi32, #tpu.memory_space<vmem>>, %arg8: memref<!tpu.dma_semaphore, #tpu.memory_space<semaphore_mem>>, %arg9: memref<!tpu.dma_semaphore, #tpu.memory_space<semaphore_mem>>) attributes {dimension_semantics = [#tpu.dimension_semantics<core_parallel>, #tpu.dimension_semantics<subcore_parallel>], iteration_bounds = array<i64: 2, 16>, scalar_prefetch = 0 : i64, scratch_operands = 6 : i64, tpu.core_type = #tpu.core_type<sc_vector_subcore>, window_params = [{transform_indices = #map}, {transform_indices = #map1}]} {
    %mul3A = arith.constant 2 : i32
    %mul3A_0 = arith.muli %arg1, %mul3A : i32
    %add3A = arith.addi %mul3A_0, %arg0 : i32
    %iota3A = tpu.iota {dimensions = array<i32: 0>} : vector<16xi32>
    %broadcast_in_dim3A = arith.constant 0 : i32
    %broadcast_in_dim3A_1 = vector.broadcast %broadcast_in_dim3A : i32 to vector<16xi32>
    %broadcast_in_dim3A_2 = arith.constant 0 : i32
    %broadcast_in_dim3A_3 = vector.broadcast %broadcast_in_dim3A_2 : i32 to vector<16xi32>
    %broadcast_in_dim3A_4 = arith.constant 1 : i32
    %broadcast_in_dim3A_5 = vector.broadcast %broadcast_in_dim3A_4 : i32 to vector<16xi32>
    %parallel_loop3A = arith.constant 0 : i32
    %parallel_loop3A_6 = arith.constant 128 : i32
    %parallel_loop3A_7 = arith.constant 1 : i32
    scf.for %parallel_loop3A_243 = %parallel_loop3A to %parallel_loop3A_6 step %parallel_loop3A_7  : i32 {
      %parallel_loop3A_244 = arith.index_cast %parallel_loop3A_243 : i32 to index
      %parallel_loop3A_245 = arith.constant 0 : index
      %parallel_loop3A_246 = tpu.vector_load %arg6[%parallel_loop3A_244, %parallel_loop3A_245] {strides = array<i32>} : memref<128x128xi32, #tpu.memory_space<vmem>>, vector<16xi32>,
      tpu.vector_store %arg6[%parallel_loop3A_244, %parallel_loop3A_245], %broadcast_in_dim3A_1 {strides = array<i32>} : memref<128x128xi32, #tpu.memory_space<vmem>>, vector<16xi32>,
      %parallel_loop3A_247 = arith.index_cast %parallel_loop3A_243 : i32 to index
      %parallel_loop3A_248 = arith.constant 16 : index
      %parallel_loop3A_249 = tpu.vector_load %arg6[%parallel_loop3A_247, %parallel_loop3A_248] {strides = array<i32>} : memref<128x128xi32, #tpu.memory_space<vmem>>, vector<16xi32>,
      tpu.vector_store %arg6[%parallel_loop3A_247, %parallel_loop3A_248], %broadcast_in_dim3A_1 {strides = array<i32>} : memref<128x128xi32, #tpu.memory_space<vmem>>, vector<16xi32>,
      %parallel_loop3A_250 = arith.index_cast %parallel_loop3A_243 : i32 to index
      %parallel_loop3A_251 = arith.constant 32 : index
      %parallel_loop3A_252 = tpu.vector_load %arg6[%parallel_loop3A_250, %parallel_loop3A_251] {strides = array<i32>} : memref<128x128xi32, #tpu.memory_space<vmem>>, vector<16xi32>,
      tpu.vector_store %arg6[%parallel_loop3A_250, %parallel_loop3A_251], %broadcast_in_dim3A_1 {strides = array<i32>} : memref<128x128xi32, #tpu.memory_space<vmem>>, vector<16xi32>,
      %parallel_loop3A_253 = arith.index_cast %parallel_loop3A_243 : i32 to index
      %parallel_loop3A_254 = arith.constant 48 : index
      %parallel_loop3A_255 = tpu.vector_load %arg6[%parallel_loop3A_253, %parallel_loop3A_254] {strides = array<i32>} : memref<128x128xi32, #tpu.memory_space<vmem>>, vector<16xi32>,
      tpu.vector_store %arg6[%parallel_loop3A_253, %parallel_loop3A_254], %broadcast_in_dim3A_1 {strides = array<i32>} : memref<128x128xi32, #tpu.memory_space<vmem>>, vector<16xi32>,
      %parallel_loop3A_256 = arith.index_cast %parallel_loop3A_243 : i32 to index
      %parallel_loop3A_257 = arith.constant 64 : index
      %parallel_loop3A_258 = tpu.vector_load %arg6[%parallel_loop3A_256, %parallel_loop3A_257] {strides = array<i32>} : memref<128x128xi32, #tpu.memory_space<vmem>>, vector<16xi32>,
      tpu.vector_store %arg6[%parallel_loop3A_256, %parallel_loop3A_257], %broadcast_in_dim3A_1 {strides = array<i32>} : memref<128x128xi32, #tpu.memory_space<vmem>>, vector<16xi32>,
      %parallel_loop3A_259 = arith.index_cast %parallel_loop3A_243 : i32 to index
      %parallel_loop3A_260 = arith.constant 80 : index
      %parallel_loop3A_261 = tpu.vector_load %arg6[%parallel_loop3A_259, %parallel_loop3A_260] {strides = array<i32>} : memref<128x128xi32, #tpu.memory_space<vmem>>, vector<16xi32>,
      tpu.vector_store %arg6[%parallel_loop3A_259, %parallel_loop3A_260], %broadcast_in_dim3A_1 {strides = array<i32>} : memref<128x128xi32, #tpu.memory_space<vmem>>, vector<16xi32>,
      %parallel_loop3A_262 = arith.index_cast %parallel_loop3A_243 : i32 to index
      %parallel_loop3A_263 = arith.constant 96 : index
      %parallel_loop3A_264 = tpu.vector_load %arg6[%parallel_loop3A_262, %parallel_loop3A_263] {strides = array<i32>} : memref<128x128xi32, #tpu.memory_space<vmem>>, vector<16xi32>,
      tpu.vector_store %arg6[%parallel_loop3A_262, %parallel_loop3A_263], %broadcast_in_dim3A_1 {strides = array<i32>} : memref<128x128xi32, #tpu.memory_space<vmem>>, vector<16xi32>,
      %parallel_loop3A_265 = arith.index_cast %parallel_loop3A_243 : i32 to index
      %parallel_loop3A_266 = arith.constant 112 : index
      %parallel_loop3A_267 = tpu.vector_load %arg6[%parallel_loop3A_265, %parallel_loop3A_266] {strides = array<i32>} : memref<128x128xi32, #tpu.memory_space<vmem>>, vector<16xi32>,
      tpu.vector_store %arg6[%parallel_loop3A_265, %parallel_loop3A_266], %broadcast_in_dim3A_1 {strides = array<i32>} : memref<128x128xi32, #tpu.memory_space<vmem>>, vector<16xi32>,
    } {sc.loop_unroll_factor = 4 : i64, sc.parallel_access}
    %parallel_loop3A_8 = arith.constant 0 : i32
    %parallel_loop3A_9 = arith.constant 128 : i32
    %parallel_loop3A_10 = arith.constant 1 : i32
    scf.for %parallel_loop3A_243 = %parallel_loop3A_8 to %parallel_loop3A_9 step %parallel_loop3A_10  : i32 {
      %parallel_loop3A_244 = arith.index_cast %parallel_loop3A_243 : i32 to index
      %parallel_loop3A_245 = arith.constant 0 : index
      %parallel_loop3A_246 = tpu.vector_load %arg7[%parallel_loop3A_244, %parallel_loop3A_245] {strides = array<i32>} : memref<128x128xi32, #tpu.memory_space<vmem>>, vector<16xi32>,
      tpu.vector_store %arg7[%parallel_loop3A_244, %parallel_loop3A_245], %broadcast_in_dim3A_1 {strides = array<i32>} : memref<128x128xi32, #tpu.memory_space<vmem>>, vector<16xi32>,
      %parallel_loop3A_247 = arith.index_cast %parallel_loop3A_243 : i32 to index
      %parallel_loop3A_248 = arith.constant 16 : index
      %parallel_loop3A_249 = tpu.vector_load %arg7[%parallel_loop3A_247, %parallel_loop3A_248] {strides = array<i32>} : memref<128x128xi32, #tpu.memory_space<vmem>>, vector<16xi32>,
      tpu.vector_store %arg7[%parallel_loop3A_247, %parallel_loop3A_248], %broadcast_in_dim3A_1 {strides = array<i32>} : memref<128x128xi32, #tpu.memory_space<vmem>>, vector<16xi32>,
      %parallel_loop3A_250 = arith.index_cast %parallel_loop3A_243 : i32 to index
      %parallel_loop3A_251 = arith.constant 32 : index
      %parallel_loop3A_252 = tpu.vector_load %arg7[%parallel_loop3A_250, %parallel_loop3A_251] {strides = array<i32>} : memref<128x128xi32, #tpu.memory_space<vmem>>, vector<16xi32>,
      tpu.vector_store %arg7[%parallel_loop3A_250, %parallel_loop3A_251], %broadcast_in_dim3A_1 {strides = array<i32>} : memref<128x128xi32, #tpu.memory_space<vmem>>, vector<16xi32>,
      %parallel_loop3A_253 = arith.index_cast %parallel_loop3A_243 : i32 to index
      %parallel_loop3A_254 = arith.constant 48 : index
      %parallel_loop3A_255 = tpu.vector_load %arg7[%parallel_loop3A_253, %parallel_loop3A_254] {strides = array<i32>} : memref<128x128xi32, #tpu.memory_space<vmem>>, vector<16xi32>,
      tpu.vector_store %arg7[%parallel_loop3A_253, %parallel_loop3A_254], %broadcast_in_dim3A_1 {strides = array<i32>} : memref<128x128xi32, #tpu.memory_space<vmem>>, vector<16xi32>,
      %parallel_loop3A_256 = arith.index_cast %parallel_loop3A_243 : i32 to index
      %parallel_loop3A_257 = arith.constant 64 : index
      %parallel_loop3A_258 = tpu.vector_load %arg7[%parallel_loop3A_256, %parallel_loop3A_257] {strides = array<i32>} : memref<128x128xi32, #tpu.memory_space<vmem>>, vector<16xi32>,
      tpu.vector_store %arg7[%parallel_loop3A_256, %parallel_loop3A_257], %broadcast_in_dim3A_1 {strides = array<i32>} : memref<128x128xi32, #tpu.memory_space<vmem>>, vector<16xi32>,
      %parallel_loop3A_259 = arith.index_cast %parallel_loop3A_243 : i32 to index
      %parallel_loop3A_260 = arith.constant 80 : index
      %parallel_loop3A_261 = tpu.vector_load %arg7[%parallel_loop3A_259, %parallel_loop3A_260] {strides = array<i32>} : memref<128x128xi32, #tpu.memory_space<vmem>>, vector<16xi32>,
      tpu.vector_store %arg7[%parallel_loop3A_259, %parallel_loop3A_260], %broadcast_in_dim3A_1 {strides = array<i32>} : memref<128x128xi32, #tpu.memory_space<vmem>>, vector<16xi32>,
      %parallel_loop3A_262 = arith.index_cast %parallel_loop3A_243 : i32 to index
      %parallel_loop3A_263 = arith.constant 96 : index
      %parallel_loop3A_264 = tpu.vector_load %arg7[%parallel_loop3A_262, %parallel_loop3A_263] {strides = array<i32>} : memref<128x128xi32, #tpu.memory_space<vmem>>, vector<16xi32>,
      tpu.vector_store %arg7[%parallel_loop3A_262, %parallel_loop3A_263], %broadcast_in_dim3A_1 {strides = array<i32>} : memref<128x128xi32, #tpu.memory_space<vmem>>, vector<16xi32>,
      %parallel_loop3A_265 = arith.index_cast %parallel_loop3A_243 : i32 to index
      %parallel_loop3A_266 = arith.constant 112 : index
      %parallel_loop3A_267 = tpu.vector_load %arg7[%parallel_loop3A_265, %parallel_loop3A_266] {strides = array<i32>} : memref<128x128xi32, #tpu.memory_space<vmem>>, vector<16xi32>,
      tpu.vector_store %arg7[%parallel_loop3A_265, %parallel_loop3A_266], %broadcast_in_dim3A_1 {strides = array<i32>} : memref<128x128xi32, #tpu.memory_space<vmem>>, vector<16xi32>,
    } {sc.loop_unroll_factor = 4 : i64, sc.parallel_access}
    %mul3A_11 = arith.constant 4 : i32
    %mul3A_12 = arith.muli %add3A, %mul3A_11 : i32
    %add3A_13 = arith.constant 0 : i32
    %add3A_14 = arith.addi %mul3A_12, %add3A_13 : i32
    %run_scoped3A = arith.constant 0 : i32
    "tpu.region"() ({
      %run_scoped3A_243 = tpu.sem_alloc : memref<!tpu.dma_semaphore, #tpu.memory_space<semaphore_mem>>
      %dma_start3A_244 = arith.constant 0 : i32
      %dma_start3A_245 = tpu.memref_slice %arg4[%run_scoped3A, %dma_start3A_244] : memref<1x6400xi32, #tpu.memory_space<vmem>> -> memref<1x6400xi32, #tpu.memory_space<vmem>>
      %dma_start3A_246 = tpu.memref_squeeze %dma_start3A_245 : memref<1x6400xi32, #tpu.memory_space<vmem>> -> memref<6400xi32, #tpu.memory_space<vmem>>
      %dma_start3A_247 = arith.constant 0 : i32
      %dma_start3A_248 = tpu.memref_slice %arg2[%add3A_14, %dma_start3A_247] : memref<128x6400xi32, #tpu.memory_space<hbm>> -> memref<1x6400xi32, #tpu.memory_space<hbm>>
      %dma_start3A_249 = tpu.memref_squeeze %dma_start3A_248 : memref<1x6400xi32, #tpu.memory_space<hbm>> -> memref<6400xi32, #tpu.memory_space<hbm>>
      %dma_start3A_250 = arith.constant 0 : i32
      %dma_start3A_251 = tpu.memref_slice %arg4[%run_scoped3A, %dma_start3A_250] : memref<1x6400xi32, #tpu.memory_space<vmem>> -> memref<1x6400xi32, #tpu.memory_space<vmem>>
      %dma_start3A_252 = tpu.memref_squeeze %dma_start3A_251 : memref<1x6400xi32, #tpu.memory_space<vmem>> -> memref<6400xi32, #tpu.memory_space<vmem>>
      %dma_start3A_253 = arith.constant 0 : i32
      %dma_start3A_254 = tpu.memref_slice %arg2[%add3A_14, %dma_start3A_253] : memref<128x6400xi32, #tpu.memory_space<hbm>> -> memref<1x6400xi32, #tpu.memory_space<hbm>>
      %dma_start3A_255 = tpu.memref_squeeze %dma_start3A_254 : memref<1x6400xi32, #tpu.memory_space<hbm>> -> memref<6400xi32, #tpu.memory_space<hbm>>
      tpu.enqueue_dma source(%dma_start3A_255 : memref<6400xi32, #tpu.memory_space<hbm>>) target(%dma_start3A_252 : memref<6400xi32, #tpu.memory_space<vmem>>) target_semaphore(%run_scoped3A_243 : memref<!tpu.dma_semaphore, #tpu.memory_space<semaphore_mem>>)
      %dma_wait3A_256 = arith.constant 0 : i32
      %dma_wait3A_257 = tpu.memref_slice %arg4[%run_scoped3A, %dma_wait3A_256] : memref<1x6400xi32, #tpu.memory_space<vmem>> -> memref<1x6400xi32, #tpu.memory_space<vmem>>
      %dma_wait3A_258 = tpu.memref_squeeze %dma_wait3A_257 : memref<1x6400xi32, #tpu.memory_space<vmem>> -> memref<6400xi32, #tpu.memory_space<vmem>>
      %dma_wait3A_259 = arith.constant 0 : i32
      %dma_wait3A_260 = tpu.memref_slice %arg2[%add3A_14, %dma_wait3A_259] : memref<128x6400xi32, #tpu.memory_space<hbm>> -> memref<1x6400xi32, #tpu.memory_space<hbm>>
      %dma_wait3A_261 = tpu.memref_squeeze %dma_wait3A_260 : memref<1x6400xi32, #tpu.memory_space<hbm>> -> memref<6400xi32, #tpu.memory_space<hbm>>
      %dma_wait3A_262 = arith.constant 0 : i32
      %dma_wait3A_263 = tpu.memref_slice %arg4[%run_scoped3A, %dma_wait3A_262] : memref<1x6400xi32, #tpu.memory_space<vmem>> -> memref<1x6400xi32, #tpu.memory_space<vmem>>
      %dma_wait3A_264 = tpu.memref_squeeze %dma_wait3A_263 : memref<1x6400xi32, #tpu.memory_space<vmem>> -> memref<6400xi32, #tpu.memory_space<vmem>>
      %dma_wait3A_265 = arith.constant 0 : i32
      %dma_wait3A_266 = tpu.memref_slice %arg2[%add3A_14, %dma_wait3A_265] : memref<128x6400xi32, #tpu.memory_space<hbm>> -> memref<1x6400xi32, #tpu.memory_space<hbm>>
      %dma_wait3A_267 = tpu.memref_squeeze %dma_wait3A_266 : memref<1x6400xi32, #tpu.memory_space<hbm>> -> memref<6400xi32, #tpu.memory_space<hbm>>
      tpu.wait_dma2 semaphore(%run_scoped3A_243 : memref<!tpu.dma_semaphore, #tpu.memory_space<semaphore_mem>>) src(%dma_wait3A_267 : memref<6400xi32, #tpu.memory_space<hbm>>) dst(%dma_wait3A_264 : memref<6400xi32, #tpu.memory_space<vmem>>)
      tpu.yield
    }) : () -> ()
    %add3A_15 = arith.constant 0 : i32
    %add3A_16 = vector.broadcast %add3A_15 : i32 to vector<16xi32>
    %add3A_17 = arith.addi %add3A_16, %iota3A : vector<16xi32>
    %mul3A_18 = arith.constant 200 : i32
    %mul3A_19 = vector.broadcast %mul3A_18 : i32 to vector<16xi32>
    %mul3A_20 = arith.muli %add3A_17, %mul3A_19 : vector<16xi32>
    %parallel_loop3A_21 = arith.constant 0 : i32
    %parallel_loop3A_22 = arith.constant 200 : i32
    %parallel_loop3A_23 = arith.constant 1 : i32
    scf.for %parallel_loop3A_243 = %parallel_loop3A_21 to %parallel_loop3A_22 step %parallel_loop3A_23  : i32 {
      %parallel_loop3A_244 = vector.broadcast %parallel_loop3A_243 : i32 to vector<16xi32>
      %parallel_loop3A_245 = arith.addi %mul3A_20, %parallel_loop3A_244 : vector<16xi32>
      %parallel_loop3A_246 = tpu.vector_load_idx %arg4[%broadcast_in_dim3A_3, %parallel_loop3A_245] : memref<1x6400xi32, #tpu.memory_space<vmem>>[vector<16xi32>, vector<16xi32>], vector<16xi32>,
      %parallel_loop3A_247 = arith.constant 8 : i32
      %parallel_loop3A_248 = vector.broadcast %parallel_loop3A_247 : i32 to vector<16xi32>
      %parallel_loop3A_249 = arith.shrsi %parallel_loop3A_246, %parallel_loop3A_248 : vector<16xi32>
      %parallel_loop3A_250 = arith.constant 5 : i32
      %parallel_loop3A_251 = vector.broadcast %parallel_loop3A_250 : i32 to vector<16xi32>
      %parallel_loop3A_252 = arith.shli %parallel_loop3A_249, %parallel_loop3A_251 : vector<16xi32>
      %parallel_loop3A_253 = arith.addi %parallel_loop3A_252, %add3A_17 : vector<16xi32>
      %parallel_loop3A_254 = arith.constant 1 : i32
      %parallel_loop3A_255 = vector.broadcast %parallel_loop3A_254 : i32 to vector<16xi32>
      %parallel_loop3A_256 = arith.shrsi %parallel_loop3A_246, %parallel_loop3A_255 : vector<16xi32>
      %parallel_loop3A_257 = arith.constant 127 : i32
      %parallel_loop3A_258 = vector.broadcast %parallel_loop3A_257 : i32 to vector<16xi32>
      %parallel_loop3A_259 = arith.andi %parallel_loop3A_256, %parallel_loop3A_258 : vector<16xi32>
      %parallel_loop3A_260 = arith.constant 1 : i32
      %parallel_loop3A_261 = vector.broadcast %parallel_loop3A_260 : i32 to vector<16xi32>
      %parallel_loop3A_262 = arith.andi %parallel_loop3A_246, %parallel_loop3A_261 : vector<16xi32>
      %parallel_loop3A_263 = arith.constant 4 : i32
      %parallel_loop3A_264 = vector.broadcast %parallel_loop3A_263 : i32 to vector<16xi32>
      %parallel_loop3A_265 = arith.shli %parallel_loop3A_262, %parallel_loop3A_264 : vector<16xi32>
      %parallel_loop3A_266 = arith.shli %broadcast_in_dim3A_5, %parallel_loop3A_265 : vector<16xi32>
      tpu.vector_store_idx %arg6[%parallel_loop3A_253, %parallel_loop3A_259], %parallel_loop3A_266 {add = true} : memref<128x128xi32, #tpu.memory_space<vmem>>[vector<16xi32>, vector<16xi32>], vector<16xi32>,
    } {sc.loop_unroll_factor = 8 : i64, sc.parallel_access}
    %add3A_24 = arith.constant 16 : i32
    %add3A_25 = vector.broadcast %add3A_24 : i32 to vector<16xi32>
    %add3A_26 = arith.addi %add3A_25, %iota3A : vector<16xi32>
    %mul3A_27 = arith.constant 200 : i32
    %mul3A_28 = vector.broadcast %mul3A_27 : i32 to vector<16xi32>
    %mul3A_29 = arith.muli %add3A_26, %mul3A_28 : vector<16xi32>
    %parallel_loop3A_30 = arith.constant 0 : i32
    %parallel_loop3A_31 = arith.constant 200 : i32
    %parallel_loop3A_32 = arith.constant 1 : i32
    scf.for %parallel_loop3A_243 = %parallel_loop3A_30 to %parallel_loop3A_31 step %parallel_loop3A_32  : i32 {
      %parallel_loop3A_244 = vector.broadcast %parallel_loop3A_243 : i32 to vector<16xi32>
      %parallel_loop3A_245 = arith.addi %mul3A_29, %parallel_loop3A_244 : vector<16xi32>
      %parallel_loop3A_246 = tpu.vector_load_idx %arg4[%broadcast_in_dim3A_3, %parallel_loop3A_245] : memref<1x6400xi32, #tpu.memory_space<vmem>>[vector<16xi32>, vector<16xi32>], vector<16xi32>,
      %parallel_loop3A_247 = arith.constant 8 : i32
      %parallel_loop3A_248 = vector.broadcast %parallel_loop3A_247 : i32 to vector<16xi32>
      %parallel_loop3A_249 = arith.shrsi %parallel_loop3A_246, %parallel_loop3A_248 : vector<16xi32>
      %parallel_loop3A_250 = arith.constant 5 : i32
      %parallel_loop3A_251 = vector.broadcast %parallel_loop3A_250 : i32 to vector<16xi32>
      %parallel_loop3A_252 = arith.shli %parallel_loop3A_249, %parallel_loop3A_251 : vector<16xi32>
      %parallel_loop3A_253 = arith.addi %parallel_loop3A_252, %add3A_26 : vector<16xi32>
      %parallel_loop3A_254 = arith.constant 1 : i32
      %parallel_loop3A_255 = vector.broadcast %parallel_loop3A_254 : i32 to vector<16xi32>
      %parallel_loop3A_256 = arith.shrsi %parallel_loop3A_246, %parallel_loop3A_255 : vector<16xi32>
      %parallel_loop3A_257 = arith.constant 127 : i32
      %parallel_loop3A_258 = vector.broadcast %parallel_loop3A_257 : i32 to vector<16xi32>
      %parallel_loop3A_259 = arith.andi %parallel_loop3A_256, %parallel_loop3A_258 : vector<16xi32>
      %parallel_loop3A_260 = arith.constant 1 : i32
      %parallel_loop3A_261 = vector.broadcast %parallel_loop3A_260 : i32 to vector<16xi32>
      %parallel_loop3A_262 = arith.andi %parallel_loop3A_246, %parallel_loop3A_261 : vector<16xi32>
      %parallel_loop3A_263 = arith.constant 4 : i32
      %parallel_loop3A_264 = vector.broadcast %parallel_loop3A_263 : i32 to vector<16xi32>
      %parallel_loop3A_265 = arith.shli %parallel_loop3A_262, %parallel_loop3A_264 : vector<16xi32>
      %parallel_loop3A_266 = arith.shli %broadcast_in_dim3A_5, %parallel_loop3A_265 : vector<16xi32>
      tpu.vector_store_idx %arg6[%parallel_loop3A_253, %parallel_loop3A_259], %parallel_loop3A_266 {add = true} : memref<128x128xi32, #tpu.memory_space<vmem>>[vector<16xi32>, vector<16xi32>], vector<16xi32>,
    } {sc.loop_unroll_factor = 8 : i64, sc.parallel_access}
    %dma_start3A = tpu.memref_reshape %arg6 : memref<128x128xi32, #tpu.memory_space<vmem>> -> memref<4x32x128xi32, #tpu.memory_space<vmem>>
    %dma_start3A_33 = arith.constant 0 : i32
    %dma_start3A_34 = arith.constant 0 : i32
    %dma_start3A_35 = arith.constant 0 : i32
    %dma_start3A_36 = tpu.memref_slice %arg3[%add3A_14, %dma_start3A_33, %dma_start3A_34, %dma_start3A_35] : memref<128x4x32x128xi32, #tpu.memory_space<hbm>> -> memref<1x4x32x128xi32, #tpu.memory_space<hbm>>
    %dma_start3A_37 = tpu.memref_squeeze %dma_start3A_36 : memref<1x4x32x128xi32, #tpu.memory_space<hbm>> -> memref<4x32x128xi32, #tpu.memory_space<hbm>>
    %dma_start3A_38 = arith.constant 0 : i32
    %dma_start3A_39 = arith.constant 0 : i32
    %dma_start3A_40 = arith.constant 0 : i32
    %dma_start3A_41 = tpu.memref_slice %arg3[%add3A_14, %dma_start3A_38, %dma_start3A_39, %dma_start3A_40] : memref<128x4x32x128xi32, #tpu.memory_space<hbm>> -> memref<1x4x32x128xi32, #tpu.memory_space<hbm>>
    %dma_start3A_42 = tpu.memref_squeeze %dma_start3A_41 : memref<1x4x32x128xi32, #tpu.memory_space<hbm>> -> memref<4x32x128xi32, #tpu.memory_space<hbm>>
    %dma_start3A_43 = tpu.memref_reshape %arg6 : memref<128x128xi32, #tpu.memory_space<vmem>> -> memref<4x32x128xi32, #tpu.memory_space<vmem>>
    tpu.enqueue_dma source(%dma_start3A_43 : memref<4x32x128xi32, #tpu.memory_space<vmem>>) target(%dma_start3A_42 : memref<4x32x128xi32, #tpu.memory_space<hbm>>) target_semaphore(%arg8 : memref<!tpu.dma_semaphore, #tpu.memory_space<semaphore_mem>>)
    %mul3A_44 = arith.constant 4 : i32
    %mul3A_45 = arith.muli %add3A, %mul3A_44 : i32
    %add3A_46 = arith.constant 1 : i32
    %add3A_47 = arith.addi %mul3A_45, %add3A_46 : i32
    %run_scoped3A_48 = arith.constant 0 : i32
    "tpu.region"() ({
      %run_scoped3A_243 = tpu.sem_alloc : memref<!tpu.dma_semaphore, #tpu.memory_space<semaphore_mem>>
      %dma_start3A_244 = arith.constant 0 : i32
      %dma_start3A_245 = tpu.memref_slice %arg5[%run_scoped3A_48, %dma_start3A_244] : memref<1x6400xi32, #tpu.memory_space<vmem>> -> memref<1x6400xi32, #tpu.memory_space<vmem>>
      %dma_start3A_246 = tpu.memref_squeeze %dma_start3A_245 : memref<1x6400xi32, #tpu.memory_space<vmem>> -> memref<6400xi32, #tpu.memory_space<vmem>>
      %dma_start3A_247 = arith.constant 0 : i32
      %dma_start3A_248 = tpu.memref_slice %arg2[%add3A_47, %dma_start3A_247] : memref<128x6400xi32, #tpu.memory_space<hbm>> -> memref<1x6400xi32, #tpu.memory_space<hbm>>
      %dma_start3A_249 = tpu.memref_squeeze %dma_start3A_248 : memref<1x6400xi32, #tpu.memory_space<hbm>> -> memref<6400xi32, #tpu.memory_space<hbm>>
      %dma_start3A_250 = arith.constant 0 : i32
      %dma_start3A_251 = tpu.memref_slice %arg5[%run_scoped3A_48, %dma_start3A_250] : memref<1x6400xi32, #tpu.memory_space<vmem>> -> memref<1x6400xi32, #tpu.memory_space<vmem>>
      %dma_start3A_252 = tpu.memref_squeeze %dma_start3A_251 : memref<1x6400xi32, #tpu.memory_space<vmem>> -> memref<6400xi32, #tpu.memory_space<vmem>>
      %dma_start3A_253 = arith.constant 0 : i32
      %dma_start3A_254 = tpu.memref_slice %arg2[%add3A_47, %dma_start3A_253] : memref<128x6400xi32, #tpu.memory_space<hbm>> -> memref<1x6400xi32, #tpu.memory_space<hbm>>
      %dma_start3A_255 = tpu.memref_squeeze %dma_start3A_254 : memref<1x6400xi32, #tpu.memory_space<hbm>> -> memref<6400xi32, #tpu.memory_space<hbm>>
      tpu.enqueue_dma source(%dma_start3A_255 : memref<6400xi32, #tpu.memory_space<hbm>>) target(%dma_start3A_252 : memref<6400xi32, #tpu.memory_space<vmem>>) target_semaphore(%run_scoped3A_243 : memref<!tpu.dma_semaphore, #tpu.memory_space<semaphore_mem>>)
      %dma_wait3A_256 = arith.constant 0 : i32
      %dma_wait3A_257 = tpu.memref_slice %arg5[%run_scoped3A_48, %dma_wait3A_256] : memref<1x6400xi32, #tpu.memory_space<vmem>> -> memref<1x6400xi32, #tpu.memory_space<vmem>>
      %dma_wait3A_258 = tpu.memref_squeeze %dma_wait3A_257 : memref<1x6400xi32, #tpu.memory_space<vmem>> -> memref<6400xi32, #tpu.memory_space<vmem>>
      %dma_wait3A_259 = arith.constant 0 : i32
      %dma_wait3A_260 = tpu.memref_slice %arg2[%add3A_47, %dma_wait3A_259] : memref<128x6400xi32, #tpu.memory_space<hbm>> -> memref<1x6400xi32, #tpu.memory_space<hbm>>
      %dma_wait3A_261 = tpu.memref_squeeze %dma_wait3A_260 : memref<1x6400xi32, #tpu.memory_space<hbm>> -> memref<6400xi32, #tpu.memory_space<hbm>>
      %dma_wait3A_262 = arith.constant 0 : i32
      %dma_wait3A_263 = tpu.memref_slice %arg5[%run_scoped3A_48, %dma_wait3A_262] : memref<1x6400xi32, #tpu.memory_space<vmem>> -> memref<1x6400xi32, #tpu.memory_space<vmem>>
      %dma_wait3A_264 = tpu.memref_squeeze %dma_wait3A_263 : memref<1x6400xi32, #tpu.memory_space<vmem>> -> memref<6400xi32, #tpu.memory_space<vmem>>
      %dma_wait3A_265 = arith.constant 0 : i32
      %dma_wait3A_266 = tpu.memref_slice %arg2[%add3A_47, %dma_wait3A_265] : memref<128x6400xi32, #tpu.memory_space<hbm>> -> memref<1x6400xi32, #tpu.memory_space<hbm>>
      %dma_wait3A_267 = tpu.memref_squeeze %dma_wait3A_266 : memref<1x6400xi32, #tpu.memory_space<hbm>> -> memref<6400xi32, #tpu.memory_space<hbm>>
      tpu.wait_dma2 semaphore(%run_scoped3A_243 : memref<!tpu.dma_semaphore, #tpu.memory_space<semaphore_mem>>) src(%dma_wait3A_267 : memref<6400xi32, #tpu.memory_space<hbm>>) dst(%dma_wait3A_264 : memref<6400xi32, #tpu.memory_space<vmem>>)
      tpu.yield
    }) : () -> ()
    %add3A_49 = arith.constant 0 : i32
    %add3A_50 = vector.broadcast %add3A_49 : i32 to vector<16xi32>
    %add3A_51 = arith.addi %add3A_50, %iota3A : vector<16xi32>
    %mul3A_52 = arith.constant 200 : i32
    %mul3A_53 = vector.broadcast %mul3A_52 : i32 to vector<16xi32>
    %mul3A_54 = arith.muli %add3A_51, %mul3A_53 : vector<16xi32>
    %parallel_loop3A_55 = arith.constant 0 : i32
    %parallel_loop3A_56 = arith.constant 200 : i32
    %parallel_loop3A_57 = arith.constant 1 : i32
    scf.for %parallel_loop3A_243 = %parallel_loop3A_55 to %parallel_loop3A_56 step %parallel_loop3A_57  : i32 {
      %parallel_loop3A_244 = vector.broadcast %parallel_loop3A_243 : i32 to vector<16xi32>
      %parallel_loop3A_245 = arith.addi %mul3A_54, %parallel_loop3A_244 : vector<16xi32>
      %parallel_loop3A_246 = tpu.vector_load_idx %arg5[%broadcast_in_dim3A_3, %parallel_loop3A_245] : memref<1x6400xi32, #tpu.memory_space<vmem>>[vector<16xi32>, vector<16xi32>], vector<16xi32>,
      %parallel_loop3A_247 = arith.constant 8 : i32
      %parallel_loop3A_248 = vector.broadcast %parallel_loop3A_247 : i32 to vector<16xi32>
      %parallel_loop3A_249 = arith.shrsi %parallel_loop3A_246, %parallel_loop3A_248 : vector<16xi32>
      %parallel_loop3A_250 = arith.constant 5 : i32
      %parallel_loop3A_251 = vector.broadcast %parallel_loop3A_250 : i32 to vector<16xi32>
      %parallel_loop3A_252 = arith.shli %parallel_loop3A_249, %parallel_loop3A_251 : vector<16xi32>
      %parallel_loop3A_253 = arith.addi %parallel_loop3A_252, %add3A_51 : vector<16xi32>
      %parallel_loop3A_254 = arith.constant 1 : i32
      %parallel_loop3A_255 = vector.broadcast %parallel_loop3A_254 : i32 to vector<16xi32>
      %parallel_loop3A_256 = arith.shrsi %parallel_loop3A_246, %parallel_loop3A_255 : vector<16xi32>
      %parallel_loop3A_257 = arith.constant 127 : i32
      %parallel_loop3A_258 = vector.broadcast %parallel_loop3A_257 : i32 to vector<16xi32>
      %parallel_loop3A_259 = arith.andi %parallel_loop3A_256, %parallel_loop3A_258 : vector<16xi32>
      %parallel_loop3A_260 = arith.constant 1 : i32
      %parallel_loop3A_261 = vector.broadcast %parallel_loop3A_260 : i32 to vector<16xi32>
      %parallel_loop3A_262 = arith.andi %parallel_loop3A_246, %parallel_loop3A_261 : vector<16xi32>
      %parallel_loop3A_263 = arith.constant 4 : i32
      %parallel_loop3A_264 = vector.broadcast %parallel_loop3A_263 : i32 to vector<16xi32>
      %parallel_loop3A_265 = arith.shli %parallel_loop3A_262, %parallel_loop3A_264 : vector<16xi32>
      %parallel_loop3A_266 = arith.shli %broadcast_in_dim3A_5, %parallel_loop3A_265 : vector<16xi32>
      tpu.vector_store_idx %arg7[%parallel_loop3A_253, %parallel_loop3A_259], %parallel_loop3A_266 {add = true} : memref<128x128xi32, #tpu.memory_space<vmem>>[vector<16xi32>, vector<16xi32>], vector<16xi32>,
    } {sc.loop_unroll_factor = 8 : i64, sc.parallel_access}
    %add3A_58 = arith.constant 16 : i32
    %add3A_59 = vector.broadcast %add3A_58 : i32 to vector<16xi32>
    %add3A_60 = arith.addi %add3A_59, %iota3A : vector<16xi32>
    %mul3A_61 = arith.constant 200 : i32
    %mul3A_62 = vector.broadcast %mul3A_61 : i32 to vector<16xi32>
    %mul3A_63 = arith.muli %add3A_60, %mul3A_62 : vector<16xi32>
    %parallel_loop3A_64 = arith.constant 0 : i32
    %parallel_loop3A_65 = arith.constant 200 : i32
    %parallel_loop3A_66 = arith.constant 1 : i32
    scf.for %parallel_loop3A_243 = %parallel_loop3A_64 to %parallel_loop3A_65 step %parallel_loop3A_66  : i32 {
      %parallel_loop3A_244 = vector.broadcast %parallel_loop3A_243 : i32 to vector<16xi32>
      %parallel_loop3A_245 = arith.addi %mul3A_63, %parallel_loop3A_244 : vector<16xi32>
      %parallel_loop3A_246 = tpu.vector_load_idx %arg5[%broadcast_in_dim3A_3, %parallel_loop3A_245] : memref<1x6400xi32, #tpu.memory_space<vmem>>[vector<16xi32>, vector<16xi32>], vector<16xi32>,
      %parallel_loop3A_247 = arith.constant 8 : i32
      %parallel_loop3A_248 = vector.broadcast %parallel_loop3A_247 : i32 to vector<16xi32>
      %parallel_loop3A_249 = arith.shrsi %parallel_loop3A_246, %parallel_loop3A_248 : vector<16xi32>
      %parallel_loop3A_250 = arith.constant 5 : i32
      %parallel_loop3A_251 = vector.broadcast %parallel_loop3A_250 : i32 to vector<16xi32>
      %parallel_loop3A_252 = arith.shli %parallel_loop3A_249, %parallel_loop3A_251 : vector<16xi32>
      %parallel_loop3A_253 = arith.addi %parallel_loop3A_252, %add3A_60 : vector<16xi32>
      %parallel_loop3A_254 = arith.constant 1 : i32
      %parallel_loop3A_255 = vector.broadcast %parallel_loop3A_254 : i32 to vector<16xi32>
      %parallel_loop3A_256 = arith.shrsi %parallel_loop3A_246, %parallel_loop3A_255 : vector<16xi32>
      %parallel_loop3A_257 = arith.constant 127 : i32
      %parallel_loop3A_258 = vector.broadcast %parallel_loop3A_257 : i32 to vector<16xi32>
      %parallel_loop3A_259 = arith.andi %parallel_loop3A_256, %parallel_loop3A_258 : vector<16xi32>
      %parallel_loop3A_260 = arith.constant 1 : i32
      %parallel_loop3A_261 = vector.broadcast %parallel_loop3A_260 : i32 to vector<16xi32>
      %parallel_loop3A_262 = arith.andi %parallel_loop3A_246, %parallel_loop3A_261 : vector<16xi32>
      %parallel_loop3A_263 = arith.constant 4 : i32
      %parallel_loop3A_264 = vector.broadcast %parallel_loop3A_263 : i32 to vector<16xi32>
      %parallel_loop3A_265 = arith.shli %parallel_loop3A_262, %parallel_loop3A_264 : vector<16xi32>
      %parallel_loop3A_266 = arith.shli %broadcast_in_dim3A_5, %parallel_loop3A_265 : vector<16xi32>
      tpu.vector_store_idx %arg7[%parallel_loop3A_253, %parallel_loop3A_259], %parallel_loop3A_266 {add = true} : memref<128x128xi32, #tpu.memory_space<vmem>>[vector<16xi32>, vector<16xi32>], vector<16xi32>,
    } {sc.loop_unroll_factor = 8 : i64, sc.parallel_access}
    %dma_start3A_67 = tpu.memref_reshape %arg7 : memref<128x128xi32, #tpu.memory_space<vmem>> -> memref<4x32x128xi32, #tpu.memory_space<vmem>>
    %dma_start3A_68 = arith.constant 0 : i32
    %dma_start3A_69 = arith.constant 0 : i32
    %dma_start3A_70 = arith.constant 0 : i32
    %dma_start3A_71 = tpu.memref_slice %arg3[%add3A_47, %dma_start3A_68, %dma_start3A_69, %dma_start3A_70] : memref<128x4x32x128xi32, #tpu.memory_space<hbm>> -> memref<1x4x32x128xi32, #tpu.memory_space<hbm>>
    %dma_start3A_72 = tpu.memref_squeeze %dma_start3A_71 : memref<1x4x32x128xi32, #tpu.memory_space<hbm>> -> memref<4x32x128xi32, #tpu.memory_space<hbm>>
    %dma_start3A_73 = arith.constant 0 : i32
    %dma_start3A_74 = arith.constant 0 : i32
    %dma_start3A_75 = arith.constant 0 : i32
    %dma_start3A_76 = tpu.memref_slice %arg3[%add3A_47, %dma_start3A_73, %dma_start3A_74, %dma_start3A_75] : memref<128x4x32x128xi32, #tpu.memory_space<hbm>> -> memref<1x4x32x128xi32, #tpu.memory_space<hbm>>
    %dma_start3A_77 = tpu.memref_squeeze %dma_start3A_76 : memref<1x4x32x128xi32, #tpu.memory_space<hbm>> -> memref<4x32x128xi32, #tpu.memory_space<hbm>>
    %dma_start3A_78 = tpu.memref_reshape %arg7 : memref<128x128xi32, #tpu.memory_space<vmem>> -> memref<4x32x128xi32, #tpu.memory_space<vmem>>
    tpu.enqueue_dma source(%dma_start3A_78 : memref<4x32x128xi32, #tpu.memory_space<vmem>>) target(%dma_start3A_77 : memref<4x32x128xi32, #tpu.memory_space<hbm>>) target_semaphore(%arg9 : memref<!tpu.dma_semaphore, #tpu.memory_space<semaphore_mem>>)
    %mul3A_79 = arith.constant 4 : i32
    %mul3A_80 = arith.muli %add3A, %mul3A_79 : i32
    %add3A_81 = arith.constant 2 : i32
    %add3A_82 = arith.addi %mul3A_80, %add3A_81 : i32
    %sub3A = arith.constant 2 : i32
    %sub3A_83 = arith.subi %add3A_82, %sub3A : i32
    %dma_wait3A = tpu.memref_reshape %arg6 : memref<128x128xi32, #tpu.memory_space<vmem>> -> memref<4x32x128xi32, #tpu.memory_space<vmem>>
    %dma_wait3A_84 = arith.constant 0 : i32
    %dma_wait3A_85 = arith.constant 0 : i32
    %dma_wait3A_86 = arith.constant 0 : i32
    %dma_wait3A_87 = tpu.memref_slice %arg3[%sub3A_83, %dma_wait3A_84, %dma_wait3A_85, %dma_wait3A_86] : memref<128x4x32x128xi32, #tpu.memory_space<hbm>> -> memref<1x4x32x128xi32, #tpu.memory_space<hbm>>
    %dma_wait3A_88 = tpu.memref_squeeze %dma_wait3A_87 : memref<1x4x32x128xi32, #tpu.memory_space<hbm>> -> memref<4x32x128xi32, #tpu.memory_space<hbm>>
    %dma_wait3A_89 = arith.constant 0 : i32
    %dma_wait3A_90 = arith.constant 0 : i32
    %dma_wait3A_91 = arith.constant 0 : i32
    %dma_wait3A_92 = tpu.memref_slice %arg3[%sub3A_83, %dma_wait3A_89, %dma_wait3A_90, %dma_wait3A_91] : memref<128x4x32x128xi32, #tpu.memory_space<hbm>> -> memref<1x4x32x128xi32, #tpu.memory_space<hbm>>
    %dma_wait3A_93 = tpu.memref_squeeze %dma_wait3A_92 : memref<1x4x32x128xi32, #tpu.memory_space<hbm>> -> memref<4x32x128xi32, #tpu.memory_space<hbm>>
    %dma_wait3A_94 = tpu.memref_reshape %arg6 : memref<128x128xi32, #tpu.memory_space<vmem>> -> memref<4x32x128xi32, #tpu.memory_space<vmem>>
    tpu.wait_dma2 semaphore(%arg8 : memref<!tpu.dma_semaphore, #tpu.memory_space<semaphore_mem>>) src(%dma_wait3A_94 : memref<4x32x128xi32, #tpu.memory_space<vmem>>) dst(%dma_wait3A_93 : memref<4x32x128xi32, #tpu.memory_space<hbm>>)
    %add3A_95 = arith.constant 0 : i32
    %add3A_96 = vector.broadcast %add3A_95 : i32 to vector<16xi32>
    %add3A_97 = arith.addi %add3A_96, %iota3A : vector<16xi32>
    %mul3A_98 = arith.constant 200 : i32
    %mul3A_99 = vector.broadcast %mul3A_98 : i32 to vector<16xi32>
    %mul3A_100 = arith.muli %add3A_97, %mul3A_99 : vector<16xi32>
    %parallel_loop3A_101 = arith.constant 0 : i32
    %parallel_loop3A_102 = arith.constant 200 : i32
    %parallel_loop3A_103 = arith.constant 1 : i32
    scf.for %parallel_loop3A_243 = %parallel_loop3A_101 to %parallel_loop3A_102 step %parallel_loop3A_103  : i32 {
      %parallel_loop3A_244 = vector.broadcast %parallel_loop3A_243 : i32 to vector<16xi32>
      %parallel_loop3A_245 = arith.addi %mul3A_100, %parallel_loop3A_244 : vector<16xi32>
      %parallel_loop3A_246 = tpu.vector_load_idx %arg4[%broadcast_in_dim3A_3, %parallel_loop3A_245] : memref<1x6400xi32, #tpu.memory_space<vmem>>[vector<16xi32>, vector<16xi32>], vector<16xi32>,
      %parallel_loop3A_247 = arith.constant 8 : i32
      %parallel_loop3A_248 = vector.broadcast %parallel_loop3A_247 : i32 to vector<16xi32>
      %parallel_loop3A_249 = arith.shrsi %parallel_loop3A_246, %parallel_loop3A_248 : vector<16xi32>
      %parallel_loop3A_250 = arith.constant 5 : i32
      %parallel_loop3A_251 = vector.broadcast %parallel_loop3A_250 : i32 to vector<16xi32>
      %parallel_loop3A_252 = arith.shli %parallel_loop3A_249, %parallel_loop3A_251 : vector<16xi32>
      %parallel_loop3A_253 = arith.addi %parallel_loop3A_252, %add3A_97 : vector<16xi32>
      %parallel_loop3A_254 = arith.constant 1 : i32
      %parallel_loop3A_255 = vector.broadcast %parallel_loop3A_254 : i32 to vector<16xi32>
      %parallel_loop3A_256 = arith.shrsi %parallel_loop3A_246, %parallel_loop3A_255 : vector<16xi32>
      %parallel_loop3A_257 = arith.constant 127 : i32
      %parallel_loop3A_258 = vector.broadcast %parallel_loop3A_257 : i32 to vector<16xi32>
      %parallel_loop3A_259 = arith.andi %parallel_loop3A_256, %parallel_loop3A_258 : vector<16xi32>
      tpu.vector_store_idx %arg6[%parallel_loop3A_253, %parallel_loop3A_259], %broadcast_in_dim3A_1 : memref<128x128xi32, #tpu.memory_space<vmem>>[vector<16xi32>, vector<16xi32>], vector<16xi32>,
    } {sc.loop_unroll_factor = 8 : i64, sc.parallel_access}
    %add3A_104 = arith.constant 16 : i32
    %add3A_105 = vector.broadcast %add3A_104 : i32 to vector<16xi32>
    %add3A_106 = arith.addi %add3A_105, %iota3A : vector<16xi32>
    %mul3A_107 = arith.constant 200 : i32
    %mul3A_108 = vector.broadcast %mul3A_107 : i32 to vector<16xi32>
    %mul3A_109 = arith.muli %add3A_106, %mul3A_108 : vector<16xi32>
    %parallel_loop3A_110 = arith.constant 0 : i32
    %parallel_loop3A_111 = arith.constant 200 : i32
    %parallel_loop3A_112 = arith.constant 1 : i32
    scf.for %parallel_loop3A_243 = %parallel_loop3A_110 to %parallel_loop3A_111 step %parallel_loop3A_112  : i32 {
      %parallel_loop3A_244 = vector.broadcast %parallel_loop3A_243 : i32 to vector<16xi32>
      %parallel_loop3A_245 = arith.addi %mul3A_109, %parallel_loop3A_244 : vector<16xi32>
      %parallel_loop3A_246 = tpu.vector_load_idx %arg4[%broadcast_in_dim3A_3, %parallel_loop3A_245] : memref<1x6400xi32, #tpu.memory_space<vmem>>[vector<16xi32>, vector<16xi32>], vector<16xi32>,
      %parallel_loop3A_247 = arith.constant 8 : i32
      %parallel_loop3A_248 = vector.broadcast %parallel_loop3A_247 : i32 to vector<16xi32>
      %parallel_loop3A_249 = arith.shrsi %parallel_loop3A_246, %parallel_loop3A_248 : vector<16xi32>
      %parallel_loop3A_250 = arith.constant 5 : i32
      %parallel_loop3A_251 = vector.broadcast %parallel_loop3A_250 : i32 to vector<16xi32>
      %parallel_loop3A_252 = arith.shli %parallel_loop3A_249, %parallel_loop3A_251 : vector<16xi32>
      %parallel_loop3A_253 = arith.addi %parallel_loop3A_252, %add3A_106 : vector<16xi32>
      %parallel_loop3A_254 = arith.constant 1 : i32
      %parallel_loop3A_255 = vector.broadcast %parallel_loop3A_254 : i32 to vector<16xi32>
      %parallel_loop3A_256 = arith.shrsi %parallel_loop3A_246, %parallel_loop3A_255 : vector<16xi32>
      %parallel_loop3A_257 = arith.constant 127 : i32
      %parallel_loop3A_258 = vector.broadcast %parallel_loop3A_257 : i32 to vector<16xi32>
      %parallel_loop3A_259 = arith.andi %parallel_loop3A_256, %parallel_loop3A_258 : vector<16xi32>
      tpu.vector_store_idx %arg6[%parallel_loop3A_253, %parallel_loop3A_259], %broadcast_in_dim3A_1 : memref<128x128xi32, #tpu.memory_space<vmem>>[vector<16xi32>, vector<16xi32>], vector<16xi32>,
    } {sc.loop_unroll_factor = 8 : i64, sc.parallel_access}
    %run_scoped3A_113 = arith.constant 0 : i32
    "tpu.region"() ({
      %run_scoped3A_243 = tpu.sem_alloc : memref<!tpu.dma_semaphore, #tpu.memory_space<semaphore_mem>>
      %dma_start3A_244 = arith.constant 0 : i32
      %dma_start3A_245 = tpu.memref_slice %arg4[%run_scoped3A_113, %dma_start3A_244] : memref<1x6400xi32, #tpu.memory_space<vmem>> -> memref<1x6400xi32, #tpu.memory_space<vmem>>
      %dma_start3A_246 = tpu.memref_squeeze %dma_start3A_245 : memref<1x6400xi32, #tpu.memory_space<vmem>> -> memref<6400xi32, #tpu.memory_space<vmem>>
      %dma_start3A_247 = arith.constant 0 : i32
      %dma_start3A_248 = tpu.memref_slice %arg2[%add3A_82, %dma_start3A_247] : memref<128x6400xi32, #tpu.memory_space<hbm>> -> memref<1x6400xi32, #tpu.memory_space<hbm>>
      %dma_start3A_249 = tpu.memref_squeeze %dma_start3A_248 : memref<1x6400xi32, #tpu.memory_space<hbm>> -> memref<6400xi32, #tpu.memory_space<hbm>>
      %dma_start3A_250 = arith.constant 0 : i32
      %dma_start3A_251 = tpu.memref_slice %arg4[%run_scoped3A_113, %dma_start3A_250] : memref<1x6400xi32, #tpu.memory_space<vmem>> -> memref<1x6400xi32, #tpu.memory_space<vmem>>
      %dma_start3A_252 = tpu.memref_squeeze %dma_start3A_251 : memref<1x6400xi32, #tpu.memory_space<vmem>> -> memref<6400xi32, #tpu.memory_space<vmem>>
      %dma_start3A_253 = arith.constant 0 : i32
      %dma_start3A_254 = tpu.memref_slice %arg2[%add3A_82, %dma_start3A_253] : memref<128x6400xi32, #tpu.memory_space<hbm>> -> memref<1x6400xi32, #tpu.memory_space<hbm>>
      %dma_start3A_255 = tpu.memref_squeeze %dma_start3A_254 : memref<1x6400xi32, #tpu.memory_space<hbm>> -> memref<6400xi32, #tpu.memory_space<hbm>>
      tpu.enqueue_dma source(%dma_start3A_255 : memref<6400xi32, #tpu.memory_space<hbm>>) target(%dma_start3A_252 : memref<6400xi32, #tpu.memory_space<vmem>>) target_semaphore(%run_scoped3A_243 : memref<!tpu.dma_semaphore, #tpu.memory_space<semaphore_mem>>)
      %dma_wait3A_256 = arith.constant 0 : i32
      %dma_wait3A_257 = tpu.memref_slice %arg4[%run_scoped3A_113, %dma_wait3A_256] : memref<1x6400xi32, #tpu.memory_space<vmem>> -> memref<1x6400xi32, #tpu.memory_space<vmem>>
      %dma_wait3A_258 = tpu.memref_squeeze %dma_wait3A_257 : memref<1x6400xi32, #tpu.memory_space<vmem>> -> memref<6400xi32, #tpu.memory_space<vmem>>
      %dma_wait3A_259 = arith.constant 0 : i32
      %dma_wait3A_260 = tpu.memref_slice %arg2[%add3A_82, %dma_wait3A_259] : memref<128x6400xi32, #tpu.memory_space<hbm>> -> memref<1x6400xi32, #tpu.memory_space<hbm>>
      %dma_wait3A_261 = tpu.memref_squeeze %dma_wait3A_260 : memref<1x6400xi32, #tpu.memory_space<hbm>> -> memref<6400xi32, #tpu.memory_space<hbm>>
      %dma_wait3A_262 = arith.constant 0 : i32
      %dma_wait3A_263 = tpu.memref_slice %arg4[%run_scoped3A_113, %dma_wait3A_262] : memref<1x6400xi32, #tpu.memory_space<vmem>> -> memref<1x6400xi32, #tpu.memory_space<vmem>>
      %dma_wait3A_264 = tpu.memref_squeeze %dma_wait3A_263 : memref<1x6400xi32, #tpu.memory_space<vmem>> -> memref<6400xi32, #tpu.memory_space<vmem>>
      %dma_wait3A_265 = arith.constant 0 : i32
      %dma_wait3A_266 = tpu.memref_slice %arg2[%add3A_82, %dma_wait3A_265] : memref<128x6400xi32, #tpu.memory_space<hbm>> -> memref<1x6400xi32, #tpu.memory_space<hbm>>
      %dma_wait3A_267 = tpu.memref_squeeze %dma_wait3A_266 : memref<1x6400xi32, #tpu.memory_space<hbm>> -> memref<6400xi32, #tpu.memory_space<hbm>>
      tpu.wait_dma2 semaphore(%run_scoped3A_243 : memref<!tpu.dma_semaphore, #tpu.memory_space<semaphore_mem>>) src(%dma_wait3A_267 : memref<6400xi32, #tpu.memory_space<hbm>>) dst(%dma_wait3A_264 : memref<6400xi32, #tpu.memory_space<vmem>>)
      tpu.yield
    }) : () -> ()
    %add3A_114 = arith.constant 0 : i32
    %add3A_115 = vector.broadcast %add3A_114 : i32 to vector<16xi32>
    %add3A_116 = arith.addi %add3A_115, %iota3A : vector<16xi32>
    %mul3A_117 = arith.constant 200 : i32
    %mul3A_118 = vector.broadcast %mul3A_117 : i32 to vector<16xi32>
    %mul3A_119 = arith.muli %add3A_116, %mul3A_118 : vector<16xi32>
    %parallel_loop3A_120 = arith.constant 0 : i32
    %parallel_loop3A_121 = arith.constant 200 : i32
    %parallel_loop3A_122 = arith.constant 1 : i32
    scf.for %parallel_loop3A_243 = %parallel_loop3A_120 to %parallel_loop3A_121 step %parallel_loop3A_122  : i32 {
      %parallel_loop3A_244 = vector.broadcast %parallel_loop3A_243 : i32 to vector<16xi32>
      %parallel_loop3A_245 = arith.addi %mul3A_119, %parallel_loop3A_244 : vector<16xi32>
      %parallel_loop3A_246 = tpu.vector_load_idx %arg4[%broadcast_in_dim3A_3, %parallel_loop3A_245] : memref<1x6400xi32, #tpu.memory_space<vmem>>[vector<16xi32>, vector<16xi32>], vector<16xi32>,
      %parallel_loop3A_247 = arith.constant 8 : i32
      %parallel_loop3A_248 = vector.broadcast %parallel_loop3A_247 : i32 to vector<16xi32>
      %parallel_loop3A_249 = arith.shrsi %parallel_loop3A_246, %parallel_loop3A_248 : vector<16xi32>
      %parallel_loop3A_250 = arith.constant 5 : i32
      %parallel_loop3A_251 = vector.broadcast %parallel_loop3A_250 : i32 to vector<16xi32>
      %parallel_loop3A_252 = arith.shli %parallel_loop3A_249, %parallel_loop3A_251 : vector<16xi32>
      %parallel_loop3A_253 = arith.addi %parallel_loop3A_252, %add3A_116 : vector<16xi32>
      %parallel_loop3A_254 = arith.constant 1 : i32
      %parallel_loop3A_255 = vector.broadcast %parallel_loop3A_254 : i32 to vector<16xi32>
      %parallel_loop3A_256 = arith.shrsi %parallel_loop3A_246, %parallel_loop3A_255 : vector<16xi32>
      %parallel_loop3A_257 = arith.constant 127 : i32
      %parallel_loop3A_258 = vector.broadcast %parallel_loop3A_257 : i32 to vector<16xi32>
      %parallel_loop3A_259 = arith.andi %parallel_loop3A_256, %parallel_loop3A_258 : vector<16xi32>
      %parallel_loop3A_260 = arith.constant 1 : i32
      %parallel_loop3A_261 = vector.broadcast %parallel_loop3A_260 : i32 to vector<16xi32>
      %parallel_loop3A_262 = arith.andi %parallel_loop3A_246, %parallel_loop3A_261 : vector<16xi32>
      %parallel_loop3A_263 = arith.constant 4 : i32
      %parallel_loop3A_264 = vector.broadcast %parallel_loop3A_263 : i32 to vector<16xi32>
      %parallel_loop3A_265 = arith.shli %parallel_loop3A_262, %parallel_loop3A_264 : vector<16xi32>
      %parallel_loop3A_266 = arith.shli %broadcast_in_dim3A_5, %parallel_loop3A_265 : vector<16xi32>
      tpu.vector_store_idx %arg6[%parallel_loop3A_253, %parallel_loop3A_259], %parallel_loop3A_266 {add = true} : memref<128x128xi32, #tpu.memory_space<vmem>>[vector<16xi32>, vector<16xi32>], vector<16xi32>,
    } {sc.loop_unroll_factor = 8 : i64, sc.parallel_access}
    %add3A_123 = arith.constant 16 : i32
    %add3A_124 = vector.broadcast %add3A_123 : i32 to vector<16xi32>
    %add3A_125 = arith.addi %add3A_124, %iota3A : vector<16xi32>
    %mul3A_126 = arith.constant 200 : i32
    %mul3A_127 = vector.broadcast %mul3A_126 : i32 to vector<16xi32>
    %mul3A_128 = arith.muli %add3A_125, %mul3A_127 : vector<16xi32>
    %parallel_loop3A_129 = arith.constant 0 : i32
    %parallel_loop3A_130 = arith.constant 200 : i32
    %parallel_loop3A_131 = arith.constant 1 : i32
    scf.for %parallel_loop3A_243 = %parallel_loop3A_129 to %parallel_loop3A_130 step %parallel_loop3A_131  : i32 {
      %parallel_loop3A_244 = vector.broadcast %parallel_loop3A_243 : i32 to vector<16xi32>
      %parallel_loop3A_245 = arith.addi %mul3A_128, %parallel_loop3A_244 : vector<16xi32>
      %parallel_loop3A_246 = tpu.vector_load_idx %arg4[%broadcast_in_dim3A_3, %parallel_loop3A_245] : memref<1x6400xi32, #tpu.memory_space<vmem>>[vector<16xi32>, vector<16xi32>], vector<16xi32>,
      %parallel_loop3A_247 = arith.constant 8 : i32
      %parallel_loop3A_248 = vector.broadcast %parallel_loop3A_247 : i32 to vector<16xi32>
      %parallel_loop3A_249 = arith.shrsi %parallel_loop3A_246, %parallel_loop3A_248 : vector<16xi32>
      %parallel_loop3A_250 = arith.constant 5 : i32
      %parallel_loop3A_251 = vector.broadcast %parallel_loop3A_250 : i32 to vector<16xi32>
      %parallel_loop3A_252 = arith.shli %parallel_loop3A_249, %parallel_loop3A_251 : vector<16xi32>
      %parallel_loop3A_253 = arith.addi %parallel_loop3A_252, %add3A_125 : vector<16xi32>
      %parallel_loop3A_254 = arith.constant 1 : i32
      %parallel_loop3A_255 = vector.broadcast %parallel_loop3A_254 : i32 to vector<16xi32>
      %parallel_loop3A_256 = arith.shrsi %parallel_loop3A_246, %parallel_loop3A_255 : vector<16xi32>
      %parallel_loop3A_257 = arith.constant 127 : i32
      %parallel_loop3A_258 = vector.broadcast %parallel_loop3A_257 : i32 to vector<16xi32>
      %parallel_loop3A_259 = arith.andi %parallel_loop3A_256, %parallel_loop3A_258 : vector<16xi32>
      %parallel_loop3A_260 = arith.constant 1 : i32
      %parallel_loop3A_261 = vector.broadcast %parallel_loop3A_260 : i32 to vector<16xi32>
      %parallel_loop3A_262 = arith.andi %parallel_loop3A_246, %parallel_loop3A_261 : vector<16xi32>
      %parallel_loop3A_263 = arith.constant 4 : i32
      %parallel_loop3A_264 = vector.broadcast %parallel_loop3A_263 : i32 to vector<16xi32>
      %parallel_loop3A_265 = arith.shli %parallel_loop3A_262, %parallel_loop3A_264 : vector<16xi32>
      %parallel_loop3A_266 = arith.shli %broadcast_in_dim3A_5, %parallel_loop3A_265 : vector<16xi32>
      tpu.vector_store_idx %arg6[%parallel_loop3A_253, %parallel_loop3A_259], %parallel_loop3A_266 {add = true} : memref<128x128xi32, #tpu.memory_space<vmem>>[vector<16xi32>, vector<16xi32>], vector<16xi32>,
    } {sc.loop_unroll_factor = 8 : i64, sc.parallel_access}
    %dma_start3A_132 = tpu.memref_reshape %arg6 : memref<128x128xi32, #tpu.memory_space<vmem>> -> memref<4x32x128xi32, #tpu.memory_space<vmem>>
    %dma_start3A_133 = arith.constant 0 : i32
    %dma_start3A_134 = arith.constant 0 : i32
    %dma_start3A_135 = arith.constant 0 : i32
    %dma_start3A_136 = tpu.memref_slice %arg3[%add3A_82, %dma_start3A_133, %dma_start3A_134, %dma_start3A_135] : memref<128x4x32x128xi32, #tpu.memory_space<hbm>> -> memref<1x4x32x128xi32, #tpu.memory_space<hbm>>
    %dma_start3A_137 = tpu.memref_squeeze %dma_start3A_136 : memref<1x4x32x128xi32, #tpu.memory_space<hbm>> -> memref<4x32x128xi32, #tpu.memory_space<hbm>>
    %dma_start3A_138 = arith.constant 0 : i32
    %dma_start3A_139 = arith.constant 0 : i32
    %dma_start3A_140 = arith.constant 0 : i32
    %dma_start3A_141 = tpu.memref_slice %arg3[%add3A_82, %dma_start3A_138, %dma_start3A_139, %dma_start3A_140] : memref<128x4x32x128xi32, #tpu.memory_space<hbm>> -> memref<1x4x32x128xi32, #tpu.memory_space<hbm>>
    %dma_start3A_142 = tpu.memref_squeeze %dma_start3A_141 : memref<1x4x32x128xi32, #tpu.memory_space<hbm>> -> memref<4x32x128xi32, #tpu.memory_space<hbm>>
    %dma_start3A_143 = tpu.memref_reshape %arg6 : memref<128x128xi32, #tpu.memory_space<vmem>> -> memref<4x32x128xi32, #tpu.memory_space<vmem>>
    tpu.enqueue_dma source(%dma_start3A_143 : memref<4x32x128xi32, #tpu.memory_space<vmem>>) target(%dma_start3A_142 : memref<4x32x128xi32, #tpu.memory_space<hbm>>) target_semaphore(%arg8 : memref<!tpu.dma_semaphore, #tpu.memory_space<semaphore_mem>>)
    %mul3A_144 = arith.constant 4 : i32
    %mul3A_145 = arith.muli %add3A, %mul3A_144 : i32
    %add3A_146 = arith.constant 3 : i32
    %add3A_147 = arith.addi %mul3A_145, %add3A_146 : i32
    %sub3A_148 = arith.constant 2 : i32
    %sub3A_149 = arith.subi %add3A_147, %sub3A_148 : i32
    %dma_wait3A_150 = tpu.memref_reshape %arg7 : memref<128x128xi32, #tpu.memory_space<vmem>> -> memref<4x32x128xi32, #tpu.memory_space<vmem>>
    %dma_wait3A_151 = arith.constant 0 : i32
    %dma_wait3A_152 = arith.constant 0 : i32
    %dma_wait3A_153 = arith.constant 0 : i32
    %dma_wait3A_154 = tpu.memref_slice %arg3[%sub3A_149, %dma_wait3A_151, %dma_wait3A_152, %dma_wait3A_153] : memref<128x4x32x128xi32, #tpu.memory_space<hbm>> -> memref<1x4x32x128xi32, #tpu.memory_space<hbm>>
    %dma_wait3A_155 = tpu.memref_squeeze %dma_wait3A_154 : memref<1x4x32x128xi32, #tpu.memory_space<hbm>> -> memref<4x32x128xi32, #tpu.memory_space<hbm>>
    %dma_wait3A_156 = arith.constant 0 : i32
    %dma_wait3A_157 = arith.constant 0 : i32
    %dma_wait3A_158 = arith.constant 0 : i32
    %dma_wait3A_159 = tpu.memref_slice %arg3[%sub3A_149, %dma_wait3A_156, %dma_wait3A_157, %dma_wait3A_158] : memref<128x4x32x128xi32, #tpu.memory_space<hbm>> -> memref<1x4x32x128xi32, #tpu.memory_space<hbm>>
    %dma_wait3A_160 = tpu.memref_squeeze %dma_wait3A_159 : memref<1x4x32x128xi32, #tpu.memory_space<hbm>> -> memref<4x32x128xi32, #tpu.memory_space<hbm>>
    %dma_wait3A_161 = tpu.memref_reshape %arg7 : memref<128x128xi32, #tpu.memory_space<vmem>> -> memref<4x32x128xi32, #tpu.memory_space<vmem>>
    tpu.wait_dma2 semaphore(%arg9 : memref<!tpu.dma_semaphore, #tpu.memory_space<semaphore_mem>>) src(%dma_wait3A_161 : memref<4x32x128xi32, #tpu.memory_space<vmem>>) dst(%dma_wait3A_160 : memref<4x32x128xi32, #tpu.memory_space<hbm>>)
    %add3A_162 = arith.constant 0 : i32
    %add3A_163 = vector.broadcast %add3A_162 : i32 to vector<16xi32>
    %add3A_164 = arith.addi %add3A_163, %iota3A : vector<16xi32>
    %mul3A_165 = arith.constant 200 : i32
    %mul3A_166 = vector.broadcast %mul3A_165 : i32 to vector<16xi32>
    %mul3A_167 = arith.muli %add3A_164, %mul3A_166 : vector<16xi32>
    %parallel_loop3A_168 = arith.constant 0 : i32
    %parallel_loop3A_169 = arith.constant 200 : i32
    %parallel_loop3A_170 = arith.constant 1 : i32
    scf.for %parallel_loop3A_243 = %parallel_loop3A_168 to %parallel_loop3A_169 step %parallel_loop3A_170  : i32 {
      %parallel_loop3A_244 = vector.broadcast %parallel_loop3A_243 : i32 to vector<16xi32>
      %parallel_loop3A_245 = arith.addi %mul3A_167, %parallel_loop3A_244 : vector<16xi32>
      %parallel_loop3A_246 = tpu.vector_load_idx %arg5[%broadcast_in_dim3A_3, %parallel_loop3A_245] : memref<1x6400xi32, #tpu.memory_space<vmem>>[vector<16xi32>, vector<16xi32>], vector<16xi32>,
      %parallel_loop3A_247 = arith.constant 8 : i32
      %parallel_loop3A_248 = vector.broadcast %parallel_loop3A_247 : i32 to vector<16xi32>
      %parallel_loop3A_249 = arith.shrsi %parallel_loop3A_246, %parallel_loop3A_248 : vector<16xi32>
      %parallel_loop3A_250 = arith.constant 5 : i32
      %parallel_loop3A_251 = vector.broadcast %parallel_loop3A_250 : i32 to vector<16xi32>
      %parallel_loop3A_252 = arith.shli %parallel_loop3A_249, %parallel_loop3A_251 : vector<16xi32>
      %parallel_loop3A_253 = arith.addi %parallel_loop3A_252, %add3A_164 : vector<16xi32>
      %parallel_loop3A_254 = arith.constant 1 : i32
      %parallel_loop3A_255 = vector.broadcast %parallel_loop3A_254 : i32 to vector<16xi32>
      %parallel_loop3A_256 = arith.shrsi %parallel_loop3A_246, %parallel_loop3A_255 : vector<16xi32>
      %parallel_loop3A_257 = arith.constant 127 : i32
      %parallel_loop3A_258 = vector.broadcast %parallel_loop3A_257 : i32 to vector<16xi32>
      %parallel_loop3A_259 = arith.andi %parallel_loop3A_256, %parallel_loop3A_258 : vector<16xi32>
      tpu.vector_store_idx %arg7[%parallel_loop3A_253, %parallel_loop3A_259], %broadcast_in_dim3A_1 : memref<128x128xi32, #tpu.memory_space<vmem>>[vector<16xi32>, vector<16xi32>], vector<16xi32>,
    } {sc.loop_unroll_factor = 8 : i64, sc.parallel_access}
    %add3A_171 = arith.constant 16 : i32
    %add3A_172 = vector.broadcast %add3A_171 : i32 to vector<16xi32>
    %add3A_173 = arith.addi %add3A_172, %iota3A : vector<16xi32>
    %mul3A_174 = arith.constant 200 : i32
    %mul3A_175 = vector.broadcast %mul3A_174 : i32 to vector<16xi32>
    %mul3A_176 = arith.muli %add3A_173, %mul3A_175 : vector<16xi32>
    %parallel_loop3A_177 = arith.constant 0 : i32
    %parallel_loop3A_178 = arith.constant 200 : i32
    %parallel_loop3A_179 = arith.constant 1 : i32
    scf.for %parallel_loop3A_243 = %parallel_loop3A_177 to %parallel_loop3A_178 step %parallel_loop3A_179  : i32 {
      %parallel_loop3A_244 = vector.broadcast %parallel_loop3A_243 : i32 to vector<16xi32>
      %parallel_loop3A_245 = arith.addi %mul3A_176, %parallel_loop3A_244 : vector<16xi32>
      %parallel_loop3A_246 = tpu.vector_load_idx %arg5[%broadcast_in_dim3A_3, %parallel_loop3A_245] : memref<1x6400xi32, #tpu.memory_space<vmem>>[vector<16xi32>, vector<16xi32>], vector<16xi32>,
      %parallel_loop3A_247 = arith.constant 8 : i32
      %parallel_loop3A_248 = vector.broadcast %parallel_loop3A_247 : i32 to vector<16xi32>
      %parallel_loop3A_249 = arith.shrsi %parallel_loop3A_246, %parallel_loop3A_248 : vector<16xi32>
      %parallel_loop3A_250 = arith.constant 5 : i32
      %parallel_loop3A_251 = vector.broadcast %parallel_loop3A_250 : i32 to vector<16xi32>
      %parallel_loop3A_252 = arith.shli %parallel_loop3A_249, %parallel_loop3A_251 : vector<16xi32>
      %parallel_loop3A_253 = arith.addi %parallel_loop3A_252, %add3A_173 : vector<16xi32>
      %parallel_loop3A_254 = arith.constant 1 : i32
      %parallel_loop3A_255 = vector.broadcast %parallel_loop3A_254 : i32 to vector<16xi32>
      %parallel_loop3A_256 = arith.shrsi %parallel_loop3A_246, %parallel_loop3A_255 : vector<16xi32>
      %parallel_loop3A_257 = arith.constant 127 : i32
      %parallel_loop3A_258 = vector.broadcast %parallel_loop3A_257 : i32 to vector<16xi32>
      %parallel_loop3A_259 = arith.andi %parallel_loop3A_256, %parallel_loop3A_258 : vector<16xi32>
      tpu.vector_store_idx %arg7[%parallel_loop3A_253, %parallel_loop3A_259], %broadcast_in_dim3A_1 : memref<128x128xi32, #tpu.memory_space<vmem>>[vector<16xi32>, vector<16xi32>], vector<16xi32>,
    } {sc.loop_unroll_factor = 8 : i64, sc.parallel_access}
    %run_scoped3A_180 = arith.constant 0 : i32
    "tpu.region"() ({
      %run_scoped3A_243 = tpu.sem_alloc : memref<!tpu.dma_semaphore, #tpu.memory_space<semaphore_mem>>
      %dma_start3A_244 = arith.constant 0 : i32
      %dma_start3A_245 = tpu.memref_slice %arg5[%run_scoped3A_180, %dma_start3A_244] : memref<1x6400xi32, #tpu.memory_space<vmem>> -> memref<1x6400xi32, #tpu.memory_space<vmem>>
      %dma_start3A_246 = tpu.memref_squeeze %dma_start3A_245 : memref<1x6400xi32, #tpu.memory_space<vmem>> -> memref<6400xi32, #tpu.memory_space<vmem>>
      %dma_start3A_247 = arith.constant 0 : i32
      %dma_start3A_248 = tpu.memref_slice %arg2[%add3A_147, %dma_start3A_247] : memref<128x6400xi32, #tpu.memory_space<hbm>> -> memref<1x6400xi32, #tpu.memory_space<hbm>>
      %dma_start3A_249 = tpu.memref_squeeze %dma_start3A_248 : memref<1x6400xi32, #tpu.memory_space<hbm>> -> memref<6400xi32, #tpu.memory_space<hbm>>
      %dma_start3A_250 = arith.constant 0 : i32
      %dma_start3A_251 = tpu.memref_slice %arg5[%run_scoped3A_180, %dma_start3A_250] : memref<1x6400xi32, #tpu.memory_space<vmem>> -> memref<1x6400xi32, #tpu.memory_space<vmem>>
      %dma_start3A_252 = tpu.memref_squeeze %dma_start3A_251 : memref<1x6400xi32, #tpu.memory_space<vmem>> -> memref<6400xi32, #tpu.memory_space<vmem>>
      %dma_start3A_253 = arith.constant 0 : i32
      %dma_start3A_254 = tpu.memref_slice %arg2[%add3A_147, %dma_start3A_253] : memref<128x6400xi32, #tpu.memory_space<hbm>> -> memref<1x6400xi32, #tpu.memory_space<hbm>>
      %dma_start3A_255 = tpu.memref_squeeze %dma_start3A_254 : memref<1x6400xi32, #tpu.memory_space<hbm>> -> memref<6400xi32, #tpu.memory_space<hbm>>
      tpu.enqueue_dma source(%dma_start3A_255 : memref<6400xi32, #tpu.memory_space<hbm>>) target(%dma_start3A_252 : memref<6400xi32, #tpu.memory_space<vmem>>) target_semaphore(%run_scoped3A_243 : memref<!tpu.dma_semaphore, #tpu.memory_space<semaphore_mem>>)
      %dma_wait3A_256 = arith.constant 0 : i32
      %dma_wait3A_257 = tpu.memref_slice %arg5[%run_scoped3A_180, %dma_wait3A_256] : memref<1x6400xi32, #tpu.memory_space<vmem>> -> memref<1x6400xi32, #tpu.memory_space<vmem>>
      %dma_wait3A_258 = tpu.memref_squeeze %dma_wait3A_257 : memref<1x6400xi32, #tpu.memory_space<vmem>> -> memref<6400xi32, #tpu.memory_space<vmem>>
      %dma_wait3A_259 = arith.constant 0 : i32
      %dma_wait3A_260 = tpu.memref_slice %arg2[%add3A_147, %dma_wait3A_259] : memref<128x6400xi32, #tpu.memory_space<hbm>> -> memref<1x6400xi32, #tpu.memory_space<hbm>>
      %dma_wait3A_261 = tpu.memref_squeeze %dma_wait3A_260 : memref<1x6400xi32, #tpu.memory_space<hbm>> -> memref<6400xi32, #tpu.memory_space<hbm>>
      %dma_wait3A_262 = arith.constant 0 : i32
      %dma_wait3A_263 = tpu.memref_slice %arg5[%run_scoped3A_180, %dma_wait3A_262] : memref<1x6400xi32, #tpu.memory_space<vmem>> -> memref<1x6400xi32, #tpu.memory_space<vmem>>
      %dma_wait3A_264 = tpu.memref_squeeze %dma_wait3A_263 : memref<1x6400xi32, #tpu.memory_space<vmem>> -> memref<6400xi32, #tpu.memory_space<vmem>>
      %dma_wait3A_265 = arith.constant 0 : i32
      %dma_wait3A_266 = tpu.memref_slice %arg2[%add3A_147, %dma_wait3A_265] : memref<128x6400xi32, #tpu.memory_space<hbm>> -> memref<1x6400xi32, #tpu.memory_space<hbm>>
      %dma_wait3A_267 = tpu.memref_squeeze %dma_wait3A_266 : memref<1x6400xi32, #tpu.memory_space<hbm>> -> memref<6400xi32, #tpu.memory_space<hbm>>
      tpu.wait_dma2 semaphore(%run_scoped3A_243 : memref<!tpu.dma_semaphore, #tpu.memory_space<semaphore_mem>>) src(%dma_wait3A_267 : memref<6400xi32, #tpu.memory_space<hbm>>) dst(%dma_wait3A_264 : memref<6400xi32, #tpu.memory_space<vmem>>)
      tpu.yield
    }) : () -> ()
    %add3A_181 = arith.constant 0 : i32
    %add3A_182 = vector.broadcast %add3A_181 : i32 to vector<16xi32>
    %add3A_183 = arith.addi %add3A_182, %iota3A : vector<16xi32>
    %mul3A_184 = arith.constant 200 : i32
    %mul3A_185 = vector.broadcast %mul3A_184 : i32 to vector<16xi32>
    %mul3A_186 = arith.muli %add3A_183, %mul3A_185 : vector<16xi32>
    %parallel_loop3A_187 = arith.constant 0 : i32
    %parallel_loop3A_188 = arith.constant 200 : i32
    %parallel_loop3A_189 = arith.constant 1 : i32
    scf.for %parallel_loop3A_243 = %parallel_loop3A_187 to %parallel_loop3A_188 step %parallel_loop3A_189  : i32 {
      %parallel_loop3A_244 = vector.broadcast %parallel_loop3A_243 : i32 to vector<16xi32>
      %parallel_loop3A_245 = arith.addi %mul3A_186, %parallel_loop3A_244 : vector<16xi32>
      %parallel_loop3A_246 = tpu.vector_load_idx %arg5[%broadcast_in_dim3A_3, %parallel_loop3A_245] : memref<1x6400xi32, #tpu.memory_space<vmem>>[vector<16xi32>, vector<16xi32>], vector<16xi32>,
      %parallel_loop3A_247 = arith.constant 8 : i32
      %parallel_loop3A_248 = vector.broadcast %parallel_loop3A_247 : i32 to vector<16xi32>
      %parallel_loop3A_249 = arith.shrsi %parallel_loop3A_246, %parallel_loop3A_248 : vector<16xi32>
      %parallel_loop3A_250 = arith.constant 5 : i32
      %parallel_loop3A_251 = vector.broadcast %parallel_loop3A_250 : i32 to vector<16xi32>
      %parallel_loop3A_252 = arith.shli %parallel_loop3A_249, %parallel_loop3A_251 : vector<16xi32>
      %parallel_loop3A_253 = arith.addi %parallel_loop3A_252, %add3A_183 : vector<16xi32>
      %parallel_loop3A_254 = arith.constant 1 : i32
      %parallel_loop3A_255 = vector.broadcast %parallel_loop3A_254 : i32 to vector<16xi32>
      %parallel_loop3A_256 = arith.shrsi %parallel_loop3A_246, %parallel_loop3A_255 : vector<16xi32>
      %parallel_loop3A_257 = arith.constant 127 : i32
      %parallel_loop3A_258 = vector.broadcast %parallel_loop3A_257 : i32 to vector<16xi32>
      %parallel_loop3A_259 = arith.andi %parallel_loop3A_256, %parallel_loop3A_258 : vector<16xi32>
      %parallel_loop3A_260 = arith.constant 1 : i32
      %parallel_loop3A_261 = vector.broadcast %parallel_loop3A_260 : i32 to vector<16xi32>
      %parallel_loop3A_262 = arith.andi %parallel_loop3A_246, %parallel_loop3A_261 : vector<16xi32>
      %parallel_loop3A_263 = arith.constant 4 : i32
      %parallel_loop3A_264 = vector.broadcast %parallel_loop3A_263 : i32 to vector<16xi32>
      %parallel_loop3A_265 = arith.shli %parallel_loop3A_262, %parallel_loop3A_264 : vector<16xi32>
      %parallel_loop3A_266 = arith.shli %broadcast_in_dim3A_5, %parallel_loop3A_265 : vector<16xi32>
      tpu.vector_store_idx %arg7[%parallel_loop3A_253, %parallel_loop3A_259], %parallel_loop3A_266 {add = true} : memref<128x128xi32, #tpu.memory_space<vmem>>[vector<16xi32>, vector<16xi32>], vector<16xi32>,
    } {sc.loop_unroll_factor = 8 : i64, sc.parallel_access}
    %add3A_190 = arith.constant 16 : i32
    %add3A_191 = vector.broadcast %add3A_190 : i32 to vector<16xi32>
    %add3A_192 = arith.addi %add3A_191, %iota3A : vector<16xi32>
    %mul3A_193 = arith.constant 200 : i32
    %mul3A_194 = vector.broadcast %mul3A_193 : i32 to vector<16xi32>
    %mul3A_195 = arith.muli %add3A_192, %mul3A_194 : vector<16xi32>
    %parallel_loop3A_196 = arith.constant 0 : i32
    %parallel_loop3A_197 = arith.constant 200 : i32
    %parallel_loop3A_198 = arith.constant 1 : i32
    scf.for %parallel_loop3A_243 = %parallel_loop3A_196 to %parallel_loop3A_197 step %parallel_loop3A_198  : i32 {
      %parallel_loop3A_244 = vector.broadcast %parallel_loop3A_243 : i32 to vector<16xi32>
      %parallel_loop3A_245 = arith.addi %mul3A_195, %parallel_loop3A_244 : vector<16xi32>
      %parallel_loop3A_246 = tpu.vector_load_idx %arg5[%broadcast_in_dim3A_3, %parallel_loop3A_245] : memref<1x6400xi32, #tpu.memory_space<vmem>>[vector<16xi32>, vector<16xi32>], vector<16xi32>,
      %parallel_loop3A_247 = arith.constant 8 : i32
      %parallel_loop3A_248 = vector.broadcast %parallel_loop3A_247 : i32 to vector<16xi32>
      %parallel_loop3A_249 = arith.shrsi %parallel_loop3A_246, %parallel_loop3A_248 : vector<16xi32>
      %parallel_loop3A_250 = arith.constant 5 : i32
      %parallel_loop3A_251 = vector.broadcast %parallel_loop3A_250 : i32 to vector<16xi32>
      %parallel_loop3A_252 = arith.shli %parallel_loop3A_249, %parallel_loop3A_251 : vector<16xi32>
      %parallel_loop3A_253 = arith.addi %parallel_loop3A_252, %add3A_192 : vector<16xi32>
      %parallel_loop3A_254 = arith.constant 1 : i32
      %parallel_loop3A_255 = vector.broadcast %parallel_loop3A_254 : i32 to vector<16xi32>
      %parallel_loop3A_256 = arith.shrsi %parallel_loop3A_246, %parallel_loop3A_255 : vector<16xi32>
      %parallel_loop3A_257 = arith.constant 127 : i32
      %parallel_loop3A_258 = vector.broadcast %parallel_loop3A_257 : i32 to vector<16xi32>
      %parallel_loop3A_259 = arith.andi %parallel_loop3A_256, %parallel_loop3A_258 : vector<16xi32>
      %parallel_loop3A_260 = arith.constant 1 : i32
      %parallel_loop3A_261 = vector.broadcast %parallel_loop3A_260 : i32 to vector<16xi32>
      %parallel_loop3A_262 = arith.andi %parallel_loop3A_246, %parallel_loop3A_261 : vector<16xi32>
      %parallel_loop3A_263 = arith.constant 4 : i32
      %parallel_loop3A_264 = vector.broadcast %parallel_loop3A_263 : i32 to vector<16xi32>
      %parallel_loop3A_265 = arith.shli %parallel_loop3A_262, %parallel_loop3A_264 : vector<16xi32>
      %parallel_loop3A_266 = arith.shli %broadcast_in_dim3A_5, %parallel_loop3A_265 : vector<16xi32>
      tpu.vector_store_idx %arg7[%parallel_loop3A_253, %parallel_loop3A_259], %parallel_loop3A_266 {add = true} : memref<128x128xi32, #tpu.memory_space<vmem>>[vector<16xi32>, vector<16xi32>], vector<16xi32>,
    } {sc.loop_unroll_factor = 8 : i64, sc.parallel_access}
    %dma_start3A_199 = tpu.memref_reshape %arg7 : memref<128x128xi32, #tpu.memory_space<vmem>> -> memref<4x32x128xi32, #tpu.memory_space<vmem>>
    %dma_start3A_200 = arith.constant 0 : i32
    %dma_start3A_201 = arith.constant 0 : i32
    %dma_start3A_202 = arith.constant 0 : i32
    %dma_start3A_203 = tpu.memref_slice %arg3[%add3A_147, %dma_start3A_200, %dma_start3A_201, %dma_start3A_202] : memref<128x4x32x128xi32, #tpu.memory_space<hbm>> -> memref<1x4x32x128xi32, #tpu.memory_space<hbm>>
    %dma_start3A_204 = tpu.memref_squeeze %dma_start3A_203 : memref<1x4x32x128xi32, #tpu.memory_space<hbm>> -> memref<4x32x128xi32, #tpu.memory_space<hbm>>
    %dma_start3A_205 = arith.constant 0 : i32
    %dma_start3A_206 = arith.constant 0 : i32
    %dma_start3A_207 = arith.constant 0 : i32
    %dma_start3A_208 = tpu.memref_slice %arg3[%add3A_147, %dma_start3A_205, %dma_start3A_206, %dma_start3A_207] : memref<128x4x32x128xi32, #tpu.memory_space<hbm>> -> memref<1x4x32x128xi32, #tpu.memory_space<hbm>>
    %dma_start3A_209 = tpu.memref_squeeze %dma_start3A_208 : memref<1x4x32x128xi32, #tpu.memory_space<hbm>> -> memref<4x32x128xi32, #tpu.memory_space<hbm>>
    %dma_start3A_210 = tpu.memref_reshape %arg7 : memref<128x128xi32, #tpu.memory_space<vmem>> -> memref<4x32x128xi32, #tpu.memory_space<vmem>>
    tpu.enqueue_dma source(%dma_start3A_210 : memref<4x32x128xi32, #tpu.memory_space<vmem>>) target(%dma_start3A_209 : memref<4x32x128xi32, #tpu.memory_space<hbm>>) target_semaphore(%arg9 : memref<!tpu.dma_semaphore, #tpu.memory_space<semaphore_mem>>)
    %mul3A_211 = arith.constant 4 : i32
    %mul3A_212 = arith.muli %add3A, %mul3A_211 : i32
    %add3A_213 = arith.constant 2 : i32
    %add3A_214 = arith.addi %mul3A_212, %add3A_213 : i32
    %dma_wait3A_215 = tpu.memref_reshape %arg6 : memref<128x128xi32, #tpu.memory_space<vmem>> -> memref<4x32x128xi32, #tpu.memory_space<vmem>>
    %dma_wait3A_216 = arith.constant 0 : i32
    %dma_wait3A_217 = arith.constant 0 : i32
    %dma_wait3A_218 = arith.constant 0 : i32
    %dma_wait3A_219 = tpu.memref_slice %arg3[%add3A_214, %dma_wait3A_216, %dma_wait3A_217, %dma_wait3A_218] : memref<128x4x32x128xi32, #tpu.memory_space<hbm>> -> memref<1x4x32x128xi32, #tpu.memory_space<hbm>>
    %dma_wait3A_220 = tpu.memref_squeeze %dma_wait3A_219 : memref<1x4x32x128xi32, #tpu.memory_space<hbm>> -> memref<4x32x128xi32, #tpu.memory_space<hbm>>
    %dma_wait3A_221 = arith.constant 0 : i32
    %dma_wait3A_222 = arith.constant 0 : i32
    %dma_wait3A_223 = arith.constant 0 : i32
    %dma_wait3A_224 = tpu.memref_slice %arg3[%add3A_214, %dma_wait3A_221, %dma_wait3A_222, %dma_wait3A_223] : memref<128x4x32x128xi32, #tpu.memory_space<hbm>> -> memref<1x4x32x128xi32, #tpu.memory_space<hbm>>
    %dma_wait3A_225 = tpu.memref_squeeze %dma_wait3A_224 : memref<1x4x32x128xi32, #tpu.memory_space<hbm>> -> memref<4x32x128xi32, #tpu.memory_space<hbm>>
    %dma_wait3A_226 = tpu.memref_reshape %arg6 : memref<128x128xi32, #tpu.memory_space<vmem>> -> memref<4x32x128xi32, #tpu.memory_space<vmem>>
    tpu.wait_dma2 semaphore(%arg8 : memref<!tpu.dma_semaphore, #tpu.memory_space<semaphore_mem>>) src(%dma_wait3A_226 : memref<4x32x128xi32, #tpu.memory_space<vmem>>) dst(%dma_wait3A_225 : memref<4x32x128xi32, #tpu.memory_space<hbm>>)
    %mul3A_227 = arith.constant 4 : i32
    %mul3A_228 = arith.muli %add3A, %mul3A_227 : i32
    %add3A_229 = arith.constant 3 : i32
    %add3A_230 = arith.addi %mul3A_228, %add3A_229 : i32
    %dma_wait3A_231 = tpu.memref_reshape %arg7 : memref<128x128xi32, #tpu.memory_space<vmem>> -> memref<4x32x128xi32, #tpu.memory_space<vmem>>
    %dma_wait3A_232 = arith.constant 0 : i32
    %dma_wait3A_233 = arith.constant 0 : i32
    %dma_wait3A_234 = arith.constant 0 : i32
    %dma_wait3A_235 = tpu.memref_slice %arg3[%add3A_230, %dma_wait3A_232, %dma_wait3A_233, %dma_wait3A_234] : memref<128x4x32x128xi32, #tpu.memory_space<hbm>> -> memref<1x4x32x128xi32, #tpu.memory_space<hbm>>
    %dma_wait3A_236 = tpu.memref_squeeze %dma_wait3A_235 : memref<1x4x32x128xi32, #tpu.memory_space<hbm>> -> memref<4x32x128xi32, #tpu.memory_space<hbm>>
    %dma_wait3A_237 = arith.constant 0 : i32
    %dma_wait3A_238 = arith.constant 0 : i32
    %dma_wait3A_239 = arith.constant 0 : i32
    %dma_wait3A_240 = tpu.memref_slice %arg3[%add3A_230, %dma_wait3A_237, %dma_wait3A_238, %dma_wait3A_239] : memref<128x4x32x128xi32, #tpu.memory_space<hbm>> -> memref<1x4x32x128xi32, #tpu.memory_space<hbm>>
    %dma_wait3A_241 = tpu.memref_squeeze %dma_wait3A_240 : memref<1x4x32x128xi32, #tpu.memory_space<hbm>> -> memref<4x32x128xi32, #tpu.memory_space<hbm>>
    %dma_wait3A_242 = tpu.memref_reshape %arg7 : memref<128x128xi32, #tpu.memory_space<vmem>> -> memref<4x32x128xi32, #tpu.memory_space<vmem>>
    tpu.wait_dma2 semaphore(%arg9 : memref<!tpu.dma_semaphore, #tpu.memory_space<semaphore_mem>>) src(%dma_wait3A_242 : memref<4x32x128xi32, #tpu.memory_space<vmem>>) dst(%dma_wait3A_241 : memref<4x32x128xi32, #tpu.memory_space<hbm>>)
    return
  }
}

module attributes {stable_mosaic.version = 14 : i64} {
  func.func @_tc_body(%arg0: i32, %arg1: memref<16x4x32x128xi32, #tpu.memory_space<vmem>>, %arg2: memref<4x128x2x64xf32, #tpu.memory_space<vmem>>, %arg3: memref<100x64xf32, #tpu.memory_space<vmem>>, %arg4: memref<1x100xf32, #tpu.memory_space<vmem>>, %arg5: memref<512x100xf32, #tpu.memory_space<vmem>>) attributes {dimension_semantics = [#tpu.dimension_semantics<arbitrary>], iteration_bounds = array<i64: 8>, scalar_prefetch = 0 : i64, scratch_operands = 0 : i64, tpu.core_type = #tpu.core_type<tc>, window_params = [{transform_indices = @transform_0, window_bounds = array<i64: 16, 4, 32, 128>}, {pipeline_mode = #tpu.pipeline_mode<synchronous>, transform_indices = @transform_1, window_bounds = array<i64: 4, 128, 2, 64>}, {pipeline_mode = #tpu.pipeline_mode<synchronous>, transform_indices = @transform_2, window_bounds = array<i64: 100, 64>}, {pipeline_mode = #tpu.pipeline_mode<synchronous>, transform_indices = @transform_3, window_bounds = array<i64: 1, 100>}, {transform_indices = @transform_4, window_bounds = array<i64: 512, 100>}]} {
    %get3A = arith.constant 0 : index
    %get3A_0 = arith.constant 0 : index
    %get3A_1 = arith.constant 0 : index
    %get3A_2 = arith.constant 0 : index
    %get3A_3 = vector.load %arg1[%get3A, %get3A_0, %get3A_1, %get3A_2] : memref<16x4x32x128xi32, #tpu.memory_space<vmem>>, vector<16x4x32x128xi32>
    %slice3A = vector.extract_strided_slice %get3A_3 {offsets = [0, 0, 0, 0], sizes = [16, 1, 32, 128], strides = [1, 1, 1, 1]} : vector<16x4x32x128xi32> to vector<16x1x32x128xi32>
    %squeeze3A = vector.shape_cast %slice3A : vector<16x1x32x128xi32> to vector<16x32x128xi32>
    %reshape3A = vector.shape_cast %squeeze3A : vector<16x32x128xi32> to vector<512x128xi32>
    %and3A = arith.constant 65535 : i32
    %and3A_4 = vector.broadcast %and3A : i32 to vector<512x128xi32>
    %and3A_5 = arith.andi %reshape3A, %and3A_4 : vector<512x128xi32>
    %convert_element_type3A = arith.sitofp %and3A_5 : vector<512x128xi32> to vector<512x128xbf16>
    %shift_right_logical3A = arith.constant 16 : i32
    %shift_right_logical3A_6 = vector.broadcast %shift_right_logical3A : i32 to vector<512x128xi32>
    %shift_right_logical3A_7 = arith.shrui %reshape3A, %shift_right_logical3A_6 : vector<512x128xi32>
    %convert_element_type3A_8 = arith.sitofp %shift_right_logical3A_7 : vector<512x128xi32> to vector<512x128xbf16>
    %get3A_9 = arith.constant 0 : index
    %get3A_10 = arith.constant 0 : index
    %get3A_11 = arith.constant 0 : index
    %get3A_12 = arith.constant 0 : index
    %get3A_13 = vector.load %arg2[%get3A_9, %get3A_10, %get3A_11, %get3A_12] : memref<4x128x2x64xf32, #tpu.memory_space<vmem>>, vector<1x128x2x64xf32>
    %get3A_14 = vector.shape_cast %get3A_13 : vector<1x128x2x64xf32> to vector<128x2x64xf32>
    %slice3A_15 = vector.extract_strided_slice %get3A_14 {offsets = [0, 0, 0], sizes = [128, 1, 64], strides = [1, 1, 1]} : vector<128x2x64xf32> to vector<128x1x64xf32>
    %squeeze3A_16 = vector.shape_cast %slice3A_15 : vector<128x1x64xf32> to vector<128x64xf32>
    %convert_element_type3A_17 = arith.truncf %squeeze3A_16 : vector<128x64xf32> to vector<128x64xbf16>
    %dot_general3A = arith.constant dense<0.000000e+00> : vector<512x64xf32>
    %dot_general3A_18 = tpu.matmul %convert_element_type3A, %convert_element_type3A_17, %dot_general3A {dimension_numbers = #tpu.dot_dimension_numbers<[1], [0], [0], [1], [0, 0, 1, 1], [], []>, transpose_lhs_hint = false} : vector<512x128xbf16>, vector<128x64xbf16>, vector<512x64xf32> -> vector<512x64xf32>
    %slice3A_19 = vector.extract_strided_slice %get3A_14 {offsets = [0, 1, 0], sizes = [128, 1, 64], strides = [1, 1, 1]} : vector<128x2x64xf32> to vector<128x1x64xf32>
    %squeeze3A_20 = vector.shape_cast %slice3A_19 : vector<128x1x64xf32> to vector<128x64xf32>
    %convert_element_type3A_21 = arith.truncf %squeeze3A_20 : vector<128x64xf32> to vector<128x64xbf16>
    %dot_general3A_22 = arith.constant dense<0.000000e+00> : vector<512x64xf32>
    %dot_general3A_23 = tpu.matmul %convert_element_type3A_8, %convert_element_type3A_21, %dot_general3A_22 {dimension_numbers = #tpu.dot_dimension_numbers<[1], [0], [0], [1], [0, 0, 1, 1], [], []>, transpose_lhs_hint = false} : vector<512x128xbf16>, vector<128x64xbf16>, vector<512x64xf32> -> vector<512x64xf32>
    %add3A = arith.addf %dot_general3A_18, %dot_general3A_23 : vector<512x64xf32>
    %slice3A_24 = vector.extract_strided_slice %get3A_3 {offsets = [0, 1, 0, 0], sizes = [16, 1, 32, 128], strides = [1, 1, 1, 1]} : vector<16x4x32x128xi32> to vector<16x1x32x128xi32>
    %squeeze3A_25 = vector.shape_cast %slice3A_24 : vector<16x1x32x128xi32> to vector<16x32x128xi32>
    %reshape3A_26 = vector.shape_cast %squeeze3A_25 : vector<16x32x128xi32> to vector<512x128xi32>
    %and3A_27 = arith.constant 65535 : i32
    %and3A_28 = vector.broadcast %and3A_27 : i32 to vector<512x128xi32>
    %and3A_29 = arith.andi %reshape3A_26, %and3A_28 : vector<512x128xi32>
    %convert_element_type3A_30 = arith.sitofp %and3A_29 : vector<512x128xi32> to vector<512x128xbf16>
    %shift_right_logical3A_31 = arith.constant 16 : i32
    %shift_right_logical3A_32 = vector.broadcast %shift_right_logical3A_31 : i32 to vector<512x128xi32>
    %shift_right_logical3A_33 = arith.shrui %reshape3A_26, %shift_right_logical3A_32 : vector<512x128xi32>
    %convert_element_type3A_34 = arith.sitofp %shift_right_logical3A_33 : vector<512x128xi32> to vector<512x128xbf16>
    %get3A_35 = arith.constant 1 : index
    %get3A_36 = arith.constant 0 : index
    %get3A_37 = arith.constant 0 : index
    %get3A_38 = arith.constant 0 : index
    %get3A_39 = vector.load %arg2[%get3A_35, %get3A_36, %get3A_37, %get3A_38] : memref<4x128x2x64xf32, #tpu.memory_space<vmem>>, vector<1x128x2x64xf32>
    %get3A_40 = vector.shape_cast %get3A_39 : vector<1x128x2x64xf32> to vector<128x2x64xf32>
    %slice3A_41 = vector.extract_strided_slice %get3A_40 {offsets = [0, 0, 0], sizes = [128, 1, 64], strides = [1, 1, 1]} : vector<128x2x64xf32> to vector<128x1x64xf32>
    %squeeze3A_42 = vector.shape_cast %slice3A_41 : vector<128x1x64xf32> to vector<128x64xf32>
    %convert_element_type3A_43 = arith.truncf %squeeze3A_42 : vector<128x64xf32> to vector<128x64xbf16>
    %dot_general3A_44 = arith.constant dense<0.000000e+00> : vector<512x64xf32>
    %dot_general3A_45 = tpu.matmul %convert_element_type3A_30, %convert_element_type3A_43, %dot_general3A_44 {dimension_numbers = #tpu.dot_dimension_numbers<[1], [0], [0], [1], [0, 0, 1, 1], [], []>, transpose_lhs_hint = false} : vector<512x128xbf16>, vector<128x64xbf16>, vector<512x64xf32> -> vector<512x64xf32>
    %slice3A_46 = vector.extract_strided_slice %get3A_40 {offsets = [0, 1, 0], sizes = [128, 1, 64], strides = [1, 1, 1]} : vector<128x2x64xf32> to vector<128x1x64xf32>
    %squeeze3A_47 = vector.shape_cast %slice3A_46 : vector<128x1x64xf32> to vector<128x64xf32>
    %convert_element_type3A_48 = arith.truncf %squeeze3A_47 : vector<128x64xf32> to vector<128x64xbf16>
    %dot_general3A_49 = arith.constant dense<0.000000e+00> : vector<512x64xf32>
    %dot_general3A_50 = tpu.matmul %convert_element_type3A_34, %convert_element_type3A_48, %dot_general3A_49 {dimension_numbers = #tpu.dot_dimension_numbers<[1], [0], [0], [1], [0, 0, 1, 1], [], []>, transpose_lhs_hint = false} : vector<512x128xbf16>, vector<128x64xbf16>, vector<512x64xf32> -> vector<512x64xf32>
    %add3A_51 = arith.addf %dot_general3A_45, %dot_general3A_50 : vector<512x64xf32>
    %add3A_52 = arith.addf %add3A, %add3A_51 : vector<512x64xf32>
    %slice3A_53 = vector.extract_strided_slice %get3A_3 {offsets = [0, 2, 0, 0], sizes = [16, 1, 32, 128], strides = [1, 1, 1, 1]} : vector<16x4x32x128xi32> to vector<16x1x32x128xi32>
    %squeeze3A_54 = vector.shape_cast %slice3A_53 : vector<16x1x32x128xi32> to vector<16x32x128xi32>
    %reshape3A_55 = vector.shape_cast %squeeze3A_54 : vector<16x32x128xi32> to vector<512x128xi32>
    %and3A_56 = arith.constant 65535 : i32
    %and3A_57 = vector.broadcast %and3A_56 : i32 to vector<512x128xi32>
    %and3A_58 = arith.andi %reshape3A_55, %and3A_57 : vector<512x128xi32>
    %convert_element_type3A_59 = arith.sitofp %and3A_58 : vector<512x128xi32> to vector<512x128xbf16>
    %shift_right_logical3A_60 = arith.constant 16 : i32
    %shift_right_logical3A_61 = vector.broadcast %shift_right_logical3A_60 : i32 to vector<512x128xi32>
    %shift_right_logical3A_62 = arith.shrui %reshape3A_55, %shift_right_logical3A_61 : vector<512x128xi32>
    %convert_element_type3A_63 = arith.sitofp %shift_right_logical3A_62 : vector<512x128xi32> to vector<512x128xbf16>
    %get3A_64 = arith.constant 2 : index
    %get3A_65 = arith.constant 0 : index
    %get3A_66 = arith.constant 0 : index
    %get3A_67 = arith.constant 0 : index
    %get3A_68 = vector.load %arg2[%get3A_64, %get3A_65, %get3A_66, %get3A_67] : memref<4x128x2x64xf32, #tpu.memory_space<vmem>>, vector<1x128x2x64xf32>
    %get3A_69 = vector.shape_cast %get3A_68 : vector<1x128x2x64xf32> to vector<128x2x64xf32>
    %slice3A_70 = vector.extract_strided_slice %get3A_69 {offsets = [0, 0, 0], sizes = [128, 1, 64], strides = [1, 1, 1]} : vector<128x2x64xf32> to vector<128x1x64xf32>
    %squeeze3A_71 = vector.shape_cast %slice3A_70 : vector<128x1x64xf32> to vector<128x64xf32>
    %convert_element_type3A_72 = arith.truncf %squeeze3A_71 : vector<128x64xf32> to vector<128x64xbf16>
    %dot_general3A_73 = arith.constant dense<0.000000e+00> : vector<512x64xf32>
    %dot_general3A_74 = tpu.matmul %convert_element_type3A_59, %convert_element_type3A_72, %dot_general3A_73 {dimension_numbers = #tpu.dot_dimension_numbers<[1], [0], [0], [1], [0, 0, 1, 1], [], []>, transpose_lhs_hint = false} : vector<512x128xbf16>, vector<128x64xbf16>, vector<512x64xf32> -> vector<512x64xf32>
    %slice3A_75 = vector.extract_strided_slice %get3A_69 {offsets = [0, 1, 0], sizes = [128, 1, 64], strides = [1, 1, 1]} : vector<128x2x64xf32> to vector<128x1x64xf32>
    %squeeze3A_76 = vector.shape_cast %slice3A_75 : vector<128x1x64xf32> to vector<128x64xf32>
    %convert_element_type3A_77 = arith.truncf %squeeze3A_76 : vector<128x64xf32> to vector<128x64xbf16>
    %dot_general3A_78 = arith.constant dense<0.000000e+00> : vector<512x64xf32>
    %dot_general3A_79 = tpu.matmul %convert_element_type3A_63, %convert_element_type3A_77, %dot_general3A_78 {dimension_numbers = #tpu.dot_dimension_numbers<[1], [0], [0], [1], [0, 0, 1, 1], [], []>, transpose_lhs_hint = false} : vector<512x128xbf16>, vector<128x64xbf16>, vector<512x64xf32> -> vector<512x64xf32>
    %add3A_80 = arith.addf %dot_general3A_74, %dot_general3A_79 : vector<512x64xf32>
    %add3A_81 = arith.addf %add3A_52, %add3A_80 : vector<512x64xf32>
    %slice3A_82 = vector.extract_strided_slice %get3A_3 {offsets = [0, 3, 0, 0], sizes = [16, 1, 32, 128], strides = [1, 1, 1, 1]} : vector<16x4x32x128xi32> to vector<16x1x32x128xi32>
    %squeeze3A_83 = vector.shape_cast %slice3A_82 : vector<16x1x32x128xi32> to vector<16x32x128xi32>
    %reshape3A_84 = vector.shape_cast %squeeze3A_83 : vector<16x32x128xi32> to vector<512x128xi32>
    %and3A_85 = arith.constant 65535 : i32
    %and3A_86 = vector.broadcast %and3A_85 : i32 to vector<512x128xi32>
    %and3A_87 = arith.andi %reshape3A_84, %and3A_86 : vector<512x128xi32>
    %convert_element_type3A_88 = arith.sitofp %and3A_87 : vector<512x128xi32> to vector<512x128xbf16>
    %shift_right_logical3A_89 = arith.constant 16 : i32
    %shift_right_logical3A_90 = vector.broadcast %shift_right_logical3A_89 : i32 to vector<512x128xi32>
    %shift_right_logical3A_91 = arith.shrui %reshape3A_84, %shift_right_logical3A_90 : vector<512x128xi32>
    %convert_element_type3A_92 = arith.sitofp %shift_right_logical3A_91 : vector<512x128xi32> to vector<512x128xbf16>
    %get3A_93 = arith.constant 3 : index
    %get3A_94 = arith.constant 0 : index
    %get3A_95 = arith.constant 0 : index
    %get3A_96 = arith.constant 0 : index
    %get3A_97 = vector.load %arg2[%get3A_93, %get3A_94, %get3A_95, %get3A_96] : memref<4x128x2x64xf32, #tpu.memory_space<vmem>>, vector<1x128x2x64xf32>
    %get3A_98 = vector.shape_cast %get3A_97 : vector<1x128x2x64xf32> to vector<128x2x64xf32>
    %slice3A_99 = vector.extract_strided_slice %get3A_98 {offsets = [0, 0, 0], sizes = [128, 1, 64], strides = [1, 1, 1]} : vector<128x2x64xf32> to vector<128x1x64xf32>
    %squeeze3A_100 = vector.shape_cast %slice3A_99 : vector<128x1x64xf32> to vector<128x64xf32>
    %convert_element_type3A_101 = arith.truncf %squeeze3A_100 : vector<128x64xf32> to vector<128x64xbf16>
    %dot_general3A_102 = arith.constant dense<0.000000e+00> : vector<512x64xf32>
    %dot_general3A_103 = tpu.matmul %convert_element_type3A_88, %convert_element_type3A_101, %dot_general3A_102 {dimension_numbers = #tpu.dot_dimension_numbers<[1], [0], [0], [1], [0, 0, 1, 1], [], []>, transpose_lhs_hint = false} : vector<512x128xbf16>, vector<128x64xbf16>, vector<512x64xf32> -> vector<512x64xf32>
    %slice3A_104 = vector.extract_strided_slice %get3A_98 {offsets = [0, 1, 0], sizes = [128, 1, 64], strides = [1, 1, 1]} : vector<128x2x64xf32> to vector<128x1x64xf32>
    %squeeze3A_105 = vector.shape_cast %slice3A_104 : vector<128x1x64xf32> to vector<128x64xf32>
    %convert_element_type3A_106 = arith.truncf %squeeze3A_105 : vector<128x64xf32> to vector<128x64xbf16>
    %dot_general3A_107 = arith.constant dense<0.000000e+00> : vector<512x64xf32>
    %dot_general3A_108 = tpu.matmul %convert_element_type3A_92, %convert_element_type3A_106, %dot_general3A_107 {dimension_numbers = #tpu.dot_dimension_numbers<[1], [0], [0], [1], [0, 0, 1, 1], [], []>, transpose_lhs_hint = false} : vector<512x128xbf16>, vector<128x64xbf16>, vector<512x64xf32> -> vector<512x64xf32>
    %add3A_109 = arith.addf %dot_general3A_103, %dot_general3A_108 : vector<512x64xf32>
    %add3A_110 = arith.addf %add3A_81, %add3A_109 : vector<512x64xf32>
    %neg3A = arith.constant 0.000000e+00 : f32
    %neg3A_111 = vector.broadcast %neg3A : f32 to vector<512x64xf32>
    %neg3A_112 = arith.subf %neg3A_111, %add3A_110 : vector<512x64xf32>
    %exp3A = math.exp %neg3A_112 : vector<512x64xf32>
    %add3A_113 = arith.constant 1.000000e+00 : f32
    %add3A_114 = vector.broadcast %add3A_113 : f32 to vector<512x64xf32>
    %add3A_115 = arith.addf %add3A_114, %exp3A : vector<512x64xf32>
    %div3A = arith.constant 1.000000e+00 : f32
    %div3A_116 = vector.broadcast %div3A : f32 to vector<512x64xf32>
    %div3A_117 = arith.divf %div3A_116, %add3A_115 : vector<512x64xf32>
    %get3A_118 = arith.constant 0 : index
    %get3A_119 = arith.constant 0 : index
    %get3A_120 = vector.load %arg3[%get3A_118, %get3A_119] : memref<100x64xf32, #tpu.memory_space<vmem>>, vector<100x64xf32>
    %dot_general3A_121 = arith.constant dense<0.000000e+00> : vector<512x100xf32>
    %dot_general3A_122 = tpu.matmul %div3A_117, %get3A_120, %dot_general3A_121 {dimension_numbers = #tpu.dot_dimension_numbers<[1], [1], [0], [0], [0, 0, 1, 0], [], []>, transpose_lhs_hint = false} : vector<512x64xf32>, vector<100x64xf32>, vector<512x100xf32> -> vector<512x100xf32>
    %get3A_123 = arith.constant 0 : index
    %get3A_124 = arith.constant 0 : index
    %get3A_125 = vector.load %arg4[%get3A_123, %get3A_124] : memref<1x100xf32, #tpu.memory_space<vmem>>, vector<1x100xf32>
    %add3A_126 = vector.broadcast %get3A_125 : vector<1x100xf32> to vector<512x100xf32>
    %add3A_127 = arith.addf %dot_general3A_122, %add3A_126 : vector<512x100xf32>
    %swap3A = arith.constant 0 : index
    %swap3A_128 = arith.constant 0 : index
    %swap3A_129 = vector.load %arg5[%swap3A, %swap3A_128] : memref<512x100xf32, #tpu.memory_space<vmem>>, vector<512x100xf32>
    tpu.vector_store %arg5[%swap3A, %swap3A_128], %add3A_127 {strides = array<i32>} : memref<512x100xf32, #tpu.memory_space<vmem>>, vector<512x100xf32>,
    return
  }
  func.func @transform_0(%arg0: i32) -> (i32, i32, i32, i32) {
    %c0_i32 = arith.constant 0 : i32
    %c0_i32_0 = arith.constant 0 : i32
    %c0_i32_1 = arith.constant 0 : i32
    %c0_i32_2 = arith.constant 0 : i32
    return %arg0, %c0_i32, %c0_i32_0, %c0_i32_1 : i32, i32, i32, i32
  }
  func.func @transform_1(%arg0: i32) -> (i32, i32, i32, i32) {
    %c0_i32 = arith.constant 0 : i32
    %c0_i32_0 = arith.constant 0 : i32
    %c0_i32_1 = arith.constant 0 : i32
    %c0_i32_2 = arith.constant 0 : i32
    %c0_i32_3 = arith.constant 0 : i32
    return %c0_i32, %c0_i32_0, %c0_i32_1, %c0_i32_2 : i32, i32, i32, i32
  }
  func.func @transform_2(%arg0: i32) -> (i32, i32) {
    %c0_i32 = arith.constant 0 : i32
    %c0_i32_0 = arith.constant 0 : i32
    %c0_i32_1 = arith.constant 0 : i32
    return %c0_i32, %c0_i32_0 : i32, i32
  }
  func.func @transform_3(%arg0: i32) -> (i32, i32) {
    %c0_i32 = arith.constant 0 : i32
    %c0_i32_0 = arith.constant 0 : i32
    %c0_i32_1 = arith.constant 0 : i32
    return %c0_i32, %c0_i32_0 : i32, i32
  }
  func.func @transform_4(%arg0: i32) -> (i32, i32) {
    %c0_i32 = arith.constant 0 : i32
    %c0_i32_0 = arith.constant 0 : i32
    return %arg0, %c0_i32 : i32, i32
  }
}

</mosaic_0001>

<sc_bundles>
// kernel: kernel.4.cloned.1.call-start
scs
__scs_entry_jumppad:
0x0: {  	(pc) =	sbr.rel $0x88, $3  }
0x1: {  	(tag) =	ssettag $0x0;
	lr =	simm.s32 $0x1  }
0x2: {  	[smem:$0x3F9D] =	sst lr;
	_ =	strace $0xD0000000  }
0x3: {  	_ = 	snop  }
0x4: {  	_ = 	snop  }
0x5: {  	_ = 	snop  }
0x6: {  	_ = 	snop  }
0x7: {  	_ = 	snop  }
__scs_overlays_trampoline_lowered:
0x8: {  	[smem:$0x3FAC] =	sst s0  }
0x9: {  	[smem:$0x3FAD] =	sst s1  }
0xa: {  	[smem:$0x3FAE] =	sst s2  }
0xb: {  	[smem:$0x3FAF] =	sst s3  }
0xc: {  	[smem:$0x3FB0] =	sst s4  }
0xd: {  	[smem:$0x3FB1] =	sst s5  }
0xe: {  	[smem:$0x3FB2] =	sst s6  }
0xf: {  	[smem:$0x3FB3] =	sst s7  }
0x10: {  	[smem:$0x3FB4] =	sst s8  }
0x11: {  	[smem:$0x3FB5] =	sst s9;
	s0 =	simm.s32 @!p0 $0x0  }
0x12: {  	s1 =	sld [smem:$0x3F9B];
	s0 =	simm.s32 @p0 $0x1  }
0x13: {  	[smem:$0x3FB6] =	sst s0;
	s0 =	simm.s32 @!p1 $0x0  }
0x14: {  	s2 =	sld [smem:$0x3F9A];
	s0 =	simm.s32 @p1 $0x1  }
0x15: {  	[smem:$0x3FB7] =	sst s0;
	s0 =	simm.s32 @!p2 $0x0  }
0x16: {  	s3 =	sld [smem:$0x3FDB];
	s0 =	simm.s32 @p2 $0x1  }
0x17: {  	s4 =	simm.s32 $0x1BF5;
	[smem:$0x3FB9] =	sst s0  }
0x18: {  	s0 =	sld [smem:$0x3F9C];
	_ =	swait.ge [sflag:s4], $0x0  }
0x19: {  	s7 =	sld [smem:$0x3F9D]  }
0x1a: {  	s8 =	sadd.s32 $0xFFFFE003, lr  }
0x1b: {  	s9 =	sadd.s32 $0xFFFFFEF7, lr;
	s5 =	simm.s32 $0xFFFFFFFF;
	p2 =	slt.u32 s8, $0xFFFFF086  }
0x1c: {  	p1 =	slt.u32 s9, $0xF7A;
	s5 =	simm.s32 @!p2 $0x0  }
0x1d: {  	s5 =	simm.s32 @p1 $0x1;
	p0 =	seq.s32 s7, s2  }
0x1e: {  	s7 =	smul.u32 @!p0 $0xF7A, s2;
	p2 =	seq.s32 @!p0 s5, $0x0  }
0x1f: {  	s9 =	smul.u32 $0xF7A, s1;
	s8 =	simm.s32 @!p0 $0x1BF5;
	p2 =	por !p2, p0  }
0x20: {  	[sflag:s8] =	ssyncset.s32 @!p0 $0xFFFFF086;
	s6 =	sadd.s32 @!p0 s3, s7;
	s7 =	simm.s32 @!p0 $0x108  }
0x21: {  	s3 =	sadd.s32 s3, s9;
	s6 =	sadd.s32 @!p0 $0x88, s6;
	s7 =	simm.s32 @p2 $0x1082  }
0x22: {  	[simem:s7], [sflag:s8] =	dma.local @!p0 [hbm:s6], $0xF7A  }
0x23: {  	s9 =	sor.u32 $0xD0000000, s2;
	s6 =	simm.s32 $0x108;
	_ =	swait.ge @!p0 [sflag:s8], $0x0  }
0x24: {  	s3 =	sadd.s32 $0x88, s3;
	s6 =	simm.s32 @!p1 $0x1082;
	[sflag:s4] =	ssyncset.s32 $0xFFFFF086  }
0x25: {  	[simem:s6], [sflag:s4] =	dma.local [hbm:s3], $0xF7A  }
0x26: {  	[smem:$0x3F9D] =	sst s1;
	(tag) =	ssettag s2;
	_ =	strace s9  }
0x27: {  	s1 =	sld [smem:$0x3FAD]  }
0x28: {  	s2 =	sld [smem:$0x3FAE]  }
0x29: {  	s4 =	sld [smem:$0x3FB0]  }
0x2a: {  	p0 =	seq.s32 s5, $0x0;
	s5 =	sld [smem:$0x3FB1]  }
0x2b: {  	s6 =	sld [smem:$0x3FB2]  }
0x2c: {  	s7 =	sld [smem:$0x3FB3]  }
0x2d: {  	s3 =	simm.s32 $0x108;
	s8 =	sld [smem:$0x3FB4]  }
0x2e: {  	s3 =	simm.s32 @!p0 $0x1082;
	s9 =	sld [smem:$0x3FB5]  }
0x2f: {  	lr =	sadd.s32 s0, s3;
	s0 =	sld [smem:$0x3FAC]  }
0x30: {  	s3 =	sld [smem:$0x3FAF]  }
0x31: {  	[smem:$0x3FB8] =	sst s10  }
0x32: {  	s10 =	sld [smem:$0x3FB6];
	_ =	sdelay $0x3  }
0x33: {  	p0 =	seq.s32 s10, $0x1;
	s10 =	sld [smem:$0x3FB8];
	_ =	sdelay $0x3  }
0x34: {  	[smem:$0x3FB8] =	sst s10  }
0x35: {  	s10 =	sld [smem:$0x3FB7];
	_ =	sdelay $0x3  }
0x36: {  	p1 =	seq.s32 s10, $0x1;
	s10 =	sld [smem:$0x3FB8];
	_ =	sdelay $0x3  }
0x37: {  	[smem:$0x3FB8] =	sst s10  }
0x38: {  	s10 =	sld [smem:$0x3FB9]  }
0x39: {  	_ = 	snop;
	(pc) =	sbr.ind lr, $3  }
0x3a: {  	_ = 	snop  }
0x3b: {  	_ = 	snop  }
0x3c: {  	p2 =	seq.s32 s10, $0x1;
	s10 =	sld [smem:$0x3FB8]  }
0x3d: {  	_ =	shalt  }
0x3e: {  	_ =	shalt  }
0x3f: {  	_ =	shalt  }
0x40: {  	_ =	shalt  }
0x41: {  	_ =	shalt  }
0x42: {  	_ =	shalt  }
0x43: {  	_ =	shalt  }
0x44: {  	_ =	shalt  }
0x45: {  	_ =	shalt  }
0x46: {  	_ =	shalt  }
0x47: {  	_ =	shalt  }
0x48: {  	_ =	shalt  }
0x49: {  	_ =	shalt  }
0x4a: {  	_ =	shalt  }
0x4b: {  	_ =	shalt  }
0x4c: {  	_ =	shalt  }
0x4d: {  	_ =	shalt  }
0x4e: {  	_ =	shalt  }
0x4f: {  	_ =	shalt  }
0x50: {  	_ =	shalt  }
0x51: {  	_ =	shalt  }
0x52: {  	_ =	shalt  }
0x53: {  	_ =	shalt  }
0x54: {  	_ =	shalt  }
0x55: {  	_ =	shalt  }
0x56: {  	_ =	shalt  }
0x57: {  	_ =	shalt  }
0x58: {  	_ =	shalt  }
0x59: {  	_ =	shalt  }
0x5a: {  	_ =	shalt  }
0x5b: {  	_ =	shalt  }
0x5c: {  	_ =	shalt  }
0x5d: {  	_ =	shalt  }
0x5e: {  	_ =	shalt  }
0x5f: {  	_ =	shalt  }
0x60: {  	_ =	shalt  }
0x61: {  	_ =	shalt  }
0x62: {  	_ =	shalt  }
0x63: {  	_ =	shalt  }
0x64: {  	_ =	shalt  }
0x65: {  	_ =	shalt  }
0x66: {  	_ =	shalt  }
0x67: {  	_ =	shalt  }
0x68: {  	_ =	shalt  }
0x69: {  	_ =	shalt  }
0x6a: {  	_ =	shalt  }
0x6b: {  	_ =	shalt  }
0x6c: {  	_ =	shalt  }
0x6d: {  	_ =	shalt  }
0x6e: {  	_ =	shalt  }
0x6f: {  	_ =	shalt  }
0x70: {  	_ =	shalt  }
0x71: {  	_ =	shalt  }
0x72: {  	_ =	shalt  }
0x73: {  	_ =	shalt  }
0x74: {  	_ =	shalt  }
0x75: {  	_ =	shalt  }
0x76: {  	_ =	shalt  }
0x77: {  	_ =	shalt  }
0x78: {  	_ =	shalt  }
0x79: {  	_ =	shalt  }
0x7a: {  	_ =	shalt  }
0x7b: {  	_ =	shalt  }
0x7c: {  	_ =	shalt  }
0x7d: {  	_ =	shalt  }
0x7e: {  	_ =	shalt  }
0x7f: {  	_ =	shalt  }
0x80: {  	_ =	shalt  }
0x81: {  	_ =	shalt  }
0x82: {  	_ =	shalt  }
0x83: {  	_ =	shalt  }
0x84: {  	_ =	shalt  }
0x85: {  	_ =	shalt  }
0x86: {  	_ =	shalt  }
0x87: {  	_ =	shalt  }
.Lfunc_end0:
.L_simem_size_0:
called_computation_lowered:
.L_overlay_start_0:
0x88: {  	s2 =	sld [smem:$0x3FD9]  }
0x89: {  	s3 =	sld [smem:$0x3FFE];
	_ =	sdelay $0x1  }
0x8a: {  	s1 =	srdreg.scid  }
0x8b: {  	s0 =	sand.u32 $0x1, s1  }
0x8c: {  	s16 =	sshll.u32 s0, $0xA;
	s2 =	sadd.s32 s3, s2  }
0x8d: {  	s2 =	sadd.s32 s2, s16  }
0x8e: {  	[smem:$0x3FC4] =	sst s2  }
0x8f: {  	_ = 	snop  }
0x90: {  	(tm) =	ssettm $0x1  }
0x91: {  	s17 =	sld [smem:$0x3FFB];
	_ =	sdelay $0x3  }
0x92: {  	_ =	strace s17  }
0x93: {  	s2 =	sld [smem:$0x3FFC];
	_ =	sdelay $0x3  }
0x94: {  	_ =	strace s2  }
0x95: {  	s2 =	sld [smem:$0x3FFD];
	_ =	sdelay $0x3  }
0x96: {  	_ =	strace s2  }
0x97: {  	_ =	strace $0x8FFFFFFF  }
0x98: {  	s18 =	sld [smem:$0x3FDB];
	_ =	sdelay $0x1  }
0x99: {  	s19 =	simm.s32 $_scs_section_size  }
0x9a: {  	s4 =	simm.s32 $_size__tile_overlayer_lowered;
	s5 =	simm.s32 $_tile_overlayer_lowered  }
0x9b: {  	s22 =	simm.s32 $0x1BFF;
	s21 =	sshll.u32 s5, $0x1;
	s2 =	sadd.s32 s19, s18  }
0x9c: {  	s6 =	simm.s32 $0x0;
	s20 =	sshll.u32 s4, $0x1;
	s4 =	sadd.s32 s21, s2  }
0x9d: {  	[timem:s6], [sflag:s22] =	dma.local [hbm:s4], s20  }
0x9e: {  	_ =	swait.ge [sflag:s22], s20  }
0x9f: {  	s3 =	ssub.s32 $0x0, s20;
	[sflag:s22] =	ssyncset.done $0x0  }
0xa0: {  	[sflag:s22] =	ssyncadd.s32 s3;
	_ =	sdelay $0x1  }
0xa1: {  	s23 =	simm.s32 $0x1B8B  }
0xa2: {  	_ =	swait.ge [sflag:s23], $0x1  }
0xa3: {  	[sflag:s23] =	ssyncset.done $0x0  }
0xa4: {  	s25 =	simm.s32 $0x1B8E;
	s24 =	sld [smem:$0x3FFE];
	[sflag:s23] =	ssyncadd.s32 $0xFFFFFFFF  }
0xa5: {  	s26 =	simm.s32 $execute0_lowered;
	[smem:$0x3FD2] =	sst s25  }
0xa6: {  	s4 =	sshll.u32 s26, $0x1;
	_ =	strace $0x80000046;
	[dreg:$0x1] =	wrdreg $0xFFFFFFFF  }
0xa7: {  	s28 =	simm.s32 $_size_execute0_lowered;
	s2 =	sadd.s32 s2, s4;
	[dreg:$0x0] =	wrdreg $0x0  }
0xa8: {  	s4 =	sshll.u32 s28, $0x1;
	[dreg:$0x2] =	wrdreg s2  }
0xa9: {  	[dreg:$0x3] =	wrdreg s4  }
0xaa: {  	[dreg:$0x4] =	wrdreg $0xC0  }
0xab: {  	_ =	task [dreg:s6], $0x5FFFF  }
0xac: {  	[dreg:$0x1] =	wrdreg $0xFFFFFFFF  }
0xad: {  	[dreg:$0x0] =	wrdreg $0x60  }
0xae: {  	[dreg:$0x2] =	wrdreg s24  }
0xaf: {  	[dreg:$0x3] =	wrdreg $0x9  }
0xb0: {  	_ =	task.clear_ibuf [dreg:s6], $0x4FFFF;
	_ =	strace $0x90000046  }
0xb1: {  	s29 =	simm.s32 $0x9;
	_ =	strace $0x80000048  }
0xb2: {  	_ =	swait.ge [sflag:s29], $0x1  }
0xb3: {  	[sflag:s29] =	ssyncadd.s32 $0xFFFFFFFF  }
0xb4: {  	_ =	strace $0x90000048  }
0xb5: {  	_ =	sfence  }
0xb6: {  	s30 =	sld [smem:$0x0];
	_ =	sdelay $0x2  }
0xb7: {  	s31 =	sshll.u32 s1, $0xD;
	s1 =	sshrl.u32 s1, $0x2  }
0xb8: {  	s3 =	sand.u32 $0x4000, s31;
	s1 =	sadd.s32 s1, s30  }
0xb9: {  	s0 =	sor.u32 s3, s0;
	s1 =	sshll.u32 s1, $0x11  }
0xba: {  	s0 =	sor.u32 s1, s0  }
0xbb: {  	s0 =	sadd.s32 $0x8F2B, s0  }
0xbc: {  	[sflag:s0] =	ssyncadd.remote.s32 $0x1  }
0xbd: {  	_ =	sfence.sel $0xFFFF  }
0xbe: {  	[dreg:$0x0] =	wrdreg $0xFFFFFFFF;
	(pc) =	sbr.abs _section_cstart, $3  }
0xbf: {  	[dreg:$0x1] =	wrdreg $0xFFFFFFFF  }
0xc0: {  	_ =	task.clear_ibuf [dreg:s6], $0x2FFFF;
	_ =	strace $0x9FFFFFFF  }
0xc1: {  	(tm) =	ssettm $0x7FFFFFFF  }
tec
execute0_lowered:
.L_overlay_start_1:
0x0: {  	(tag) =	ssettag $0x1  }
0x1: {  	s3 =	rddreg [dreg:$0x0]  }
0x2: {  	s1 =	simm.s32 $0x0;
	s4 =	srdreg.scid;
	s0 =	stileid.u32  }
0x3: {  	s15 =	simm.s32 $0x3200;
	s16 =	simm.s32 $0x1900;
	s17 =	simm.s32 $0x7200  }
0x4: {  	s18 =	simm.s32 $0x1;
	[smem:$0x7FF] =	sst s1;
	s9 =	sadd.s32 $0xC00, s3  }
0x5: {  	s4 =	sand.u32 $0x1, s4;
	s5 =	sshll.u32 s0, $0x3;
	s8 =	smul.u32 $0xC800, s0  }
0x6: {  	s10 =	sadd.s32 $0x19C00, s3;
	_ =	strace $0x80000047;
	s6 =	sshll.u32 s4, $0x2  }
0x7: {  	s19 =	sshll.u32 s4, $0x9;
	s4 =	ssub.s32 $0x2, s4;
	s6 =	sor.u32 s6, s5  }
0x8: {  	s3 =	sor.u32 s19, s8;
	s20 =	sshrl.u32 s4, $0x1;
	s19 =	simm.s32 $0x2  }
0x9: {  	s7 =	sor.u32 $0x1, s6;
	s3 =	sshrl.u32 s3, $0x3;
	s12 =	ssub.s32 s4, s20  }
0xa: {  	s23 =	sshll.u32 s6, $0xB;
	s13 =	sor.u32 $0x2, s6;
	s14 =	sor.u32 $0x3, s6  }
0xb: {  	s20 =	simm.s32 $0x0;
	s11 =	sshll.u32 s7, $0x7;
	s21 =	sadd.s32 s9, s3  }
0xc: {  	s24 =	sadd.s32 s10, s23;
	s26 =	sshll.u32 s13, $0x7;
	s28 =	sshll.u32 s7, $0xB  }
0xd: {  	s30 =	sshll.u32 s14, $0x7;
	s13 =	sshll.u32 s13, $0xB;
	s22 =	sand.u32 $0x280, s11  }
0xe: {  	s31 =	sshll.u32 s14, $0xB;
	s14 =	simm.s32 $0x3;
	s11 =	sor.u32 s8, s22  }
0xf: {  	[dreg:$0x2] =	wrdreg s21;
	s25 =	sshrl.u32 s11, $0x3;
	s11 =	sand.u32 $0x300, s26  }
0x10: {  	[dreg:$0x3] =	wrdreg s24;
	s6 =	sadd.s32 s10, s28;
	s29 =	sor.u32 s8, s11  }
0x11: {  	v1 =	vlaneseq.u32;
	s5 =	sadd.s32 s9, s25;
	s11 =	sand.u32 $0x380, s30;
	s7 =	sshrl.u32 s29, $0x3  }
0x12: {  	v0 =	vmul.u32 $0xC8, v1;
	v1 =	vmul.u32 $0x80, v1;
	s11 =	sor.u32 s8, s11;
	s8 =	sadd.s32 s10, s13;
	s10 =	sadd.s32 s10, s31  }
0x13: {  	v2 =	vimm.s32 $0x0;
	s13 =	simm.s32 $0x400;
	s7 =	sadd.s32 s9, s7;
	s11 =	sshrl.u32 s11, $0x3  }
0x14: {  	v3 =	vimm.s32 $0x1;
	v4 =	vadd.s32 $0xC80, v0;
	v5 =	vor.u32 $0x800, v1;
	s9 =	sadd.s32 s9, s11;
	s11 =	smax.u32 s12, $0x1;
	s12 =	simm.s32 $0x80  }
.LBB2_1:
0x15: {  	s22 =	simm.s32 $0x3300  }
0x16: {  	[tilespmem:s22+$0xFFFFFF00] =	vst v2  }
0x17: {  	[tilespmem:s22+$0xF0] =	vst v2  }
0x18: {  	[tilespmem:s22+$0xE0] =	vst v2  }
0x19: {  	[tilespmem:s22+$0xD0] =	vst v2  }
0x1a: {  	[tilespmem:s22+$0xC0] =	vst v2  }
0x1b: {  	[tilespmem:s22+$0xB0] =	vst v2  }
0x1c: {  	[tilespmem:s22+$0xA0] =	vst v2  }
0x1d: {  	[tilespmem:s22+$0x90] =	vst v2  }
0x1e: {  	[tilespmem:s22+$0x80] =	vst v2  }
0x1f: {  	[tilespmem:s22+$0x70] =	vst v2  }
0x20: {  	[tilespmem:s22+$0x60] =	vst v2  }
0x21: {  	[tilespmem:s22+$0x50] =	vst v2  }
0x22: {  	[tilespmem:s22+$0x40] =	vst v2  }
0x23: {  	[tilespmem:s22+$0x30] =	vst v2  }
0x24: {  	[tilespmem:s22+$0x20] =	vst v2  }
0x25: {  	[tilespmem:s22+$0x10] =	vst v2  }
0x26: {  	[tilespmem:s22+$0x0] =	vst v2  }
0x27: {  	[tilespmem:s22+$0xFFFFFFF0] =	vst v2  }
0x28: {  	[tilespmem:s22+$0xFFFFFFE0] =	vst v2  }
0x29: {  	[tilespmem:s22+$0xFFFFFFD0] =	vst v2  }
0x2a: {  	[tilespmem:s22+$0xFFFFFFC0] =	vst v2  }
0x2b: {  	[tilespmem:s22+$0xFFFFFFB0] =	vst v2  }
0x2c: {  	[tilespmem:s22+$0xFFFFFFA0] =	vst v2  }
0x2d: {  	[tilespmem:s22+$0xFFFFFF90] =	vst v2  }
0x2e: {  	[tilespmem:s22+$0xFFFFFF80] =	vst v2  }
0x2f: {  	[tilespmem:s22+$0xFFFFFF70] =	vst v2  }
0x30: {  	[tilespmem:s22+$0xFFFFFF60] =	vst v2  }
0x31: {  	[tilespmem:s22+$0xFFFFFF50] =	vst v2  }
0x32: {  	[tilespmem:s22+$0xFFFFFF40] =	vst v2  }
0x33: {  	[tilespmem:s22+$0xFFFFFF30] =	vst v2  }
0x34: {  	s23 =	simm.s32 $0x0;
	[tilespmem:s22+$0xFFFFFF20] =	vst v2  }
.LBB2_2:
0x35: {  	s23 =	sadd.s32 $0x4, s23;
	[tilespmem:s22+$0xFFFFFF10] =	vst v2;
	s22 =	sadd.s32 $0x200, s22;
	s21 =	simm.s32 $0x7300  }
0x36: {  	[tilespmem:s22+$0xFFFFFF00] =	vst v2;
	p0 =	slt.u32 s23, $0x7C  }
0x37: {  	[tilespmem:s22+$0xF0] =	vst v2  }
0x38: {  	[tilespmem:s22+$0xE0] =	vst v2  }
0x39: {  	[tilespmem:s22+$0xD0] =	vst v2  }
0x3a: {  	[tilespmem:s22+$0xC0] =	vst v2  }
0x3b: {  	[tilespmem:s22+$0xB0] =	vst v2  }
0x3c: {  	[tilespmem:s22+$0xA0] =	vst v2  }
0x3d: {  	[tilespmem:s22+$0x90] =	vst v2  }
0x3e: {  	[tilespmem:s22+$0x80] =	vst v2  }
0x3f: {  	[tilespmem:s22+$0x70] =	vst v2  }
0x40: {  	[tilespmem:s22+$0x60] =	vst v2  }
0x41: {  	[tilespmem:s22+$0x50] =	vst v2  }
0x42: {  	[tilespmem:s22+$0x40] =	vst v2  }
0x43: {  	[tilespmem:s22+$0x30] =	vst v2  }
0x44: {  	[tilespmem:s22+$0x20] =	vst v2  }
0x45: {  	[tilespmem:s22+$0x10] =	vst v2  }
0x46: {  	[tilespmem:s22+$0x0] =	vst v2  }
0x47: {  	[tilespmem:s22+$0xFFFFFFF0] =	vst v2  }
0x48: {  	[tilespmem:s22+$0xFFFFFFE0] =	vst v2  }
0x49: {  	[tilespmem:s22+$0xFFFFFFD0] =	vst v2  }
0x4a: {  	[tilespmem:s22+$0xFFFFFFC0] =	vst v2  }
0x4b: {  	[tilespmem:s22+$0xFFFFFFB0] =	vst v2  }
0x4c: {  	[tilespmem:s22+$0xFFFFFFA0] =	vst v2  }
0x4d: {  	[tilespmem:s22+$0xFFFFFF90] =	vst v2  }
0x4e: {  	[tilespmem:s22+$0xFFFFFF80] =	vst v2  }
0x4f: {  	[tilespmem:s22+$0xFFFFFF70] =	vst v2  }
.Ltmp0:
0x50: {  	[tilespmem:s22+$0xFFFFFF60] =	vst v2;
	(pc) =	sbr.rel @p0 .LBB2_2-.Ltmp0, $4  }
0x51: {  	[tilespmem:s22+$0xFFFFFF50] =	vst v2  }
0x52: {  	[tilespmem:s22+$0xFFFFFF40] =	vst v2  }
0x53: {  	[tilespmem:s22+$0xFFFFFF30] =	vst v2  }
0x54: {  	[tilespmem:s22+$0xFFFFFF20] =	vst v2  }
0x55: {  	[tilespmem:s22+$0xFFFFFF10] =	vst v2  }
0x56: {  	[tilespmem:s21+$0xFFFFFF00] =	vst v2  }
0x57: {  	[tilespmem:s21+$0xF0] =	vst v2  }
0x58: {  	[tilespmem:s21+$0xE0] =	vst v2  }
0x59: {  	[tilespmem:s21+$0xD0] =	vst v2  }
0x5a: {  	[tilespmem:s21+$0xC0] =	vst v2  }
0x5b: {  	[tilespmem:s21+$0xB0] =	vst v2  }
0x5c: {  	[tilespmem:s21+$0xA0] =	vst v2  }
0x5d: {  	[tilespmem:s21+$0x90] =	vst v2  }
0x5e: {  	[tilespmem:s21+$0x80] =	vst v2  }
0x5f: {  	[tilespmem:s21+$0x70] =	vst v2  }
0x60: {  	[tilespmem:s21+$0x60] =	vst v2  }
0x61: {  	[tilespmem:s21+$0x50] =	vst v2  }
0x62: {  	[tilespmem:s21+$0x40] =	vst v2  }
0x63: {  	[tilespmem:s21+$0x30] =	vst v2  }
0x64: {  	[tilespmem:s21+$0x20] =	vst v2  }
0x65: {  	[tilespmem:s21+$0x10] =	vst v2  }
0x66: {  	[tilespmem:s21+$0x0] =	vst v2  }
0x67: {  	[tilespmem:s21+$0xFFFFFFF0] =	vst v2  }
0x68: {  	[tilespmem:s21+$0xFFFFFFE0] =	vst v2  }
0x69: {  	[tilespmem:s21+$0xFFFFFFD0] =	vst v2  }
0x6a: {  	[tilespmem:s21+$0xFFFFFFC0] =	vst v2  }
0x6b: {  	[tilespmem:s21+$0xFFFFFFB0] =	vst v2  }
0x6c: {  	[tilespmem:s21+$0xFFFFFFA0] =	vst v2  }
0x6d: {  	[tilespmem:s21+$0xFFFFFF90] =	vst v2  }
0x6e: {  	[tilespmem:s21+$0xFFFFFF80] =	vst v2  }
0x6f: {  	[tilespmem:s21+$0xFFFFFF70] =	vst v2  }
0x70: {  	[tilespmem:s21+$0xFFFFFF60] =	vst v2  }
0x71: {  	[tilespmem:s21+$0xFFFFFF50] =	vst v2  }
0x72: {  	[tilespmem:s21+$0xFFFFFF40] =	vst v2  }
0x73: {  	[tilespmem:s21+$0xFFFFFF30] =	vst v2  }
0x74: {  	s22 =	simm.s32 $0x0;
	[tilespmem:s21+$0xFFFFFF20] =	vst v2  }
.LBB2_4:
0x75: {  	s22 =	sadd.s32 $0x4, s22;
	[tilespmem:s21+$0xFFFFFF10] =	vst v2;
	s21 =	sadd.s32 $0x200, s21  }
0x76: {  	[tilespmem:s21+$0xFFFFFF00] =	vst v2;
	p0 =	slt.u32 s22, $0x7C  }
0x77: {  	[tilespmem:s21+$0xF0] =	vst v2  }
0x78: {  	[tilespmem:s21+$0xE0] =	vst v2  }
0x79: {  	[tilespmem:s21+$0xD0] =	vst v2  }
0x7a: {  	[tilespmem:s21+$0xC0] =	vst v2  }
0x7b: {  	[tilespmem:s21+$0xB0] =	vst v2  }
0x7c: {  	[tilespmem:s21+$0xA0] =	vst v2  }
0x7d: {  	[tilespmem:s21+$0x90] =	vst v2  }
0x7e: {  	[tilespmem:s21+$0x80] =	vst v2  }
0x7f: {  	[tilespmem:s21+$0x70] =	vst v2  }
0x80: {  	[tilespmem:s21+$0x60] =	vst v2  }
0x81: {  	[tilespmem:s21+$0x50] =	vst v2  }
0x82: {  	[tilespmem:s21+$0x40] =	vst v2  }
0x83: {  	[tilespmem:s21+$0x30] =	vst v2  }
0x84: {  	[tilespmem:s21+$0x20] =	vst v2  }
0x85: {  	[tilespmem:s21+$0x10] =	vst v2  }
0x86: {  	[tilespmem:s21+$0x0] =	vst v2  }
0x87: {  	[tilespmem:s21+$0xFFFFFFF0] =	vst v2  }
0x88: {  	[tilespmem:s21+$0xFFFFFFE0] =	vst v2  }
0x89: {  	[tilespmem:s21+$0xFFFFFFD0] =	vst v2  }
0x8a: {  	[tilespmem:s21+$0xFFFFFFC0] =	vst v2  }
0x8b: {  	[tilespmem:s21+$0xFFFFFFB0] =	vst v2  }
0x8c: {  	[tilespmem:s21+$0xFFFFFFA0] =	vst v2  }
0x8d: {  	[tilespmem:s21+$0xFFFFFF90] =	vst v2  }
0x8e: {  	[tilespmem:s21+$0xFFFFFF80] =	vst v2  }
0x8f: {  	[tilespmem:s21+$0xFFFFFF70] =	vst v2  }
.Ltmp1:
0x90: {  	[tilespmem:s21+$0xFFFFFF60] =	vst v2;
	(pc) =	sbr.rel @p0 .LBB2_4-.Ltmp1, $4  }
0x91: {  	[tilespmem:s21+$0xFFFFFF50] =	vst v2  }
0x92: {  	[tilespmem:s21+$0xFFFFFF40] =	vst v2  }
0x93: {  	[tilespmem:s21+$0xFFFFFF30] =	vst v2  }
0x94: {  	[tilespmem:s21+$0xFFFFFF20] =	vst v2  }
0x95: {  	s25 =	simm.s32 $0x1;
	[tilespmem:s21+$0xFFFFFF10] =	vst v2;
	s21 =	simm.s32 $0x0  }
0x96: {  	s24 =	simm.s32 $0x3;
	s23 =	simm.s32 $0x7;
	v6 =	vadd.s32 s25, v0;
	s0 =	rddreg [dreg:$0x2]  }
0x97: {  	v7 =	vadd.s32 s24, v0;
	[tilespmem:s21], [sflag:$0x3] =	stream.strided.gather [hbm4b:s0+s12], $0x1900, s13, s12, $0x38;
	[tilespmem:$0xB200] =	vst v63  }
0x98: {  	s22 =	simm.s32 $0x5;
	v8 =	vadd.s32 s23, v0;
	_ =	swait.ge [sflag:s14], $0x1900  }
0x99: {  	s26 =	simm.s32 $0x4;
	v9 =	vadd.s32 s22, v0;
	[sflag:s14] =	ssyncset.done $0x0  }
0x9a: {  	v10 =	vadd.s32 s26, v0;
	[sflag:s14] =	ssyncadd.s32 $0xFFFFE700  }
0x9b: {  	v13 =	vld.idx.msk [tilespmem:v6+s21+$0x0], $0xffff  }
0x9c: {  	s28 =	simm.s32 $0x2;
	v7 =	vld.idx.msk [tilespmem:v7+s21+$0x0], $0xffff  }
0x9d: {  	v11 =	vadd.s32 s28, v0;
	v15 =	vld.idx.msk [tilespmem:v8+s21+$0x0], $0xffff  }
0x9e: {  	v18 =	vld.idx.msk [tilespmem:v9+s21+$0x0], $0xffff  }
0x9f: {  	v6 =	vld.idx.msk [tilespmem:v10+s21+$0x0], $0xffff  }
0xa0: {  	s29 =	simm.s32 $0x6  }
0xa1: {  	v17 =	vadd.s32 s21, v0;
	v9 =	vadd.s32 s29, v0  }
0xa2: {  	v19 =	vld.idx.msk [tilespmem:v11+s21+$0x0], $0xffff;
	v8 =	vshll.u32 v13, $0x4;
	v11 =	vshrl.u32 v7, $0x3;
	v14 =	vshrl.u32 v7, $0x1  }
0xa3: {  	v12 =	vshrl.u32 v18, $0x1;
	v16 =	vshrl.u32 v13, $0x3;
	v21 =	vshrl.u32 v13, $0x1  }
0xa4: {  	v22 =	vshrl.u32 v6, $0x1;
	v25 =	vshrl.u32 v15, $0x3;
	v26 =	vshrl.u32 v15, $0x1  }
0xa5: {  	v27 =	vshrl.u32 v6, $0x3;
	v10 =	vand.u32 $0x10, v8;
	v8 =	vshll.u32 v7, $0x4  }
0xa6: {  	v28 =	vshrl.u32 v18, $0x3;
	v23 =	vand.u32 $0x1FFFFE0, v11;
	v7 =	vand.u32 $0x10, v8  }
0xa7: {  	v11 =	vshll.u32 v18, $0x4;
	v8 =	vshll.u32 v3, v7;
	v7 =	vshll.u32 v15, $0x4  }
0xa8: {  	v24 =	vand.u32 $0x1FFFFE0, v16;
	v16 =	vshrl.u32 v19, $0x1;
	v20 =	vand.u32 $0x10, v7;
	v7 =	vld.idx.msk [tilespmem:v9+s21+$0x0], $0xffff  }
0xa9: {  	v18 =	vand.u32 $0x7F, v21;
	v15 =	vshll.u32 v3, v10;
	v10 =	vshll.u32 v19, $0x4;
	v9 =	vld.idx.msk [tilespmem:v17+s21+$0x0], $0xffff  }
0xaa: {  	v13 =	vshll.u32 v3, v20;
	v20 =	vshrl.u32 v19, $0x3;
	v19 =	vshll.u32 v24, $0x7  }
0xab: {  	v21 =	vand.u32 $0x7F, v26;
	v22 =	vand.u32 $0x7F, v22;
	v19 =	vor.u32 v1, v19  }
0xac: {  	v26 =	vand.u32 $0x1FFFFE0, v27;
	v19 =	vor.u32 v18, v19;
	v18 =	vand.u32 $0x1FFFFE0, v25  }
0xad: {  	v28 =	vand.u32 $0x1FFFFE0, v28;
	v17 =	vand.u32 $0x1FFFFE0, v20;
	v25 =	vshll.u32 v18, $0x7  }
0xae: {  	v20 =	vshrl.u32 v7, $0x3;
	v24 =	vshrl.u32 v7, $0x1;
	v27 =	vshrl.u32 v9, $0x3  }
0xaf: {  	v18 =	vand.u32 $0x7F, v24;
	v24 =	vor.u32 v1, v25;
	v25 =	vshll.u32 v26, $0x7  }
0xb0: {  	s30 =	simm.s32 $0x8;
	v27 =	vand.u32 $0x1FFFFE0, v27;
	v26 =	vshll.u32 v23, $0x7;
	v23 =	vshll.u32 v28, $0x7  }
.LBB2_6:
0xb1: {  	s31 =	sadd.s32 $0x1, s30  }
0xb2: {  	s0 =	sadd.s32 $0x2, s30;
	s2 =	sadd.s32 $0x3, s30;
	v27 =	vshll.u32 v27, $0x7;
	v14 =	vand.u32 $0x7F, v14;
	v26 =	vor.u32 v1, v26;
	s3 =	smov.u32 s30  }
0xb3: {  	s4 =	sadd.s32 $0x6, s30;
	v28 =	vadd.s32 s31, v0;
	v29 =	vadd.s32 s0, v0;
	s0 =	sadd.s32 $0x4, s30;
	s31 =	sadd.s32 $0x5, s30;
	v27 =	vor.u32 v1, v27  }
0xb4: {  	p0 =	slt.u32 s30, $0xC0;
	s30 =	sadd.s32 $0x8, s30;
	v14 =	vor.u32 v14, v26;
	v30 =	vadd.s32 s0, v0;
	v31 =	vadd.s32 s31, v0;
	s0 =	sadd.s32 $0x7, s3  }
0xb5: {  	v26 =	vadd.s32 s2, v0;
	v32 =	vadd.s32 s4, v0;
	v33 =	vadd.s32 s0, v0  }
0xb6: {  	v34 =	vshrl.u32 v9, $0x1;
	v25 =	vor.u32 v1, v25;
	v21 =	vor.u32 v21, v24  }
0xb7: {  	v6 =	vshll.u32 v6, $0x4;
	[tilespmem:v19+s15+$0x0] =	vst.idx.add.s32.msk $0xffff, v15;
	v15 =	vor.u32 v22, v25;
	v19 =	vand.u32 $0x1FFFFE0, v20  }
0xb8: {  	v16 =	vand.u32 $0x7F, v16;
	v6 =	vand.u32 $0x10, v6;
	v20 =	vld.idx.msk [tilespmem:v28+s21+$0x0], $0xffff;
	v19 =	vshll.u32 v19, $0x7  }
0xb9: {  	v11 =	vand.u32 $0x10, v11;
	[tilespmem:v14+s15+$0x0] =	vst.idx.add.s32.msk $0xffff, v8;
	v8 =	vshll.u32 v3, v6;
	v6 =	vor.u32 v1, v19  }
0xba: {  	v12 =	vand.u32 $0x7F, v12;
	v14 =	vshll.u32 v17, $0x7;
	v17 =	vor.u32 v1, v23;
	v19 =	vld.idx.msk [tilespmem:v26+s21+$0x0], $0xffff  }
0xbb: {  	v14 =	vor.u32 v1, v14;
	v12 =	vor.u32 v12, v17;
	v17 =	vor.u32 v18, v6;
	v22 =	vld.idx.msk [tilespmem:v33+s21+$0x0], $0xffff  }
0xbc: {  	v23 =	vand.u32 $0x7F, v34;
	v18 =	vadd.s32 s3, v0;
	v16 =	vor.u32 v16, v14;
	[tilespmem:v21+s15+$0x0] =	vst.idx.add.s32.msk $0xffff, v13  }
0xbd: {  	v9 =	vshll.u32 v9, $0x4;
	v7 =	vshll.u32 v7, $0x4;
	v13 =	vor.u32 v23, v27;
	v6 =	vld.idx.msk [tilespmem:v30+s21+$0x0], $0xffff  }
0xbe: {  	v10 =	vand.u32 $0x10, v10;
	v7 =	vand.u32 $0x10, v7;
	v14 =	vshll.u32 v20, $0x4;
	v21 =	vld.idx.msk [tilespmem:v31+s21+$0x0], $0xffff  }
0xbf: {  	v10 =	vshll.u32 v3, v10;
	v11 =	vshll.u32 v3, v11;
	v23 =	vand.u32 $0x10, v14;
	v24 =	vld.idx.msk [tilespmem:v29+s21+$0x0], $0xffff  }
0xc0: {  	v25 =	vshrl.u32 v19, $0x3;
	v14 =	vshrl.u32 v19, $0x1;
	v19 =	vshll.u32 v19, $0x4;
	[tilespmem:v15+s15+$0x0] =	vst.idx.add.s32.msk $0xffff, v8  }
0xc1: {  	v9 =	vand.u32 $0x10, v9;
	v26 =	vand.u32 $0x1FFFFE0, v25;
	v8 =	vand.u32 $0x10, v19;
	[tilespmem:v16+s15+$0x0] =	vst.idx.add.s32.msk $0xffff, v10  }
0xc2: {  	v9 =	vshll.u32 v3, v9;
	v8 =	vshll.u32 v3, v8;
	v10 =	vshll.u32 v22, $0x4;
	[tilespmem:v12+s15+$0x0] =	vst.idx.add.s32.msk $0xffff, v11  }
0xc3: {  	v7 =	vshll.u32 v3, v7;
	v10 =	vand.u32 $0x10, v10;
	[tilespmem:v13+s15+$0x0] =	vst.idx.add.s32.msk $0xffff, v9  }
0xc4: {  	v12 =	vshrl.u32 v21, $0x1;
	v11 =	vshll.u32 v21, $0x4;
	[tilespmem:v17+s15+$0x0] =	vst.idx.add.s32.msk $0xffff, v7  }
0xc5: {  	v19 =	vshrl.u32 v20, $0x1;
	v25 =	vshrl.u32 v6, $0x1;
	v13 =	vshrl.u32 v20, $0x3;
	v7 =	vld.idx.msk [tilespmem:v32+s21+$0x0], $0xffff  }
0xc6: {  	v20 =	vshrl.u32 v22, $0x1;
	v17 =	vand.u32 $0x1FFFFE0, v13;
	v9 =	vld.idx.msk [tilespmem:v18+s21+$0x0], $0xffff;
	v18 =	vshrl.u32 v22, $0x3  }
0xc7: {  	v15 =	vshll.u32 v3, v23;
	v16 =	vshrl.u32 v24, $0x1;
	v13 =	vshll.u32 v3, v10  }
0xc8: {  	v23 =	vshrl.u32 v6, $0x3;
	v10 =	vshll.u32 v24, $0x4;
	v22 =	vshrl.u32 v24, $0x3  }
0xc9: {  	v27 =	vshrl.u32 v21, $0x3;
	v24 =	vshll.u32 v17, $0x7;
	v17 =	vand.u32 $0x1FFFFE0, v22  }
0xca: {  	v19 =	vand.u32 $0x7F, v19;
	v21 =	vand.u32 $0x7F, v20;
	v22 =	vor.u32 v1, v24  }
.Ltmp2:
0xcb: {  	v18 =	vand.u32 $0x1FFFFE0, v18;
	v19 =	vor.u32 v19, v22;
	v20 =	vshrl.u32 v7, $0x3;
	(pc) =	sbr.rel @p0 .LBB2_6-.Ltmp2, $4  }
0xcc: {  	v22 =	vand.u32 $0x7F, v25;
	v25 =	vshll.u32 v18, $0x7;
	v24 =	vshrl.u32 v7, $0x1  }
0xcd: {  	v23 =	vand.u32 $0x1FFFFE0, v23;
	v18 =	vand.u32 $0x7F, v24;
	v24 =	vor.u32 v1, v25  }
0xce: {  	v28 =	vshrl.u32 v9, $0x3;
	v25 =	vshll.u32 v23, $0x7;
	v23 =	vand.u32 $0x1FFFFE0, v27  }
0xcf: {  	v26 =	vshll.u32 v26, $0x7;
	v27 =	vand.u32 $0x1FFFFE0, v28;
	v23 =	vshll.u32 v23, $0x7  }
0xd0: {  	v27 =	vshll.u32 v27, $0x7  }
0xd1: {  	v14 =	vand.u32 $0x7F, v14;
	v26 =	vor.u32 v1, v26;
	v25 =	vor.u32 v1, v25  }
0xd2: {  	v21 =	vor.u32 v21, v24;
	v6 =	vshll.u32 v6, $0x4;
	v20 =	vand.u32 $0x1FFFFE0, v20  }
0xd3: {  	v16 =	vand.u32 $0x7F, v16;
	v17 =	vshll.u32 v17, $0x7;
	v14 =	vor.u32 v14, v26  }
0xd4: {  	v12 =	vand.u32 $0x7F, v12;
	v23 =	vor.u32 v1, v23;
	v10 =	vand.u32 $0x10, v10  }
0xd5: {  	v27 =	vor.u32 v1, v27;
	v22 =	vor.u32 v22, v25;
	v17 =	vor.u32 v1, v17  }
0xd6: {  	v26 =	vshrl.u32 v9, $0x1;
	v6 =	vand.u32 $0x10, v6;
	v16 =	vor.u32 v16, v17  }
0xd7: {  	[tilespmem:v19+s15+$0x0] =	vst.idx.add.s32.msk $0xffff, v15;
	v20 =	vshll.u32 v20, $0x7;
	v12 =	vor.u32 v12, v23;
	v15 =	vand.u32 $0x7F, v26  }
0xd8: {  	[tilespmem:v14+s15+$0x0] =	vst.idx.add.s32.msk $0xffff, v8;
	v8 =	vand.u32 $0x10, v11;
	v11 =	vor.u32 v1, v20;
	v14 =	vor.u32 v15, v27  }
0xd9: {  	v7 =	vshll.u32 v7, $0x4;
	v6 =	vshll.u32 v3, v6;
	[tilespmem:v21+s15+$0x0] =	vst.idx.add.s32.msk $0xffff, v13;
	v11 =	vor.u32 v18, v11  }
0xda: {  	v9 =	vshll.u32 v9, $0x4;
	v10 =	vshll.u32 v3, v10;
	[tilespmem:v22+s15+$0x0] =	vst.idx.add.s32.msk $0xffff, v6;
	v6 =	vadd.s32 s25, v4  }
0xdb: {  	v9 =	vand.u32 $0x10, v9;
	v8 =	vshll.u32 v3, v8;
	[tilespmem:v16+s15+$0x0] =	vst.idx.add.s32.msk $0xffff, v10;
	v10 =	vadd.s32 s24, v4  }
0xdc: {  	v7 =	vand.u32 $0x10, v7;
	v9 =	vshll.u32 v3, v9;
	[tilespmem:v12+s15+$0x0] =	vst.idx.add.s32.msk $0xffff, v8;
	v8 =	vadd.s32 s23, v4  }
0xdd: {  	v7 =	vshll.u32 v3, v7;
	v12 =	vadd.s32 s28, v4;
	[tilespmem:v14+s15+$0x0] =	vst.idx.add.s32.msk $0xffff, v9  }
0xde: {  	[tilespmem:v11+s15+$0x0] =	vst.idx.add.s32.msk $0xffff, v7  }
0xdf: {  	v7 =	vadd.s32 s22, v4;
	v11 =	vld.idx.msk [tilespmem:v6+s1+$0x0], $0xffff  }
0xe0: {  	v9 =	vadd.s32 s26, v4;
	v10 =	vld.idx.msk [tilespmem:v10+s1+$0x0], $0xffff  }
0xe1: {  	v13 =	vld.idx.msk [tilespmem:v8+s1+$0x0], $0xffff  }
0xe2: {  	v19 =	vld.idx.msk [tilespmem:v12+s1+$0x0], $0xffff;
	_ =	sdelay $0x1  }
0xe3: {  	v17 =	vadd.s32 s21, v4;
	v18 =	vld.idx.msk [tilespmem:v7+s1+$0x0], $0xffff;
	v7 =	vadd.s32 s29, v4  }
0xe4: {  	v6 =	vld.idx.msk [tilespmem:v9+s1+$0x0], $0xffff;
	v8 =	vshll.u32 v11, $0x4;
	v9 =	vshrl.u32 v10, $0x3;
	v14 =	vshrl.u32 v10, $0x1  }
0xe5: {  	v16 =	vshrl.u32 v11, $0x3;
	v20 =	vshrl.u32 v11, $0x1;
	v24 =	vshrl.u32 v13, $0x3  }
0xe6: {  	v25 =	vshrl.u32 v13, $0x1;
	v26 =	vshrl.u32 v19, $0x3;
	v11 =	vshll.u32 v19, $0x4  }
0xe7: {  	v15 =	vand.u32 $0x10, v8;
	v8 =	vshll.u32 v10, $0x4;
	v23 =	vand.u32 $0x1FFFFE0, v9  }
0xe8: {  	v9 =	vshll.u32 v13, $0x4;
	v21 =	vand.u32 $0x1FFFFE0, v16;
	v16 =	vshrl.u32 v19, $0x1  }
0xe9: {  	v8 =	vand.u32 $0x10, v8;
	v10 =	vand.u32 $0x10, v9;
	v15 =	vshll.u32 v3, v15  }
0xea: {  	v19 =	vshll.u32 v21, $0x7;
	v21 =	vand.u32 $0x7F, v25;
	v8 =	vshll.u32 v3, v8  }
0xeb: {  	v22 =	vshrl.u32 v6, $0x1;
	v13 =	vshll.u32 v3, v10;
	v27 =	vshrl.u32 v6, $0x3;
	v7 =	vld.idx.msk [tilespmem:v7+s1+$0x0], $0xffff  }
0xec: {  	v10 =	vld.idx.msk [tilespmem:v17+s1+$0x0], $0xffff;
	v17 =	vand.u32 $0x1FFFFE0, v26;
	v19 =	vor.u32 v5, v19;
	v12 =	vshrl.u32 v18, $0x1  }
0xed: {  	v9 =	vshll.u32 v18, $0x4;
	v26 =	vshrl.u32 v18, $0x3;
	v18 =	vand.u32 $0x7F, v20  }
0xee: {  	v22 =	vand.u32 $0x7F, v22;
	v27 =	vand.u32 $0x1FFFFE0, v27;
	v19 =	vor.u32 v18, v19  }
0xef: {  	v18 =	vand.u32 $0x1FFFFE0, v24;
	v29 =	vand.u32 $0x1FFFFE0, v26;
	v26 =	vshll.u32 v23, $0x7  }
0xf0: {  	v25 =	vshll.u32 v18, $0x7;
	v23 =	vshll.u32 v29, $0x7;
	v24 =	vshrl.u32 v7, $0x1  }
0xf1: {  	v28 =	vshrl.u32 v10, $0x3;
	v20 =	vshrl.u32 v7, $0x3;
	v18 =	vand.u32 $0x7F, v24  }
0xf2: {  	s21 =	simm.s32 $0x8;
	v24 =	vor.u32 v5, v25;
	v25 =	vshll.u32 v27, $0x7;
	v27 =	vand.u32 $0x1FFFFE0, v28  }
.LBB2_8:
0xf3: {  	s0 =	sadd.s32 $0x1, s21  }
0xf4: {  	s2 =	sadd.s32 $0x2, s21;
	s3 =	sadd.s32 $0x3, s21;
	v27 =	vshll.u32 v27, $0x7;
	v14 =	vand.u32 $0x7F, v14;
	v26 =	vor.u32 v5, v26;
	s4 =	smov.u32 s21  }
0xf5: {  	s22 =	sadd.s32 $0x6, s21;
	v28 =	vadd.s32 s0, v4;
	v29 =	vadd.s32 s2, v4;
	s0 =	sadd.s32 $0x4, s21;
	s2 =	sadd.s32 $0x5, s21;
	v27 =	vor.u32 v5, v27  }
0xf6: {  	p0 =	slt.u32 s21, $0xC0;
	s21 =	sadd.s32 $0x8, s21;
	v14 =	vor.u32 v14, v26;
	v30 =	vadd.s32 s0, v4;
	v31 =	vadd.s32 s2, v4;
	s0 =	sadd.s32 $0x7, s4  }
0xf7: {  	v26 =	vadd.s32 s3, v4;
	v32 =	vadd.s32 s22, v4;
	v33 =	vadd.s32 s0, v4  }
0xf8: {  	v34 =	vshrl.u32 v10, $0x1;
	v25 =	vor.u32 v5, v25;
	v21 =	vor.u32 v21, v24  }
0xf9: {  	v6 =	vshll.u32 v6, $0x4;
	[tilespmem:v19+s15+$0x0] =	vst.idx.add.s32.msk $0xffff, v15;
	v15 =	vor.u32 v22, v25;
	v19 =	vand.u32 $0x1FFFFE0, v20  }
0xfa: {  	v16 =	vand.u32 $0x7F, v16;
	v6 =	vand.u32 $0x10, v6;
	v20 =	vld.idx.msk [tilespmem:v28+s1+$0x0], $0xffff;
	v19 =	vshll.u32 v19, $0x7  }
0xfb: {  	v9 =	vand.u32 $0x10, v9;
	[tilespmem:v14+s15+$0x0] =	vst.idx.add.s32.msk $0xffff, v8;
	v8 =	vshll.u32 v3, v6;
	v6 =	vor.u32 v5, v19  }
0xfc: {  	v12 =	vand.u32 $0x7F, v12;
	v14 =	vshll.u32 v17, $0x7;
	v17 =	vor.u32 v5, v23;
	v19 =	vld.idx.msk [tilespmem:v26+s1+$0x0], $0xffff  }
0xfd: {  	v14 =	vor.u32 v5, v14;
	v12 =	vor.u32 v12, v17;
	v17 =	vor.u32 v18, v6;
	v22 =	vld.idx.msk [tilespmem:v33+s1+$0x0], $0xffff  }
0xfe: {  	v23 =	vand.u32 $0x7F, v34;
	v18 =	vadd.s32 s4, v4;
	v16 =	vor.u32 v16, v14;
	[tilespmem:v21+s15+$0x0] =	vst.idx.add.s32.msk $0xffff, v13  }
0xff: {  	v10 =	vshll.u32 v10, $0x4;
	v7 =	vshll.u32 v7, $0x4;
	v13 =	vor.u32 v23, v27;
	v6 =	vld.idx.msk [tilespmem:v30+s1+$0x0], $0xffff  }
0x100: {  	v11 =	vand.u32 $0x10, v11;
	v7 =	vand.u32 $0x10, v7;
	v14 =	vshll.u32 v20, $0x4;
	v21 =	vld.idx.msk [tilespmem:v31+s1+$0x0], $0xffff  }
0x101: {  	v11 =	vshll.u32 v3, v11;
	v9 =	vshll.u32 v3, v9;
	v23 =	vand.u32 $0x10, v14;
	v24 =	vld.idx.msk [tilespmem:v29+s1+$0x0], $0xffff  }
0x102: {  	v25 =	vshrl.u32 v19, $0x3;
	v14 =	vshrl.u32 v19, $0x1;
	v19 =	vshll.u32 v19, $0x4;
	[tilespmem:v15+s15+$0x0] =	vst.idx.add.s32.msk $0xffff, v8  }
0x103: {  	v10 =	vand.u32 $0x10, v10;
	v26 =	vand.u32 $0x1FFFFE0, v25;
	v8 =	vand.u32 $0x10, v19;
	[tilespmem:v16+s15+$0x0] =	vst.idx.add.s32.msk $0xffff, v11  }
0x104: {  	v10 =	vshll.u32 v3, v10;
	v8 =	vshll.u32 v3, v8;
	v11 =	vshll.u32 v22, $0x4;
	[tilespmem:v12+s15+$0x0] =	vst.idx.add.s32.msk $0xffff, v9  }
0x105: {  	v7 =	vshll.u32 v3, v7;
	v11 =	vand.u32 $0x10, v11;
	[tilespmem:v13+s15+$0x0] =	vst.idx.add.s32.msk $0xffff, v10  }
0x106: {  	v12 =	vshrl.u32 v21, $0x1;
	v9 =	vshll.u32 v21, $0x4;
	[tilespmem:v17+s15+$0x0] =	vst.idx.add.s32.msk $0xffff, v7  }
0x107: {  	v19 =	vshrl.u32 v20, $0x1;
	v25 =	vshrl.u32 v6, $0x1;
	v13 =	vshrl.u32 v20, $0x3;
	v7 =	vld.idx.msk [tilespmem:v32+s1+$0x0], $0xffff  }
0x108: {  	v20 =	vshrl.u32 v22, $0x1;
	v17 =	vand.u32 $0x1FFFFE0, v13;
	v10 =	vld.idx.msk [tilespmem:v18+s1+$0x0], $0xffff;
	v18 =	vshrl.u32 v22, $0x3  }
0x109: {  	v15 =	vshll.u32 v3, v23;
	v16 =	vshrl.u32 v24, $0x1;
	v13 =	vshll.u32 v3, v11  }
0x10a: {  	v23 =	vshrl.u32 v6, $0x3;
	v11 =	vshll.u32 v24, $0x4;
	v22 =	vshrl.u32 v24, $0x3  }
0x10b: {  	v27 =	vshrl.u32 v21, $0x3;
	v24 =	vshll.u32 v17, $0x7;
	v17 =	vand.u32 $0x1FFFFE0, v22  }
0x10c: {  	v19 =	vand.u32 $0x7F, v19;
	v21 =	vand.u32 $0x7F, v20;
	v22 =	vor.u32 v5, v24  }
.Ltmp3:
0x10d: {  	v18 =	vand.u32 $0x1FFFFE0, v18;
	v19 =	vor.u32 v19, v22;
	v20 =	vshrl.u32 v7, $0x3;
	(pc) =	sbr.rel @p0 .LBB2_8-.Ltmp3, $4  }
0x10e: {  	v22 =	vand.u32 $0x7F, v25;
	v25 =	vshll.u32 v18, $0x7;
	v24 =	vshrl.u32 v7, $0x1  }
0x10f: {  	v23 =	vand.u32 $0x1FFFFE0, v23;
	v18 =	vand.u32 $0x7F, v24;
	v24 =	vor.u32 v5, v25  }
0x110: {  	v28 =	vshrl.u32 v10, $0x3;
	v25 =	vshll.u32 v23, $0x7;
	v23 =	vand.u32 $0x1FFFFE0, v27  }
0x111: {  	v26 =	vshll.u32 v26, $0x7;
	v27 =	vand.u32 $0x1FFFFE0, v28;
	v23 =	vshll.u32 v23, $0x7  }
0x112: {  	v27 =	vshll.u32 v27, $0x7;
	v14 =	vand.u32 $0x7F, v14  }
0x113: {  	v26 =	vor.u32 v5, v26;
	v25 =	vor.u32 v5, v25;
	v21 =	vor.u32 v21, v24  }
0x114: {  	v6 =	vshll.u32 v6, $0x4;
	v17 =	vshll.u32 v17, $0x7;
	v14 =	vor.u32 v14, v26  }
0x115: {  	v20 =	vand.u32 $0x1FFFFE0, v20;
	v16 =	vand.u32 $0x7F, v16;
	v12 =	vand.u32 $0x7F, v12  }
0x116: {  	v23 =	vor.u32 v5, v23;
	v22 =	vor.u32 v22, v25;
	v17 =	vor.u32 v5, v17  }
0x117: {  	v27 =	vor.u32 v5, v27;
	v26 =	vshrl.u32 v10, $0x1;
	v16 =	vor.u32 v16, v17  }
0x118: {  	[tilespmem:v19+s15+$0x0] =	vst.idx.add.s32.msk $0xffff, v15;
	v15 =	vshll.u32 v20, $0x7;
	v12 =	vor.u32 v12, v23;
	v17 =	vand.u32 $0x7F, v26  }
0x119: {  	v6 =	vand.u32 $0x10, v6;
	[tilespmem:v14+s15+$0x0] =	vst.idx.add.s32.msk $0xffff, v8;
	v8 =	vor.u32 v5, v15;
	v14 =	vor.u32 v17, v27  }
0x11a: {  	v11 =	vand.u32 $0x10, v11;
	v6 =	vshll.u32 v3, v6;
	[tilespmem:v21+s15+$0x0] =	vst.idx.add.s32.msk $0xffff, v13;
	v8 =	vor.u32 v18, v8  }
0x11b: {  	v9 =	vand.u32 $0x10, v9;
	v10 =	vshll.u32 v10, $0x4;
	v11 =	vshll.u32 v3, v11;
	[tilespmem:v22+s15+$0x0] =	vst.idx.add.s32.msk $0xffff, v6  }
0x11c: {  	v6 =	vshll.u32 v7, $0x4;
	v7 =	vshll.u32 v3, v9;
	v9 =	vand.u32 $0x10, v10;
	[tilespmem:v16+s15+$0x0] =	vst.idx.add.s32.msk $0xffff, v11  }
0x11d: {  	v6 =	vand.u32 $0x10, v6;
	v9 =	vshll.u32 v3, v9;
	[tilespmem:v12+s15+$0x0] =	vst.idx.add.s32.msk $0xffff, v7  }
0x11e: {  	v6 =	vshll.u32 v3, v6;
	[tilespmem:v14+s15+$0x0] =	vst.idx.add.s32.msk $0xffff, v9  }
0x11f: {  	[tilespmem:v8+s15+$0x0] =	vst.idx.add.s32.msk $0xffff, v6  }
0x120: {  	s21 =	simm.s32 $0x0;
	s28 =	simm.s32 $0x1;
	s0 =	rddreg [dreg:$0x3]  }
0x121: {  	[hbm4b:s0+s21] =	stream.linear.scatter [tilespmem:s15], [sflag:$0x1], $0x4000, $0x38;
	[tilespmem:$0xB200] =	vst v63  }
0x122: {  	s24 =	simm.s32 $0x3;
	s23 =	simm.s32 $0x7;
	v6 =	vadd.s32 s28, v0  }
0x123: {  	v7 =	vadd.s32 s24, v0;
	[tilespmem:s16], [sflag:$0x3] =	stream.strided.gather [hbm4b:s5+s12], $0x1900, s13, s12, $0x38;
	[tilespmem:$0xB200] =	vst v63  }
0x124: {  	s22 =	simm.s32 $0x5;
	v8 =	vadd.s32 s23, v0;
	_ =	swait.ge [sflag:s14], $0x1900  }
0x125: {  	s25 =	simm.s32 $0x4;
	v9 =	vadd.s32 s22, v0;
	[sflag:s14] =	ssyncset.done $0x0  }
0x126: {  	v10 =	vadd.s32 s25, v0;
	[sflag:s14] =	ssyncadd.s32 $0xFFFFE700  }
0x127: {  	v13 =	vld.idx.msk [tilespmem:v6+s16+$0x0], $0xffff  }
0x128: {  	s26 =	simm.s32 $0x2;
	v7 =	vld.idx.msk [tilespmem:v7+s16+$0x0], $0xffff  }
0x129: {  	v11 =	vadd.s32 s26, v0;
	v15 =	vld.idx.msk [tilespmem:v8+s16+$0x0], $0xffff  }
0x12a: {  	v18 =	vld.idx.msk [tilespmem:v9+s16+$0x0], $0xffff  }
0x12b: {  	v6 =	vld.idx.msk [tilespmem:v10+s16+$0x0], $0xffff  }
0x12c: {  	s29 =	simm.s32 $0x6  }
0x12d: {  	v17 =	vadd.s32 s21, v0;
	v9 =	vadd.s32 s29, v0  }
0x12e: {  	v19 =	vld.idx.msk [tilespmem:v11+s16+$0x0], $0xffff;
	v8 =	vshll.u32 v13, $0x4;
	v11 =	vshrl.u32 v7, $0x3;
	v14 =	vshrl.u32 v7, $0x1  }
0x12f: {  	v12 =	vshrl.u32 v18, $0x1;
	v16 =	vshrl.u32 v13, $0x3;
	v21 =	vshrl.u32 v13, $0x1  }
0x130: {  	v22 =	vshrl.u32 v6, $0x1;
	v25 =	vshrl.u32 v15, $0x3;
	v26 =	vshrl.u32 v15, $0x1  }
0x131: {  	v27 =	vshrl.u32 v6, $0x3;
	v10 =	vand.u32 $0x10, v8;
	v8 =	vshll.u32 v7, $0x4  }
0x132: {  	v28 =	vshrl.u32 v18, $0x3;
	v23 =	vand.u32 $0x1FFFFE0, v11;
	v7 =	vand.u32 $0x10, v8  }
0x133: {  	v11 =	vshll.u32 v18, $0x4;
	v8 =	vshll.u32 v3, v7;
	v7 =	vshll.u32 v15, $0x4  }
0x134: {  	v24 =	vand.u32 $0x1FFFFE0, v16;
	v16 =	vshrl.u32 v19, $0x1;
	v20 =	vand.u32 $0x10, v7;
	v7 =	vld.idx.msk [tilespmem:v9+s16+$0x0], $0xffff  }
0x135: {  	v18 =	vand.u32 $0x7F, v21;
	v15 =	vshll.u32 v3, v10;
	v10 =	vshll.u32 v19, $0x4;
	v9 =	vld.idx.msk [tilespmem:v17+s16+$0x0], $0xffff  }
0x136: {  	v13 =	vshll.u32 v3, v20;
	v20 =	vshrl.u32 v19, $0x3;
	v19 =	vshll.u32 v24, $0x7  }
0x137: {  	v21 =	vand.u32 $0x7F, v26;
	v22 =	vand.u32 $0x7F, v22;
	v19 =	vor.u32 v1, v19  }
0x138: {  	v26 =	vand.u32 $0x1FFFFE0, v27;
	v19 =	vor.u32 v18, v19;
	v18 =	vand.u32 $0x1FFFFE0, v25  }
0x139: {  	v28 =	vand.u32 $0x1FFFFE0, v28;
	v17 =	vand.u32 $0x1FFFFE0, v20;
	v25 =	vshll.u32 v18, $0x7  }
0x13a: {  	v20 =	vshrl.u32 v7, $0x3;
	v24 =	vshrl.u32 v7, $0x1;
	v27 =	vshrl.u32 v9, $0x3  }
0x13b: {  	v18 =	vand.u32 $0x7F, v24;
	v24 =	vor.u32 v1, v25;
	v25 =	vshll.u32 v26, $0x7  }
0x13c: {  	s30 =	simm.s32 $0x8;
	v27 =	vand.u32 $0x1FFFFE0, v27;
	v26 =	vshll.u32 v23, $0x7;
	v23 =	vshll.u32 v28, $0x7  }
.LBB2_10:
0x13d: {  	s0 =	sadd.s32 $0x1, s30  }
0x13e: {  	s2 =	sadd.s32 $0x2, s30;
	s3 =	sadd.s32 $0x3, s30;
	v27 =	vshll.u32 v27, $0x7;
	v14 =	vand.u32 $0x7F, v14;
	v26 =	vor.u32 v1, v26;
	s4 =	smov.u32 s30  }
0x13f: {  	s31 =	sadd.s32 $0x6, s30;
	v28 =	vadd.s32 s0, v0;
	v29 =	vadd.s32 s2, v0;
	s0 =	sadd.s32 $0x4, s30;
	s2 =	sadd.s32 $0x5, s30;
	v27 =	vor.u32 v1, v27  }
0x140: {  	p0 =	slt.u32 s30, $0xC0;
	s30 =	sadd.s32 $0x8, s30;
	v14 =	vor.u32 v14, v26;
	v30 =	vadd.s32 s0, v0;
	v31 =	vadd.s32 s2, v0;
	s0 =	sadd.s32 $0x7, s4  }
0x141: {  	v26 =	vadd.s32 s3, v0;
	v32 =	vadd.s32 s31, v0;
	v33 =	vadd.s32 s0, v0  }
0x142: {  	v34 =	vshrl.u32 v9, $0x1;
	v25 =	vor.u32 v1, v25;
	v21 =	vor.u32 v21, v24  }
0x143: {  	v6 =	vshll.u32 v6, $0x4;
	[tilespmem:v19+s17+$0x0] =	vst.idx.add.s32.msk $0xffff, v15;
	v15 =	vor.u32 v22, v25;
	v19 =	vand.u32 $0x1FFFFE0, v20  }
0x144: {  	v16 =	vand.u32 $0x7F, v16;
	v6 =	vand.u32 $0x10, v6;
	v20 =	vld.idx.msk [tilespmem:v28+s16+$0x0], $0xffff;
	v19 =	vshll.u32 v19, $0x7  }
0x145: {  	v11 =	vand.u32 $0x10, v11;
	[tilespmem:v14+s17+$0x0] =	vst.idx.add.s32.msk $0xffff, v8;
	v8 =	vshll.u32 v3, v6;
	v6 =	vor.u32 v1, v19  }
0x146: {  	v12 =	vand.u32 $0x7F, v12;
	v14 =	vshll.u32 v17, $0x7;
	v17 =	vor.u32 v1, v23;
	v19 =	vld.idx.msk [tilespmem:v26+s16+$0x0], $0xffff  }
0x147: {  	v14 =	vor.u32 v1, v14;
	v12 =	vor.u32 v12, v17;
	v17 =	vor.u32 v18, v6;
	v22 =	vld.idx.msk [tilespmem:v33+s16+$0x0], $0xffff  }
0x148: {  	v23 =	vand.u32 $0x7F, v34;
	v18 =	vadd.s32 s4, v0;
	v16 =	vor.u32 v16, v14;
	[tilespmem:v21+s17+$0x0] =	vst.idx.add.s32.msk $0xffff, v13  }
0x149: {  	v9 =	vshll.u32 v9, $0x4;
	v7 =	vshll.u32 v7, $0x4;
	v13 =	vor.u32 v23, v27;
	v6 =	vld.idx.msk [tilespmem:v30+s16+$0x0], $0xffff  }
0x14a: {  	v10 =	vand.u32 $0x10, v10;
	v7 =	vand.u32 $0x10, v7;
	v14 =	vshll.u32 v20, $0x4;
	v21 =	vld.idx.msk [tilespmem:v31+s16+$0x0], $0xffff  }
0x14b: {  	v10 =	vshll.u32 v3, v10;
	v11 =	vshll.u32 v3, v11;
	v23 =	vand.u32 $0x10, v14;
	v24 =	vld.idx.msk [tilespmem:v29+s16+$0x0], $0xffff  }
0x14c: {  	v25 =	vshrl.u32 v19, $0x3;
	v14 =	vshrl.u32 v19, $0x1;
	v19 =	vshll.u32 v19, $0x4;
	[tilespmem:v15+s17+$0x0] =	vst.idx.add.s32.msk $0xffff, v8  }
0x14d: {  	v9 =	vand.u32 $0x10, v9;
	v26 =	vand.u32 $0x1FFFFE0, v25;
	v8 =	vand.u32 $0x10, v19;
	[tilespmem:v16+s17+$0x0] =	vst.idx.add.s32.msk $0xffff, v10  }
0x14e: {  	v9 =	vshll.u32 v3, v9;
	v8 =	vshll.u32 v3, v8;
	v10 =	vshll.u32 v22, $0x4;
	[tilespmem:v12+s17+$0x0] =	vst.idx.add.s32.msk $0xffff, v11  }
0x14f: {  	v7 =	vshll.u32 v3, v7;
	v10 =	vand.u32 $0x10, v10;
	[tilespmem:v13+s17+$0x0] =	vst.idx.add.s32.msk $0xffff, v9  }
0x150: {  	v12 =	vshrl.u32 v21, $0x1;
	v11 =	vshll.u32 v21, $0x4;
	[tilespmem:v17+s17+$0x0] =	vst.idx.add.s32.msk $0xffff, v7  }
0x151: {  	v19 =	vshrl.u32 v20, $0x1;
	v25 =	vshrl.u32 v6, $0x1;
	v13 =	vshrl.u32 v20, $0x3;
	v7 =	vld.idx.msk [tilespmem:v32+s16+$0x0], $0xffff  }
0x152: {  	v20 =	vshrl.u32 v22, $0x1;
	v17 =	vand.u32 $0x1FFFFE0, v13;
	v9 =	vld.idx.msk [tilespmem:v18+s16+$0x0], $0xffff;
	v18 =	vshrl.u32 v22, $0x3  }
0x153: {  	v15 =	vshll.u32 v3, v23;
	v16 =	vshrl.u32 v24, $0x1;
	v13 =	vshll.u32 v3, v10  }
0x154: {  	v23 =	vshrl.u32 v6, $0x3;
	v10 =	vshll.u32 v24, $0x4;
	v22 =	vshrl.u32 v24, $0x3  }
0x155: {  	v27 =	vshrl.u32 v21, $0x3;
	v24 =	vshll.u32 v17, $0x7;
	v17 =	vand.u32 $0x1FFFFE0, v22  }
0x156: {  	v19 =	vand.u32 $0x7F, v19;
	v21 =	vand.u32 $0x7F, v20;
	v22 =	vor.u32 v1, v24  }
.Ltmp4:
0x157: {  	v18 =	vand.u32 $0x1FFFFE0, v18;
	v19 =	vor.u32 v19, v22;
	v20 =	vshrl.u32 v7, $0x3;
	(pc) =	sbr.rel @p0 .LBB2_10-.Ltmp4, $4  }
0x158: {  	v22 =	vand.u32 $0x7F, v25;
	v25 =	vshll.u32 v18, $0x7;
	v24 =	vshrl.u32 v7, $0x1  }
0x159: {  	v23 =	vand.u32 $0x1FFFFE0, v23;
	v18 =	vand.u32 $0x7F, v24;
	v24 =	vor.u32 v1, v25  }
0x15a: {  	v28 =	vshrl.u32 v9, $0x3;
	v25 =	vshll.u32 v23, $0x7;
	v23 =	vand.u32 $0x1FFFFE0, v27  }
0x15b: {  	v26 =	vshll.u32 v26, $0x7;
	v27 =	vand.u32 $0x1FFFFE0, v28;
	v23 =	vshll.u32 v23, $0x7  }
0x15c: {  	v27 =	vshll.u32 v27, $0x7  }
0x15d: {  	v14 =	vand.u32 $0x7F, v14;
	v26 =	vor.u32 v1, v26;
	v25 =	vor.u32 v1, v25  }
0x15e: {  	v21 =	vor.u32 v21, v24;
	v6 =	vshll.u32 v6, $0x4;
	v20 =	vand.u32 $0x1FFFFE0, v20  }
0x15f: {  	v16 =	vand.u32 $0x7F, v16;
	v17 =	vshll.u32 v17, $0x7;
	v14 =	vor.u32 v14, v26  }
0x160: {  	v12 =	vand.u32 $0x7F, v12;
	v23 =	vor.u32 v1, v23;
	v10 =	vand.u32 $0x10, v10  }
0x161: {  	v27 =	vor.u32 v1, v27;
	v22 =	vor.u32 v22, v25;
	v17 =	vor.u32 v1, v17  }
0x162: {  	v26 =	vshrl.u32 v9, $0x1;
	v6 =	vand.u32 $0x10, v6;
	v16 =	vor.u32 v16, v17  }
0x163: {  	[tilespmem:v19+s17+$0x0] =	vst.idx.add.s32.msk $0xffff, v15;
	v20 =	vshll.u32 v20, $0x7;
	v12 =	vor.u32 v12, v23;
	v15 =	vand.u32 $0x7F, v26  }
0x164: {  	[tilespmem:v14+s17+$0x0] =	vst.idx.add.s32.msk $0xffff, v8;
	v8 =	vand.u32 $0x10, v11;
	v11 =	vor.u32 v1, v20;
	v14 =	vor.u32 v15, v27  }
0x165: {  	v7 =	vshll.u32 v7, $0x4;
	v6 =	vshll.u32 v3, v6;
	[tilespmem:v21+s17+$0x0] =	vst.idx.add.s32.msk $0xffff, v13;
	v11 =	vor.u32 v18, v11  }
0x166: {  	v9 =	vshll.u32 v9, $0x4;
	v10 =	vshll.u32 v3, v10;
	[tilespmem:v22+s17+$0x0] =	vst.idx.add.s32.msk $0xffff, v6;
	v6 =	vadd.s32 s28, v4  }
0x167: {  	v9 =	vand.u32 $0x10, v9;
	v8 =	vshll.u32 v3, v8;
	[tilespmem:v16+s17+$0x0] =	vst.idx.add.s32.msk $0xffff, v10;
	v10 =	vadd.s32 s24, v4  }
0x168: {  	v7 =	vand.u32 $0x10, v7;
	v9 =	vshll.u32 v3, v9;
	[tilespmem:v12+s17+$0x0] =	vst.idx.add.s32.msk $0xffff, v8;
	v8 =	vadd.s32 s23, v4  }
0x169: {  	v7 =	vshll.u32 v3, v7;
	v12 =	vadd.s32 s26, v4;
	[tilespmem:v14+s17+$0x0] =	vst.idx.add.s32.msk $0xffff, v9  }
0x16a: {  	[tilespmem:v11+s17+$0x0] =	vst.idx.add.s32.msk $0xffff, v7  }
0x16b: {  	v7 =	vadd.s32 s22, v4;
	v11 =	vld.idx.msk [tilespmem:v6+s16+$0x0], $0xffff  }
0x16c: {  	v9 =	vadd.s32 s25, v4;
	v10 =	vld.idx.msk [tilespmem:v10+s16+$0x0], $0xffff  }
0x16d: {  	v13 =	vld.idx.msk [tilespmem:v8+s16+$0x0], $0xffff  }
0x16e: {  	v19 =	vld.idx.msk [tilespmem:v12+s16+$0x0], $0xffff;
	_ =	sdelay $0x1  }
0x16f: {  	v17 =	vadd.s32 s21, v4;
	v18 =	vld.idx.msk [tilespmem:v7+s16+$0x0], $0xffff;
	v7 =	vadd.s32 s29, v4  }
0x170: {  	v6 =	vld.idx.msk [tilespmem:v9+s16+$0x0], $0xffff;
	v8 =	vshll.u32 v11, $0x4;
	v9 =	vshrl.u32 v10, $0x3;
	v14 =	vshrl.u32 v10, $0x1  }
0x171: {  	v16 =	vshrl.u32 v11, $0x3;
	v20 =	vshrl.u32 v11, $0x1;
	v24 =	vshrl.u32 v13, $0x3  }
0x172: {  	v25 =	vshrl.u32 v13, $0x1;
	v26 =	vshrl.u32 v19, $0x3;
	v11 =	vshll.u32 v19, $0x4  }
0x173: {  	v15 =	vand.u32 $0x10, v8;
	v8 =	vshll.u32 v10, $0x4;
	v23 =	vand.u32 $0x1FFFFE0, v9  }
0x174: {  	v9 =	vshll.u32 v13, $0x4;
	v21 =	vand.u32 $0x1FFFFE0, v16;
	v16 =	vshrl.u32 v19, $0x1  }
0x175: {  	v8 =	vand.u32 $0x10, v8;
	v10 =	vand.u32 $0x10, v9;
	v15 =	vshll.u32 v3, v15  }
0x176: {  	v19 =	vshll.u32 v21, $0x7;
	v21 =	vand.u32 $0x7F, v25;
	v8 =	vshll.u32 v3, v8  }
0x177: {  	v22 =	vshrl.u32 v6, $0x1;
	v13 =	vshll.u32 v3, v10;
	v27 =	vshrl.u32 v6, $0x3;
	v7 =	vld.idx.msk [tilespmem:v7+s16+$0x0], $0xffff  }
0x178: {  	v10 =	vld.idx.msk [tilespmem:v17+s16+$0x0], $0xffff;
	v17 =	vand.u32 $0x1FFFFE0, v26;
	v19 =	vor.u32 v5, v19;
	v12 =	vshrl.u32 v18, $0x1  }
0x179: {  	v9 =	vshll.u32 v18, $0x4;
	v26 =	vshrl.u32 v18, $0x3;
	v18 =	vand.u32 $0x7F, v20  }
0x17a: {  	v22 =	vand.u32 $0x7F, v22;
	v27 =	vand.u32 $0x1FFFFE0, v27;
	v19 =	vor.u32 v18, v19  }
0x17b: {  	v18 =	vand.u32 $0x1FFFFE0, v24;
	v29 =	vand.u32 $0x1FFFFE0, v26;
	v26 =	vshll.u32 v23, $0x7  }
0x17c: {  	v25 =	vshll.u32 v18, $0x7;
	v23 =	vshll.u32 v29, $0x7;
	v24 =	vshrl.u32 v7, $0x1  }
0x17d: {  	v28 =	vshrl.u32 v10, $0x3;
	v20 =	vshrl.u32 v7, $0x3;
	v18 =	vand.u32 $0x7F, v24  }
0x17e: {  	s21 =	simm.s32 $0x8;
	v24 =	vor.u32 v5, v25;
	v25 =	vshll.u32 v27, $0x7;
	v27 =	vand.u32 $0x1FFFFE0, v28  }
.LBB2_12:
0x17f: {  	s0 =	sadd.s32 $0x1, s21  }
0x180: {  	s2 =	sadd.s32 $0x2, s21;
	s3 =	sadd.s32 $0x3, s21;
	v27 =	vshll.u32 v27, $0x7;
	v14 =	vand.u32 $0x7F, v14;
	v26 =	vor.u32 v5, v26;
	s4 =	smov.u32 s21  }
0x181: {  	s22 =	sadd.s32 $0x6, s21;
	v28 =	vadd.s32 s0, v4;
	v29 =	vadd.s32 s2, v4;
	s0 =	sadd.s32 $0x4, s21;
	s2 =	sadd.s32 $0x5, s21;
	v27 =	vor.u32 v5, v27  }
0x182: {  	p0 =	slt.u32 s21, $0xC0;
	s21 =	sadd.s32 $0x8, s21;
	v14 =	vor.u32 v14, v26;
	v30 =	vadd.s32 s0, v4;
	v31 =	vadd.s32 s2, v4;
	s0 =	sadd.s32 $0x7, s4  }
0x183: {  	v26 =	vadd.s32 s3, v4;
	v32 =	vadd.s32 s22, v4;
	v33 =	vadd.s32 s0, v4  }
0x184: {  	v34 =	vshrl.u32 v10, $0x1;
	v25 =	vor.u32 v5, v25;
	v21 =	vor.u32 v21, v24  }
0x185: {  	v6 =	vshll.u32 v6, $0x4;
	[tilespmem:v19+s17+$0x0] =	vst.idx.add.s32.msk $0xffff, v15;
	v15 =	vor.u32 v22, v25;
	v19 =	vand.u32 $0x1FFFFE0, v20  }
0x186: {  	v16 =	vand.u32 $0x7F, v16;
	v6 =	vand.u32 $0x10, v6;
	v20 =	vld.idx.msk [tilespmem:v28+s16+$0x0], $0xffff;
	v19 =	vshll.u32 v19, $0x7  }
0x187: {  	v9 =	vand.u32 $0x10, v9;
	[tilespmem:v14+s17+$0x0] =	vst.idx.add.s32.msk $0xffff, v8;
	v8 =	vshll.u32 v3, v6;
	v6 =	vor.u32 v5, v19  }
0x188: {  	v12 =	vand.u32 $0x7F, v12;
	v14 =	vshll.u32 v17, $0x7;
	v17 =	vor.u32 v5, v23;
	v19 =	vld.idx.msk [tilespmem:v26+s16+$0x0], $0xffff  }
0x189: {  	v14 =	vor.u32 v5, v14;
	v12 =	vor.u32 v12, v17;
	v17 =	vor.u32 v18, v6;
	v22 =	vld.idx.msk [tilespmem:v33+s16+$0x0], $0xffff  }
0x18a: {  	v23 =	vand.u32 $0x7F, v34;
	v18 =	vadd.s32 s4, v4;
	v16 =	vor.u32 v16, v14;
	[tilespmem:v21+s17+$0x0] =	vst.idx.add.s32.msk $0xffff, v13  }
0x18b: {  	v10 =	vshll.u32 v10, $0x4;
	v7 =	vshll.u32 v7, $0x4;
	v13 =	vor.u32 v23, v27;
	v6 =	vld.idx.msk [tilespmem:v30+s16+$0x0], $0xffff  }
0x18c: {  	v11 =	vand.u32 $0x10, v11;
	v7 =	vand.u32 $0x10, v7;
	v14 =	vshll.u32 v20, $0x4;
	v21 =	vld.idx.msk [tilespmem:v31+s16+$0x0], $0xffff  }
0x18d: {  	v11 =	vshll.u32 v3, v11;
	v9 =	vshll.u32 v3, v9;
	v23 =	vand.u32 $0x10, v14;
	v24 =	vld.idx.msk [tilespmem:v29+s16+$0x0], $0xffff  }
0x18e: {  	v25 =	vshrl.u32 v19, $0x3;
	v14 =	vshrl.u32 v19, $0x1;
	v19 =	vshll.u32 v19, $0x4;
	[tilespmem:v15+s17+$0x0] =	vst.idx.add.s32.msk $0xffff, v8  }
0x18f: {  	v10 =	vand.u32 $0x10, v10;
	v26 =	vand.u32 $0x1FFFFE0, v25;
	v8 =	vand.u32 $0x10, v19;
	[tilespmem:v16+s17+$0x0] =	vst.idx.add.s32.msk $0xffff, v11  }
0x190: {  	v10 =	vshll.u32 v3, v10;
	v8 =	vshll.u32 v3, v8;
	v11 =	vshll.u32 v22, $0x4;
	[tilespmem:v12+s17+$0x0] =	vst.idx.add.s32.msk $0xffff, v9  }
0x191: {  	v7 =	vshll.u32 v3, v7;
	v11 =	vand.u32 $0x10, v11;
	[tilespmem:v13+s17+$0x0] =	vst.idx.add.s32.msk $0xffff, v10  }
0x192: {  	v12 =	vshrl.u32 v21, $0x1;
	v9 =	vshll.u32 v21, $0x4;
	[tilespmem:v17+s17+$0x0] =	vst.idx.add.s32.msk $0xffff, v7  }
0x193: {  	v19 =	vshrl.u32 v20, $0x1;
	v25 =	vshrl.u32 v6, $0x1;
	v13 =	vshrl.u32 v20, $0x3;
	v7 =	vld.idx.msk [tilespmem:v32+s16+$0x0], $0xffff  }
0x194: {  	v20 =	vshrl.u32 v22, $0x1;
	v17 =	vand.u32 $0x1FFFFE0, v13;
	v10 =	vld.idx.msk [tilespmem:v18+s16+$0x0], $0xffff;
	v18 =	vshrl.u32 v22, $0x3  }
0x195: {  	v15 =	vshll.u32 v3, v23;
	v16 =	vshrl.u32 v24, $0x1;
	v13 =	vshll.u32 v3, v11  }
0x196: {  	v23 =	vshrl.u32 v6, $0x3;
	v11 =	vshll.u32 v24, $0x4;
	v22 =	vshrl.u32 v24, $0x3  }
0x197: {  	v27 =	vshrl.u32 v21, $0x3;
	v24 =	vshll.u32 v17, $0x7;
	v17 =	vand.u32 $0x1FFFFE0, v22  }
0x198: {  	v19 =	vand.u32 $0x7F, v19;
	v21 =	vand.u32 $0x7F, v20;
	v22 =	vor.u32 v5, v24  }
.Ltmp5:
0x199: {  	v18 =	vand.u32 $0x1FFFFE0, v18;
	v19 =	vor.u32 v19, v22;
	v20 =	vshrl.u32 v7, $0x3;
	(pc) =	sbr.rel @p0 .LBB2_12-.Ltmp5, $4  }
0x19a: {  	v22 =	vand.u32 $0x7F, v25;
	v25 =	vshll.u32 v18, $0x7;
	v24 =	vshrl.u32 v7, $0x1  }
0x19b: {  	v23 =	vand.u32 $0x1FFFFE0, v23;
	v18 =	vand.u32 $0x7F, v24;
	v24 =	vor.u32 v5, v25  }
0x19c: {  	v28 =	vshrl.u32 v10, $0x3;
	v25 =	vshll.u32 v23, $0x7;
	v23 =	vand.u32 $0x1FFFFE0, v27  }
0x19d: {  	v26 =	vshll.u32 v26, $0x7;
	v27 =	vand.u32 $0x1FFFFE0, v28;
	v23 =	vshll.u32 v23, $0x7  }
0x19e: {  	v27 =	vshll.u32 v27, $0x7;
	v14 =	vand.u32 $0x7F, v14  }
0x19f: {  	v26 =	vor.u32 v5, v26;
	v63 =	vshrl.u32 v10, $0x1;
	v25 =	vor.u32 v5, v25  }
0x1a0: {  	v21 =	vor.u32 v21, v24;
	v6 =	vshll.u32 v6, $0x4;
	v14 =	vor.u32 v14, v26  }
0x1a1: {  	v17 =	vshll.u32 v17, $0x7;
	v20 =	vand.u32 $0x1FFFFE0, v20;
	v16 =	vand.u32 $0x7F, v16  }
0x1a2: {  	v12 =	vand.u32 $0x7F, v12;
	v22 =	vor.u32 v22, v25;
	v17 =	vor.u32 v5, v17  }
0x1a3: {  	v23 =	vor.u32 v5, v23;
	v27 =	vor.u32 v5, v27;
	v16 =	vor.u32 v16, v17  }
0x1a4: {  	[tilespmem:v19+s17+$0x0] =	vst.idx.add.s32.msk $0xffff, v15;
	v15 =	vshll.u32 v20, $0x7;
	v12 =	vor.u32 v12, v23;
	v17 =	vand.u32 $0x7F, v63  }
0x1a5: {  	v6 =	vand.u32 $0x10, v6;
	[tilespmem:v14+s17+$0x0] =	vst.idx.add.s32.msk $0xffff, v8;
	v8 =	vor.u32 v5, v15;
	v14 =	vor.u32 v17, v27  }
0x1a6: {  	v11 =	vand.u32 $0x10, v11;
	v6 =	vshll.u32 v3, v6;
	[tilespmem:v21+s17+$0x0] =	vst.idx.add.s32.msk $0xffff, v13;
	v8 =	vor.u32 v18, v8  }
0x1a7: {  	v9 =	vand.u32 $0x10, v9;
	v10 =	vshll.u32 v10, $0x4;
	v11 =	vshll.u32 v3, v11;
	[tilespmem:v22+s17+$0x0] =	vst.idx.add.s32.msk $0xffff, v6  }
0x1a8: {  	v6 =	vshll.u32 v7, $0x4;
	v7 =	vshll.u32 v3, v9;
	v9 =	vand.u32 $0x10, v10;
	[tilespmem:v16+s17+$0x0] =	vst.idx.add.s32.msk $0xffff, v11  }
0x1a9: {  	v6 =	vand.u32 $0x10, v6;
	v9 =	vshll.u32 v3, v9;
	[tilespmem:v12+s17+$0x0] =	vst.idx.add.s32.msk $0xffff, v7  }
0x1aa: {  	s23 =	simm.s32 $0x2;
	v6 =	vshll.u32 v3, v6;
	[tilespmem:v14+s17+$0x0] =	vst.idx.add.s32.msk $0xffff, v9  }
0x1ab: {  	s21 =	simm.s32 $0x0;
	s24 =	simm.s32 $0x6;
	s22 =	simm.s32 $0x4;
	[tilespmem:v8+s17+$0x0] =	vst.idx.add.s32.msk $0xffff, v6;
	v6 =	vadd.s32 s23, v0  }
0x1ac: {  	v7 =	vadd.s32 s24, v0;
	[hbm4b:s6+s21] =	stream.linear.scatter [tilespmem:s17], [sflag:$0x2], $0x4000, $0x38;
	[tilespmem:$0xB200] =	vst v63  }
0x1ad: {  	v8 =	vadd.s32 s22, v0;
	_ =	swait.ge [sflag:s18], $0x4000  }
0x1ae: {  	s25 =	simm.s32 $0x1;
	v9 =	vadd.s32 s21, v0;
	[sflag:s18] =	ssyncset.done $0x0  }
0x1af: {  	s26 =	simm.s32 $0x3;
	v10 =	vadd.s32 s25, v0;
	[sflag:s18] =	ssyncadd.s32 $0xFFFFC000  }
0x1b0: {  	s28 =	simm.s32 $0x5;
	v11 =	vadd.s32 s26, v0;
	v6 =	vld.idx.msk [tilespmem:v6+s21+$0x0], $0xffff  }
0x1b1: {  	v12 =	vadd.s32 s28, v0;
	v7 =	vld.idx.msk [tilespmem:v7+s21+$0x0], $0xffff  }
0x1b2: {  	v8 =	vld.idx.msk [tilespmem:v8+s21+$0x0], $0xffff  }
0x1b3: {  	v9 =	vld.idx.msk [tilespmem:v9+s21+$0x0], $0xffff  }
0x1b4: {  	s29 =	simm.s32 $0x7;
	v16 =	vld.idx.msk [tilespmem:v10+s21+$0x0], $0xffff  }
0x1b5: {  	v14 =	vadd.s32 s29, v0;
	v18 =	vld.idx.msk [tilespmem:v11+s21+$0x0], $0xffff  }
0x1b6: {  	v20 =	vld.idx.msk [tilespmem:v12+s21+$0x0], $0xffff;
	_ =	sdelay $0x1  }
0x1b7: {  	v11 =	vshrl.u32 v6, $0x1;
	v10 =	vshrl.u32 v7, $0x3;
	v19 =	vshrl.u32 v7, $0x1  }
0x1b8: {  	v12 =	vshrl.u32 v6, $0x3;
	v13 =	vshrl.u32 v8, $0x1;
	v7 =	vshrl.u32 v9, $0x3  }
0x1b9: {  	v6 =	vld.idx.msk [tilespmem:v14+s21+$0x0], $0xffff;
	v14 =	vshrl.u32 v9, $0x1;
	v8 =	vshrl.u32 v8, $0x3;
	v9 =	vshrl.u32 v16, $0x1  }
0x1ba: {  	v21 =	vshrl.u32 v18, $0x3;
	v15 =	vshrl.u32 v20, $0x1;
	v20 =	vshrl.u32 v20, $0x3  }
0x1bb: {  	v18 =	vshrl.u32 v18, $0x1;
	v10 =	vand.u32 $0x1FFFFE0, v10;
	v12 =	vand.u32 $0x1FFFFE0, v12  }
0x1bc: {  	v7 =	vand.u32 $0x1FFFFE0, v7;
	v11 =	vand.u32 $0x7F, v11;
	v12 =	vshll.u32 v12, $0x7  }
0x1bd: {  	v17 =	vand.u32 $0x1FFFFE0, v8;
	v8 =	vand.u32 $0x7F, v14;
	v12 =	vor.u32 v1, v12  }
0x1be: {  	v21 =	vand.u32 $0x1FFFFE0, v21;
	v14 =	vor.u32 v11, v12;
	v12 =	vand.u32 $0x7F, v19  }
0x1bf: {  	s30 =	simm.s32 $0x8;
	v19 =	vshrl.u32 v16, $0x3;
	v16 =	vshll.u32 v21, $0x7;
	v11 =	vshrl.u32 v6, $0x3  }
.LBB2_14:
0x1c0: {  	s0 =	sadd.s32 $0x1, s30  }
0x1c1: {  	s2 =	sadd.s32 $0x2, s30;
	s3 =	sadd.s32 $0x7, s30;
	v17 =	vshll.u32 v17, $0x7;
	v13 =	vand.u32 $0x7F, v13;
	v20 =	vand.u32 $0x1FFFFE0, v20;
	s4 =	smov.u32 s30  }
0x1c2: {  	s31 =	sadd.s32 $0x6, s30;
	v19 =	vand.u32 $0x1FFFFE0, v19;
	v21 =	vadd.s32 s0, v0;
	v22 =	vadd.s32 s2, v0;
	s0 =	sadd.s32 $0x3, s30;
	s2 =	sadd.s32 $0x4, s30  }
0x1c3: {  	p0 =	slt.u32 s30, $0xC0;
	v10 =	vshll.u32 v10, $0x7;
	v24 =	vadd.s32 s31, v0;
	s30 =	sadd.s32 $0x8, s30;
	v23 =	vadd.s32 s2, v0;
	s2 =	sadd.s32 $0x5, s4;
	[tilespmem:v14+s15+$0x0] =	vst.idx.msk $0xffff, v2  }
0x1c4: {  	v18 =	vand.u32 $0x7F, v18;
	v14 =	vadd.s32 s0, v0;
	v25 =	vadd.s32 s2, v0  }
0x1c5: {  	v15 =	vand.u32 $0x7F, v15;
	v26 =	vadd.s32 s4, v0;
	v27 =	vadd.s32 s3, v0  }
0x1c6: {  	v16 =	vor.u32 v1, v16;
	v17 =	vor.u32 v1, v17;
	v20 =	vshll.u32 v20, $0x7  }
0x1c7: {  	v16 =	vor.u32 v18, v16;
	v10 =	vor.u32 v1, v10;
	v13 =	vor.u32 v13, v17;
	v22 =	vld.idx.msk [tilespmem:v22+s21+$0x0], $0xffff  }
0x1c8: {  	v18 =	vshll.u32 v19, $0x7;
	v19 =	vor.u32 v1, v20;
	v10 =	vor.u32 v12, v10;
	v17 =	vld.idx.msk [tilespmem:v24+s21+$0x0], $0xffff  }
0x1c9: {  	v9 =	vand.u32 $0x7F, v9;
	v11 =	vand.u32 $0x1FFFFE0, v11;
	v18 =	vor.u32 v1, v18;
	v12 =	vld.idx.msk [tilespmem:v23+s21+$0x0], $0xffff  }
0x1ca: {  	v11 =	vshll.u32 v11, $0x7;
	v9 =	vor.u32 v9, v18;
	v18 =	vshrl.u32 v6, $0x1;
	v20 =	vld.idx.msk [tilespmem:v26+s21+$0x0], $0xffff  }
0x1cb: {  	v7 =	vshll.u32 v7, $0x7;
	v11 =	vor.u32 v1, v11;
	v18 =	vand.u32 $0x7F, v18;
	v6 =	vld.idx.msk [tilespmem:v27+s21+$0x0], $0xffff  }
0x1cc: {  	v7 =	vor.u32 v1, v7;
	v11 =	vor.u32 v18, v11;
	v21 =	vld.idx.msk [tilespmem:v21+s21+$0x0], $0xffff;
	[tilespmem:v13+s15+$0x0] =	vst.idx.msk $0xffff, v2  }
0x1cd: {  	v18 =	vld.idx.msk [tilespmem:v14+s21+$0x0], $0xffff;
	v14 =	vor.u32 v8, v7;
	v8 =	vor.u32 v15, v19  }
0x1ce: {  	v15 =	vshrl.u32 v22, $0x1;
	v7 =	vshrl.u32 v17, $0x3;
	v23 =	vshrl.u32 v17, $0x1;
	v19 =	vld.idx.msk [tilespmem:v25+s21+$0x0], $0xffff;
	[tilespmem:v10+s15+$0x0] =	vst.idx.msk $0xffff, v2  }
0x1cf: {  	v17 =	vshrl.u32 v22, $0x3;
	v13 =	vshrl.u32 v12, $0x1;
	v10 =	vand.u32 $0x1FFFFE0, v7;
	[tilespmem:v9+s15+$0x0] =	vst.idx.msk $0xffff, v2  }
0x1d0: {  	v12 =	vshrl.u32 v12, $0x3;
	v7 =	vshrl.u32 v20, $0x3;
	v20 =	vshrl.u32 v20, $0x1;
	[tilespmem:v16+s15+$0x0] =	vst.idx.msk $0xffff, v2  }
0x1d1: {  	v15 =	vand.u32 $0x7F, v15;
	v7 =	vand.u32 $0x1FFFFE0, v7;
	v16 =	vand.u32 $0x1FFFFE0, v17;
	[tilespmem:v11+s15+$0x0] =	vst.idx.msk $0xffff, v2  }
.Ltmp6:
0x1d2: {  	v17 =	vand.u32 $0x1FFFFE0, v12;
	v9 =	vshrl.u32 v21, $0x1;
	v11 =	vshll.u32 v16, $0x7;
	[tilespmem:v8+s15+$0x0] =	vst.idx.msk $0xffff, v2;
	(pc) =	sbr.rel @p0 .LBB2_14-.Ltmp6, $4  }
0x1d3: {  	v8 =	vand.u32 $0x7F, v20;
	v11 =	vor.u32 v1, v11;
	v16 =	vshrl.u32 v18, $0x3;
	[tilespmem:v14+s15+$0x0] =	vst.idx.msk $0xffff, v2  }
0x1d4: {  	v12 =	vand.u32 $0x7F, v23;
	v14 =	vor.u32 v15, v11;
	v15 =	vshrl.u32 v19, $0x1  }
0x1d5: {  	v16 =	vand.u32 $0x1FFFFE0, v16;
	v20 =	vshrl.u32 v19, $0x3;
	v11 =	vshrl.u32 v6, $0x3  }
0x1d6: {  	v18 =	vshrl.u32 v18, $0x1;
	v19 =	vshrl.u32 v21, $0x3;
	v16 =	vshll.u32 v16, $0x7  }
0x1d7: {  	v17 =	vshll.u32 v17, $0x7  }
0x1d8: {  	v13 =	vand.u32 $0x7F, v13;
	v20 =	vand.u32 $0x1FFFFE0, v20;
	v19 =	vand.u32 $0x1FFFFE0, v19  }
0x1d9: {  	v10 =	vshll.u32 v10, $0x7;
	v15 =	vand.u32 $0x7F, v15;
	v11 =	vand.u32 $0x1FFFFE0, v11  }
0x1da: {  	v6 =	vshrl.u32 v6, $0x1;
	v7 =	vshll.u32 v7, $0x7;
	v17 =	vor.u32 v1, v17  }
0x1db: {  	v20 =	vshll.u32 v20, $0x7;
	v10 =	vor.u32 v1, v10;
	v13 =	vor.u32 v13, v17  }
0x1dc: {  	v11 =	vshll.u32 v11, $0x7;
	v7 =	vor.u32 v1, v7;
	v10 =	vor.u32 v12, v10  }
0x1dd: {  	v6 =	vand.u32 $0x7F, v6;
	v11 =	vor.u32 v1, v11;
	v7 =	vor.u32 v8, v7  }
0x1de: {  	[tilespmem:v14+s15+$0x0] =	vst.idx.msk $0xffff, v2;
	v17 =	vshll.u32 v19, $0x7;
	v14 =	vor.u32 v1, v20;
	v6 =	vor.u32 v6, v11  }
0x1df: {  	v9 =	vand.u32 $0x7F, v9;
	v12 =	vor.u32 v1, v17;
	v11 =	vor.u32 v15, v14  }
0x1e0: {  	v18 =	vand.u32 $0x7F, v18;
	v16 =	vor.u32 v1, v16;
	v9 =	vor.u32 v9, v12;
	[tilespmem:v13+s15+$0x0] =	vst.idx.msk $0xffff, v2  }
0x1e1: {  	v12 =	vor.u32 v18, v16;
	[tilespmem:v10+s15+$0x0] =	vst.idx.msk $0xffff, v2  }
0x1e2: {  	v8 =	vadd.s32 s23, v4;
	[tilespmem:v7+s15+$0x0] =	vst.idx.msk $0xffff, v2  }
0x1e3: {  	v10 =	vadd.s32 s21, v4;
	[tilespmem:v6+s15+$0x0] =	vst.idx.msk $0xffff, v2  }
0x1e4: {  	v7 =	vadd.s32 s25, v4;
	[tilespmem:v11+s15+$0x0] =	vst.idx.msk $0xffff, v2  }
0x1e5: {  	v6 =	vadd.s32 s22, v4;
	[tilespmem:v9+s15+$0x0] =	vst.idx.msk $0xffff, v2  }
0x1e6: {  	v11 =	vadd.s32 s26, v4;
	[tilespmem:v12+s15+$0x0] =	vst.idx.msk $0xffff, v2  }
0x1e7: {  	v9 =	vadd.s32 s24, v4;
	v8 =	vld.idx.msk [tilespmem:v8+s1+$0x0], $0xffff  }
0x1e8: {  	v15 =	vld.idx.msk [tilespmem:v10+s1+$0x0], $0xffff  }
0x1e9: {  	v16 =	vld.idx.msk [tilespmem:v7+s1+$0x0], $0xffff  }
0x1ea: {  	v12 =	vadd.s32 s28, v4;
	v14 =	vld.idx.msk [tilespmem:v6+s1+$0x0], $0xffff  }
0x1eb: {  	v18 =	vld.idx.msk [tilespmem:v11+s1+$0x0], $0xffff  }
0x1ec: {  	v6 =	vadd.s32 s29, v4;
	v9 =	vld.idx.msk [tilespmem:v9+s1+$0x0], $0xffff  }
0x1ed: {  	v11 =	vshrl.u32 v8, $0x1;
	v8 =	vshrl.u32 v8, $0x3  }
0x1ee: {  	v8 =	vand.u32 $0x1FFFFE0, v8  }
0x1ef: {  	v20 =	vld.idx.msk [tilespmem:v12+s1+$0x0], $0xffff;
	v11 =	vand.u32 $0x7F, v11;
	v12 =	vshrl.u32 v15, $0x1;
	v13 =	vshrl.u32 v14, $0x1  }
0x1f0: {  	v14 =	vshrl.u32 v14, $0x3;
	v21 =	vshrl.u32 v18, $0x3;
	v18 =	vshrl.u32 v18, $0x1  }
0x1f1: {  	v6 =	vld.idx.msk [tilespmem:v6+s1+$0x0], $0xffff;
	v7 =	vshrl.u32 v9, $0x3;
	v19 =	vshrl.u32 v9, $0x1;
	v9 =	vshrl.u32 v16, $0x1  }
0x1f2: {  	v17 =	vand.u32 $0x1FFFFE0, v14;
	v21 =	vand.u32 $0x1FFFFE0, v21;
	v10 =	vand.u32 $0x1FFFFE0, v7  }
0x1f3: {  	v7 =	vshrl.u32 v15, $0x3;
	v15 =	vshll.u32 v8, $0x7;
	v8 =	vand.u32 $0x7F, v12  }
0x1f4: {  	v7 =	vand.u32 $0x1FFFFE0, v7;
	v12 =	vor.u32 v5, v15;
	v15 =	vshrl.u32 v20, $0x1  }
0x1f5: {  	v20 =	vshrl.u32 v20, $0x3;
	v14 =	vor.u32 v11, v12;
	v12 =	vand.u32 $0x7F, v19  }
0x1f6: {  	s21 =	simm.s32 $0x8;
	v19 =	vshrl.u32 v16, $0x3;
	v16 =	vshll.u32 v21, $0x7;
	v11 =	vshrl.u32 v6, $0x3  }
.LBB2_16:
0x1f7: {  	s0 =	sadd.s32 $0x1, s21  }
0x1f8: {  	s2 =	sadd.s32 $0x2, s21;
	s3 =	sadd.s32 $0x7, s21;
	v17 =	vshll.u32 v17, $0x7;
	v13 =	vand.u32 $0x7F, v13;
	v20 =	vand.u32 $0x1FFFFE0, v20;
	s4 =	smov.u32 s21  }
0x1f9: {  	s22 =	sadd.s32 $0x6, s21;
	v19 =	vand.u32 $0x1FFFFE0, v19;
	v21 =	vadd.s32 s0, v4;
	v22 =	vadd.s32 s2, v4;
	s0 =	sadd.s32 $0x3, s21;
	s2 =	sadd.s32 $0x4, s21  }
0x1fa: {  	p0 =	slt.u32 s21, $0xC0;
	v10 =	vshll.u32 v10, $0x7;
	v24 =	vadd.s32 s22, v4;
	s21 =	sadd.s32 $0x8, s21;
	v23 =	vadd.s32 s2, v4;
	s2 =	sadd.s32 $0x5, s4;
	[tilespmem:v14+s15+$0x0] =	vst.idx.msk $0xffff, v2  }
0x1fb: {  	v18 =	vand.u32 $0x7F, v18;
	v14 =	vadd.s32 s0, v4;
	v25 =	vadd.s32 s2, v4  }
0x1fc: {  	v15 =	vand.u32 $0x7F, v15;
	v26 =	vadd.s32 s4, v4;
	v27 =	vadd.s32 s3, v4  }
0x1fd: {  	v16 =	vor.u32 v5, v16;
	v17 =	vor.u32 v5, v17;
	v20 =	vshll.u32 v20, $0x7  }
0x1fe: {  	v16 =	vor.u32 v18, v16;
	v10 =	vor.u32 v5, v10;
	v13 =	vor.u32 v13, v17;
	v22 =	vld.idx.msk [tilespmem:v22+s1+$0x0], $0xffff  }
0x1ff: {  	v18 =	vshll.u32 v19, $0x7;
	v19 =	vor.u32 v5, v20;
	v10 =	vor.u32 v12, v10;
	v17 =	vld.idx.msk [tilespmem:v24+s1+$0x0], $0xffff  }
0x200: {  	v9 =	vand.u32 $0x7F, v9;
	v11 =	vand.u32 $0x1FFFFE0, v11;
	v18 =	vor.u32 v5, v18;
	v12 =	vld.idx.msk [tilespmem:v23+s1+$0x0], $0xffff  }
0x201: {  	v11 =	vshll.u32 v11, $0x7;
	v9 =	vor.u32 v9, v18;
	v18 =	vshrl.u32 v6, $0x1;
	v20 =	vld.idx.msk [tilespmem:v26+s1+$0x0], $0xffff  }
0x202: {  	v7 =	vshll.u32 v7, $0x7;
	v11 =	vor.u32 v5, v11;
	v18 =	vand.u32 $0x7F, v18;
	v6 =	vld.idx.msk [tilespmem:v27+s1+$0x0], $0xffff  }
0x203: {  	v7 =	vor.u32 v5, v7;
	v11 =	vor.u32 v18, v11;
	v21 =	vld.idx.msk [tilespmem:v21+s1+$0x0], $0xffff;
	[tilespmem:v13+s15+$0x0] =	vst.idx.msk $0xffff, v2  }
0x204: {  	v18 =	vld.idx.msk [tilespmem:v14+s1+$0x0], $0xffff;
	v14 =	vor.u32 v8, v7;
	v8 =	vor.u32 v15, v19  }
0x205: {  	v15 =	vshrl.u32 v22, $0x1;
	v7 =	vshrl.u32 v17, $0x3;
	v23 =	vshrl.u32 v17, $0x1;
	v19 =	vld.idx.msk [tilespmem:v25+s1+$0x0], $0xffff;
	[tilespmem:v10+s15+$0x0] =	vst.idx.msk $0xffff, v2  }
0x206: {  	v17 =	vshrl.u32 v22, $0x3;
	v13 =	vshrl.u32 v12, $0x1;
	v10 =	vand.u32 $0x1FFFFE0, v7;
	[tilespmem:v9+s15+$0x0] =	vst.idx.msk $0xffff, v2  }
0x207: {  	v12 =	vshrl.u32 v12, $0x3;
	v7 =	vshrl.u32 v20, $0x3;
	v20 =	vshrl.u32 v20, $0x1;
	[tilespmem:v16+s15+$0x0] =	vst.idx.msk $0xffff, v2  }
0x208: {  	v15 =	vand.u32 $0x7F, v15;
	v7 =	vand.u32 $0x1FFFFE0, v7;
	v16 =	vand.u32 $0x1FFFFE0, v17;
	[tilespmem:v11+s15+$0x0] =	vst.idx.msk $0xffff, v2  }
.Ltmp7:
0x209: {  	v17 =	vand.u32 $0x1FFFFE0, v12;
	v9 =	vshrl.u32 v21, $0x1;
	v11 =	vshll.u32 v16, $0x7;
	[tilespmem:v8+s15+$0x0] =	vst.idx.msk $0xffff, v2;
	(pc) =	sbr.rel @p0 .LBB2_16-.Ltmp7, $4  }
0x20a: {  	v8 =	vand.u32 $0x7F, v20;
	v11 =	vor.u32 v5, v11;
	v16 =	vshrl.u32 v18, $0x3;
	[tilespmem:v14+s15+$0x0] =	vst.idx.msk $0xffff, v2  }
0x20b: {  	v12 =	vand.u32 $0x7F, v23;
	v14 =	vor.u32 v15, v11;
	v15 =	vshrl.u32 v19, $0x1  }
0x20c: {  	v16 =	vand.u32 $0x1FFFFE0, v16;
	v20 =	vshrl.u32 v19, $0x3;
	v11 =	vshrl.u32 v6, $0x3  }
0x20d: {  	v18 =	vshrl.u32 v18, $0x1;
	v19 =	vshrl.u32 v21, $0x3;
	v16 =	vshll.u32 v16, $0x7  }
0x20e: {  	v17 =	vshll.u32 v17, $0x7  }
0x20f: {  	v13 =	vand.u32 $0x7F, v13;
	v20 =	vand.u32 $0x1FFFFE0, v20;
	v19 =	vand.u32 $0x1FFFFE0, v19  }
0x210: {  	v10 =	vshll.u32 v10, $0x7;
	v15 =	vand.u32 $0x7F, v15;
	v11 =	vand.u32 $0x1FFFFE0, v11  }
0x211: {  	v6 =	vshrl.u32 v6, $0x1;
	v7 =	vshll.u32 v7, $0x7;
	v17 =	vor.u32 v5, v17  }
0x212: {  	v20 =	vshll.u32 v20, $0x7;
	v10 =	vor.u32 v5, v10;
	v13 =	vor.u32 v13, v17  }
0x213: {  	v11 =	vshll.u32 v11, $0x7;
	v7 =	vor.u32 v5, v7;
	v10 =	vor.u32 v12, v10  }
0x214: {  	v6 =	vand.u32 $0x7F, v6;
	v11 =	vor.u32 v5, v11;
	v7 =	vor.u32 v8, v7  }
0x215: {  	[tilespmem:v14+s15+$0x0] =	vst.idx.msk $0xffff, v2;
	v17 =	vshll.u32 v19, $0x7;
	v14 =	vor.u32 v5, v20;
	v6 =	vor.u32 v6, v11  }
0x216: {  	v9 =	vand.u32 $0x7F, v9;
	v12 =	vor.u32 v5, v17;
	v11 =	vor.u32 v15, v14  }
0x217: {  	v18 =	vand.u32 $0x7F, v18;
	v16 =	vor.u32 v5, v16;
	v9 =	vor.u32 v9, v12;
	[tilespmem:v13+s15+$0x0] =	vst.idx.msk $0xffff, v2  }
0x218: {  	v12 =	vor.u32 v18, v16;
	[tilespmem:v10+s15+$0x0] =	vst.idx.msk $0xffff, v2  }
0x219: {  	[tilespmem:v7+s15+$0x0] =	vst.idx.msk $0xffff, v2  }
0x21a: {  	[tilespmem:v6+s15+$0x0] =	vst.idx.msk $0xffff, v2  }
0x21b: {  	[tilespmem:v11+s15+$0x0] =	vst.idx.msk $0xffff, v2  }
0x21c: {  	s25 =	simm.s32 $0x1;
	[tilespmem:v9+s15+$0x0] =	vst.idx.msk $0xffff, v2  }
0x21d: {  	s21 =	simm.s32 $0x0;
	s24 =	simm.s32 $0x3;
	s23 =	simm.s32 $0x7;
	v6 =	vadd.s32 s25, v0;
	[tilespmem:v12+s15+$0x0] =	vst.idx.msk $0xffff, v2  }
0x21e: {  	v7 =	vadd.s32 s24, v0;
	[tilespmem:s21], [sflag:$0x3] =	stream.strided.gather [hbm4b:s7+s12], $0x1900, s13, s12, $0x38;
	[tilespmem:$0xB200] =	vst v63  }
0x21f: {  	s22 =	simm.s32 $0x5;
	v8 =	vadd.s32 s23, v0;
	_ =	swait.ge [sflag:s14], $0x1900  }
0x220: {  	s26 =	simm.s32 $0x4;
	v9 =	vadd.s32 s22, v0;
	[sflag:s14] =	ssyncset.done $0x0  }
0x221: {  	v10 =	vadd.s32 s26, v0;
	[sflag:s14] =	ssyncadd.s32 $0xFFFFE700  }
0x222: {  	v13 =	vld.idx.msk [tilespmem:v6+s21+$0x0], $0xffff  }
0x223: {  	s28 =	simm.s32 $0x2;
	v7 =	vld.idx.msk [tilespmem:v7+s21+$0x0], $0xffff  }
0x224: {  	v11 =	vadd.s32 s28, v0;
	v15 =	vld.idx.msk [tilespmem:v8+s21+$0x0], $0xffff  }
0x225: {  	v18 =	vld.idx.msk [tilespmem:v9+s21+$0x0], $0xffff  }
0x226: {  	v6 =	vld.idx.msk [tilespmem:v10+s21+$0x0], $0xffff  }
0x227: {  	s29 =	simm.s32 $0x6  }
0x228: {  	v17 =	vadd.s32 s21, v0;
	v9 =	vadd.s32 s29, v0  }
0x229: {  	v19 =	vld.idx.msk [tilespmem:v11+s21+$0x0], $0xffff;
	v8 =	vshll.u32 v13, $0x4;
	v11 =	vshrl.u32 v7, $0x3;
	v14 =	vshrl.u32 v7, $0x1  }
0x22a: {  	v12 =	vshrl.u32 v18, $0x1;
	v16 =	vshrl.u32 v13, $0x3;
	v21 =	vshrl.u32 v13, $0x1  }
0x22b: {  	v22 =	vshrl.u32 v6, $0x1;
	v25 =	vshrl.u32 v15, $0x3;
	v26 =	vshrl.u32 v15, $0x1  }
0x22c: {  	v27 =	vshrl.u32 v6, $0x3;
	v10 =	vand.u32 $0x10, v8;
	v8 =	vshll.u32 v7, $0x4  }
0x22d: {  	v28 =	vshrl.u32 v18, $0x3;
	v23 =	vand.u32 $0x1FFFFE0, v11;
	v7 =	vand.u32 $0x10, v8  }
0x22e: {  	v11 =	vshll.u32 v18, $0x4;
	v8 =	vshll.u32 v3, v7;
	v7 =	vshll.u32 v15, $0x4  }
0x22f: {  	v24 =	vand.u32 $0x1FFFFE0, v16;
	v16 =	vshrl.u32 v19, $0x1;
	v20 =	vand.u32 $0x10, v7;
	v7 =	vld.idx.msk [tilespmem:v9+s21+$0x0], $0xffff  }
0x230: {  	v18 =	vand.u32 $0x7F, v21;
	v15 =	vshll.u32 v3, v10;
	v10 =	vshll.u32 v19, $0x4;
	v9 =	vld.idx.msk [tilespmem:v17+s21+$0x0], $0xffff  }
0x231: {  	v13 =	vshll.u32 v3, v20;
	v20 =	vshrl.u32 v19, $0x3;
	v19 =	vshll.u32 v24, $0x7  }
0x232: {  	v21 =	vand.u32 $0x7F, v26;
	v22 =	vand.u32 $0x7F, v22;
	v19 =	vor.u32 v1, v19  }
0x233: {  	v26 =	vand.u32 $0x1FFFFE0, v27;
	v19 =	vor.u32 v18, v19;
	v18 =	vand.u32 $0x1FFFFE0, v25  }
0x234: {  	v28 =	vand.u32 $0x1FFFFE0, v28;
	v17 =	vand.u32 $0x1FFFFE0, v20;
	v25 =	vshll.u32 v18, $0x7  }
0x235: {  	v20 =	vshrl.u32 v7, $0x3;
	v24 =	vshrl.u32 v7, $0x1;
	v27 =	vshrl.u32 v9, $0x3  }
0x236: {  	v18 =	vand.u32 $0x7F, v24;
	v24 =	vor.u32 v1, v25;
	v25 =	vshll.u32 v26, $0x7  }
0x237: {  	s30 =	simm.s32 $0x8;
	v27 =	vand.u32 $0x1FFFFE0, v27;
	v26 =	vshll.u32 v23, $0x7;
	v23 =	vshll.u32 v28, $0x7  }
.LBB2_18:
0x238: {  	s0 =	sadd.s32 $0x1, s30  }
0x239: {  	s2 =	sadd.s32 $0x2, s30;
	s3 =	sadd.s32 $0x3, s30;
	v27 =	vshll.u32 v27, $0x7;
	v14 =	vand.u32 $0x7F, v14;
	v26 =	vor.u32 v1, v26;
	s4 =	smov.u32 s30  }
0x23a: {  	s31 =	sadd.s32 $0x6, s30;
	v28 =	vadd.s32 s0, v0;
	v29 =	vadd.s32 s2, v0;
	s0 =	sadd.s32 $0x4, s30;
	s2 =	sadd.s32 $0x5, s30;
	v27 =	vor.u32 v1, v27  }
0x23b: {  	p0 =	slt.u32 s30, $0xC0;
	s30 =	sadd.s32 $0x8, s30;
	v14 =	vor.u32 v14, v26;
	v30 =	vadd.s32 s0, v0;
	v31 =	vadd.s32 s2, v0;
	s0 =	sadd.s32 $0x7, s4  }
0x23c: {  	v26 =	vadd.s32 s3, v0;
	v32 =	vadd.s32 s31, v0;
	v33 =	vadd.s32 s0, v0  }
0x23d: {  	v34 =	vshrl.u32 v9, $0x1;
	v25 =	vor.u32 v1, v25;
	v21 =	vor.u32 v21, v24  }
0x23e: {  	v6 =	vshll.u32 v6, $0x4;
	[tilespmem:v19+s15+$0x0] =	vst.idx.add.s32.msk $0xffff, v15;
	v15 =	vor.u32 v22, v25;
	v19 =	vand.u32 $0x1FFFFE0, v20  }
0x23f: {  	v16 =	vand.u32 $0x7F, v16;
	v6 =	vand.u32 $0x10, v6;
	v20 =	vld.idx.msk [tilespmem:v28+s21+$0x0], $0xffff;
	v19 =	vshll.u32 v19, $0x7  }
0x240: {  	v11 =	vand.u32 $0x10, v11;
	[tilespmem:v14+s15+$0x0] =	vst.idx.add.s32.msk $0xffff, v8;
	v8 =	vshll.u32 v3, v6;
	v6 =	vor.u32 v1, v19  }
0x241: {  	v12 =	vand.u32 $0x7F, v12;
	v14 =	vshll.u32 v17, $0x7;
	v17 =	vor.u32 v1, v23;
	v19 =	vld.idx.msk [tilespmem:v26+s21+$0x0], $0xffff  }
0x242: {  	v14 =	vor.u32 v1, v14;
	v12 =	vor.u32 v12, v17;
	v17 =	vor.u32 v18, v6;
	v22 =	vld.idx.msk [tilespmem:v33+s21+$0x0], $0xffff  }
0x243: {  	v23 =	vand.u32 $0x7F, v34;
	v18 =	vadd.s32 s4, v0;
	v16 =	vor.u32 v16, v14;
	[tilespmem:v21+s15+$0x0] =	vst.idx.add.s32.msk $0xffff, v13  }
0x244: {  	v9 =	vshll.u32 v9, $0x4;
	v7 =	vshll.u32 v7, $0x4;
	v13 =	vor.u32 v23, v27;
	v6 =	vld.idx.msk [tilespmem:v30+s21+$0x0], $0xffff  }
0x245: {  	v10 =	vand.u32 $0x10, v10;
	v7 =	vand.u32 $0x10, v7;
	v14 =	vshll.u32 v20, $0x4;
	v21 =	vld.idx.msk [tilespmem:v31+s21+$0x0], $0xffff  }
0x246: {  	v10 =	vshll.u32 v3, v10;
	v11 =	vshll.u32 v3, v11;
	v23 =	vand.u32 $0x10, v14;
	v24 =	vld.idx.msk [tilespmem:v29+s21+$0x0], $0xffff  }
0x247: {  	v25 =	vshrl.u32 v19, $0x3;
	v14 =	vshrl.u32 v19, $0x1;
	v19 =	vshll.u32 v19, $0x4;
	[tilespmem:v15+s15+$0x0] =	vst.idx.add.s32.msk $0xffff, v8  }
0x248: {  	v9 =	vand.u32 $0x10, v9;
	v26 =	vand.u32 $0x1FFFFE0, v25;
	v8 =	vand.u32 $0x10, v19;
	[tilespmem:v16+s15+$0x0] =	vst.idx.add.s32.msk $0xffff, v10  }
0x249: {  	v9 =	vshll.u32 v3, v9;
	v8 =	vshll.u32 v3, v8;
	v10 =	vshll.u32 v22, $0x4;
	[tilespmem:v12+s15+$0x0] =	vst.idx.add.s32.msk $0xffff, v11  }
0x24a: {  	v7 =	vshll.u32 v3, v7;
	v10 =	vand.u32 $0x10, v10;
	[tilespmem:v13+s15+$0x0] =	vst.idx.add.s32.msk $0xffff, v9  }
0x24b: {  	v12 =	vshrl.u32 v21, $0x1;
	v11 =	vshll.u32 v21, $0x4;
	[tilespmem:v17+s15+$0x0] =	vst.idx.add.s32.msk $0xffff, v7  }
0x24c: {  	v19 =	vshrl.u32 v20, $0x1;
	v25 =	vshrl.u32 v6, $0x1;
	v13 =	vshrl.u32 v20, $0x3;
	v7 =	vld.idx.msk [tilespmem:v32+s21+$0x0], $0xffff  }
0x24d: {  	v20 =	vshrl.u32 v22, $0x1;
	v17 =	vand.u32 $0x1FFFFE0, v13;
	v9 =	vld.idx.msk [tilespmem:v18+s21+$0x0], $0xffff;
	v18 =	vshrl.u32 v22, $0x3  }
0x24e: {  	v15 =	vshll.u32 v3, v23;
	v16 =	vshrl.u32 v24, $0x1;
	v13 =	vshll.u32 v3, v10  }
0x24f: {  	v23 =	vshrl.u32 v6, $0x3;
	v10 =	vshll.u32 v24, $0x4;
	v22 =	vshrl.u32 v24, $0x3  }
0x250: {  	v27 =	vshrl.u32 v21, $0x3;
	v24 =	vshll.u32 v17, $0x7;
	v17 =	vand.u32 $0x1FFFFE0, v22  }
0x251: {  	v19 =	vand.u32 $0x7F, v19;
	v21 =	vand.u32 $0x7F, v20;
	v22 =	vor.u32 v1, v24  }
.Ltmp8:
0x252: {  	v18 =	vand.u32 $0x1FFFFE0, v18;
	v19 =	vor.u32 v19, v22;
	v20 =	vshrl.u32 v7, $0x3;
	(pc) =	sbr.rel @p0 .LBB2_18-.Ltmp8, $4  }
0x253: {  	v22 =	vand.u32 $0x7F, v25;
	v25 =	vshll.u32 v18, $0x7;
	v24 =	vshrl.u32 v7, $0x1  }
0x254: {  	v23 =	vand.u32 $0x1FFFFE0, v23;
	v18 =	vand.u32 $0x7F, v24;
	v24 =	vor.u32 v1, v25  }
0x255: {  	v28 =	vshrl.u32 v9, $0x3;
	v25 =	vshll.u32 v23, $0x7;
	v23 =	vand.u32 $0x1FFFFE0, v27  }
0x256: {  	v26 =	vshll.u32 v26, $0x7;
	v27 =	vand.u32 $0x1FFFFE0, v28;
	v23 =	vshll.u32 v23, $0x7  }
0x257: {  	v27 =	vshll.u32 v27, $0x7  }
0x258: {  	v14 =	vand.u32 $0x7F, v14;
	v26 =	vor.u32 v1, v26;
	v25 =	vor.u32 v1, v25  }
0x259: {  	v21 =	vor.u32 v21, v24;
	v6 =	vshll.u32 v6, $0x4;
	v20 =	vand.u32 $0x1FFFFE0, v20  }
0x25a: {  	v16 =	vand.u32 $0x7F, v16;
	v17 =	vshll.u32 v17, $0x7;
	v14 =	vor.u32 v14, v26  }
0x25b: {  	v12 =	vand.u32 $0x7F, v12;
	v23 =	vor.u32 v1, v23;
	v10 =	vand.u32 $0x10, v10  }
0x25c: {  	v27 =	vor.u32 v1, v27;
	v22 =	vor.u32 v22, v25;
	v17 =	vor.u32 v1, v17  }
0x25d: {  	v26 =	vshrl.u32 v9, $0x1;
	v6 =	vand.u32 $0x10, v6;
	v16 =	vor.u32 v16, v17  }
0x25e: {  	[tilespmem:v19+s15+$0x0] =	vst.idx.add.s32.msk $0xffff, v15;
	v20 =	vshll.u32 v20, $0x7;
	v12 =	vor.u32 v12, v23;
	v15 =	vand.u32 $0x7F, v26  }
0x25f: {  	[tilespmem:v14+s15+$0x0] =	vst.idx.add.s32.msk $0xffff, v8;
	v8 =	vand.u32 $0x10, v11;
	v11 =	vor.u32 v1, v20;
	v14 =	vor.u32 v15, v27  }
0x260: {  	v7 =	vshll.u32 v7, $0x4;
	v6 =	vshll.u32 v3, v6;
	[tilespmem:v21+s15+$0x0] =	vst.idx.add.s32.msk $0xffff, v13;
	v11 =	vor.u32 v18, v11  }
0x261: {  	v9 =	vshll.u32 v9, $0x4;
	v10 =	vshll.u32 v3, v10;
	[tilespmem:v22+s15+$0x0] =	vst.idx.add.s32.msk $0xffff, v6;
	v6 =	vadd.s32 s25, v4  }
0x262: {  	v9 =	vand.u32 $0x10, v9;
	v8 =	vshll.u32 v3, v8;
	[tilespmem:v16+s15+$0x0] =	vst.idx.add.s32.msk $0xffff, v10;
	v10 =	vadd.s32 s24, v4  }
0x263: {  	v7 =	vand.u32 $0x10, v7;
	v9 =	vshll.u32 v3, v9;
	[tilespmem:v12+s15+$0x0] =	vst.idx.add.s32.msk $0xffff, v8;
	v8 =	vadd.s32 s23, v4  }
0x264: {  	v7 =	vshll.u32 v3, v7;
	v12 =	vadd.s32 s28, v4;
	[tilespmem:v14+s15+$0x0] =	vst.idx.add.s32.msk $0xffff, v9  }
0x265: {  	[tilespmem:v11+s15+$0x0] =	vst.idx.add.s32.msk $0xffff, v7  }
0x266: {  	v7 =	vadd.s32 s22, v4;
	v11 =	vld.idx.msk [tilespmem:v6+s1+$0x0], $0xffff  }
0x267: {  	v9 =	vadd.s32 s26, v4;
	v10 =	vld.idx.msk [tilespmem:v10+s1+$0x0], $0xffff  }
0x268: {  	v13 =	vld.idx.msk [tilespmem:v8+s1+$0x0], $0xffff  }
0x269: {  	v19 =	vld.idx.msk [tilespmem:v12+s1+$0x0], $0xffff;
	_ =	sdelay $0x1  }
0x26a: {  	v17 =	vadd.s32 s21, v4;
	v18 =	vld.idx.msk [tilespmem:v7+s1+$0x0], $0xffff;
	v7 =	vadd.s32 s29, v4  }
0x26b: {  	v6 =	vld.idx.msk [tilespmem:v9+s1+$0x0], $0xffff;
	v8 =	vshll.u32 v11, $0x4;
	v9 =	vshrl.u32 v10, $0x3;
	v14 =	vshrl.u32 v10, $0x1  }
0x26c: {  	v16 =	vshrl.u32 v11, $0x3;
	v20 =	vshrl.u32 v11, $0x1;
	v24 =	vshrl.u32 v13, $0x3  }
0x26d: {  	v25 =	vshrl.u32 v13, $0x1;
	v26 =	vshrl.u32 v19, $0x3;
	v11 =	vshll.u32 v19, $0x4  }
0x26e: {  	v15 =	vand.u32 $0x10, v8;
	v8 =	vshll.u32 v10, $0x4;
	v23 =	vand.u32 $0x1FFFFE0, v9  }
0x26f: {  	v9 =	vshll.u32 v13, $0x4;
	v21 =	vand.u32 $0x1FFFFE0, v16;
	v16 =	vshrl.u32 v19, $0x1  }
0x270: {  	v8 =	vand.u32 $0x10, v8;
	v10 =	vand.u32 $0x10, v9;
	v15 =	vshll.u32 v3, v15  }
0x271: {  	v19 =	vshll.u32 v21, $0x7;
	v21 =	vand.u32 $0x7F, v25;
	v8 =	vshll.u32 v3, v8  }
0x272: {  	v22 =	vshrl.u32 v6, $0x1;
	v13 =	vshll.u32 v3, v10;
	v27 =	vshrl.u32 v6, $0x3;
	v7 =	vld.idx.msk [tilespmem:v7+s1+$0x0], $0xffff  }
0x273: {  	v10 =	vld.idx.msk [tilespmem:v17+s1+$0x0], $0xffff;
	v17 =	vand.u32 $0x1FFFFE0, v26;
	v19 =	vor.u32 v5, v19;
	v12 =	vshrl.u32 v18, $0x1  }
0x274: {  	v9 =	vshll.u32 v18, $0x4;
	v26 =	vshrl.u32 v18, $0x3;
	v18 =	vand.u32 $0x7F, v20  }
0x275: {  	v22 =	vand.u32 $0x7F, v22;
	v27 =	vand.u32 $0x1FFFFE0, v27;
	v19 =	vor.u32 v18, v19  }
0x276: {  	v18 =	vand.u32 $0x1FFFFE0, v24;
	v29 =	vand.u32 $0x1FFFFE0, v26;
	v26 =	vshll.u32 v23, $0x7  }
0x277: {  	v25 =	vshll.u32 v18, $0x7;
	v23 =	vshll.u32 v29, $0x7;
	v24 =	vshrl.u32 v7, $0x1  }
0x278: {  	v28 =	vshrl.u32 v10, $0x3;
	v20 =	vshrl.u32 v7, $0x3;
	v18 =	vand.u32 $0x7F, v24  }
0x279: {  	s21 =	simm.s32 $0x8;
	v24 =	vor.u32 v5, v25;
	v25 =	vshll.u32 v27, $0x7;
	v27 =	vand.u32 $0x1FFFFE0, v28  }
.LBB2_20:
0x27a: {  	s0 =	sadd.s32 $0x1, s21  }
0x27b: {  	s2 =	sadd.s32 $0x2, s21;
	s3 =	sadd.s32 $0x3, s21;
	v27 =	vshll.u32 v27, $0x7;
	v14 =	vand.u32 $0x7F, v14;
	v26 =	vor.u32 v5, v26;
	s4 =	smov.u32 s21  }
0x27c: {  	s22 =	sadd.s32 $0x6, s21;
	v28 =	vadd.s32 s0, v4;
	v29 =	vadd.s32 s2, v4;
	s0 =	sadd.s32 $0x4, s21;
	s2 =	sadd.s32 $0x5, s21;
	v27 =	vor.u32 v5, v27  }
0x27d: {  	p0 =	slt.u32 s21, $0xC0;
	s21 =	sadd.s32 $0x8, s21;
	v14 =	vor.u32 v14, v26;
	v30 =	vadd.s32 s0, v4;
	v31 =	vadd.s32 s2, v4;
	s0 =	sadd.s32 $0x7, s4  }
0x27e: {  	v26 =	vadd.s32 s3, v4;
	v32 =	vadd.s32 s22, v4;
	v33 =	vadd.s32 s0, v4  }
0x27f: {  	v34 =	vshrl.u32 v10, $0x1;
	v25 =	vor.u32 v5, v25;
	v21 =	vor.u32 v21, v24  }
0x280: {  	v6 =	vshll.u32 v6, $0x4;
	[tilespmem:v19+s15+$0x0] =	vst.idx.add.s32.msk $0xffff, v15;
	v15 =	vor.u32 v22, v25;
	v19 =	vand.u32 $0x1FFFFE0, v20  }
0x281: {  	v16 =	vand.u32 $0x7F, v16;
	v6 =	vand.u32 $0x10, v6;
	v20 =	vld.idx.msk [tilespmem:v28+s1+$0x0], $0xffff;
	v19 =	vshll.u32 v19, $0x7  }
0x282: {  	v9 =	vand.u32 $0x10, v9;
	[tilespmem:v14+s15+$0x0] =	vst.idx.add.s32.msk $0xffff, v8;
	v8 =	vshll.u32 v3, v6;
	v6 =	vor.u32 v5, v19  }
0x283: {  	v12 =	vand.u32 $0x7F, v12;
	v14 =	vshll.u32 v17, $0x7;
	v17 =	vor.u32 v5, v23;
	v19 =	vld.idx.msk [tilespmem:v26+s1+$0x0], $0xffff  }
0x284: {  	v14 =	vor.u32 v5, v14;
	v12 =	vor.u32 v12, v17;
	v17 =	vor.u32 v18, v6;
	v22 =	vld.idx.msk [tilespmem:v33+s1+$0x0], $0xffff  }
0x285: {  	v23 =	vand.u32 $0x7F, v34;
	v18 =	vadd.s32 s4, v4;
	v16 =	vor.u32 v16, v14;
	[tilespmem:v21+s15+$0x0] =	vst.idx.add.s32.msk $0xffff, v13  }
0x286: {  	v10 =	vshll.u32 v10, $0x4;
	v7 =	vshll.u32 v7, $0x4;
	v13 =	vor.u32 v23, v27;
	v6 =	vld.idx.msk [tilespmem:v30+s1+$0x0], $0xffff  }
0x287: {  	v11 =	vand.u32 $0x10, v11;
	v7 =	vand.u32 $0x10, v7;
	v14 =	vshll.u32 v20, $0x4;
	v21 =	vld.idx.msk [tilespmem:v31+s1+$0x0], $0xffff  }
0x288: {  	v11 =	vshll.u32 v3, v11;
	v9 =	vshll.u32 v3, v9;
	v23 =	vand.u32 $0x10, v14;
	v24 =	vld.idx.msk [tilespmem:v29+s1+$0x0], $0xffff  }
0x289: {  	v25 =	vshrl.u32 v19, $0x3;
	v14 =	vshrl.u32 v19, $0x1;
	v19 =	vshll.u32 v19, $0x4;
	[tilespmem:v15+s15+$0x0] =	vst.idx.add.s32.msk $0xffff, v8  }
0x28a: {  	v10 =	vand.u32 $0x10, v10;
	v26 =	vand.u32 $0x1FFFFE0, v25;
	v8 =	vand.u32 $0x10, v19;
	[tilespmem:v16+s15+$0x0] =	vst.idx.add.s32.msk $0xffff, v11  }
0x28b: {  	v10 =	vshll.u32 v3, v10;
	v8 =	vshll.u32 v3, v8;
	v11 =	vshll.u32 v22, $0x4;
	[tilespmem:v12+s15+$0x0] =	vst.idx.add.s32.msk $0xffff, v9  }
0x28c: {  	v7 =	vshll.u32 v3, v7;
	v11 =	vand.u32 $0x10, v11;
	[tilespmem:v13+s15+$0x0] =	vst.idx.add.s32.msk $0xffff, v10  }
0x28d: {  	v12 =	vshrl.u32 v21, $0x1;
	v9 =	vshll.u32 v21, $0x4;
	[tilespmem:v17+s15+$0x0] =	vst.idx.add.s32.msk $0xffff, v7  }
0x28e: {  	v19 =	vshrl.u32 v20, $0x1;
	v25 =	vshrl.u32 v6, $0x1;
	v13 =	vshrl.u32 v20, $0x3;
	v7 =	vld.idx.msk [tilespmem:v32+s1+$0x0], $0xffff  }
0x28f: {  	v20 =	vshrl.u32 v22, $0x1;
	v17 =	vand.u32 $0x1FFFFE0, v13;
	v10 =	vld.idx.msk [tilespmem:v18+s1+$0x0], $0xffff;
	v18 =	vshrl.u32 v22, $0x3  }
0x290: {  	v15 =	vshll.u32 v3, v23;
	v16 =	vshrl.u32 v24, $0x1;
	v13 =	vshll.u32 v3, v11  }
0x291: {  	v23 =	vshrl.u32 v6, $0x3;
	v11 =	vshll.u32 v24, $0x4;
	v22 =	vshrl.u32 v24, $0x3  }
0x292: {  	v27 =	vshrl.u32 v21, $0x3;
	v24 =	vshll.u32 v17, $0x7;
	v17 =	vand.u32 $0x1FFFFE0, v22  }
0x293: {  	v19 =	vand.u32 $0x7F, v19;
	v21 =	vand.u32 $0x7F, v20;
	v22 =	vor.u32 v5, v24  }
.Ltmp9:
0x294: {  	v18 =	vand.u32 $0x1FFFFE0, v18;
	v19 =	vor.u32 v19, v22;
	v20 =	vshrl.u32 v7, $0x3;
	(pc) =	sbr.rel @p0 .LBB2_20-.Ltmp9, $4  }
0x295: {  	v22 =	vand.u32 $0x7F, v25;
	v25 =	vshll.u32 v18, $0x7;
	v24 =	vshrl.u32 v7, $0x1  }
0x296: {  	v23 =	vand.u32 $0x1FFFFE0, v23;
	v18 =	vand.u32 $0x7F, v24;
	v24 =	vor.u32 v5, v25  }
0x297: {  	v28 =	vshrl.u32 v10, $0x3;
	v25 =	vshll.u32 v23, $0x7;
	v23 =	vand.u32 $0x1FFFFE0, v27  }
0x298: {  	v26 =	vshll.u32 v26, $0x7;
	v27 =	vand.u32 $0x1FFFFE0, v28;
	v23 =	vshll.u32 v23, $0x7  }
0x299: {  	v27 =	vshll.u32 v27, $0x7;
	v14 =	vand.u32 $0x7F, v14  }
0x29a: {  	v26 =	vor.u32 v5, v26;
	v63 =	vshrl.u32 v10, $0x1;
	v25 =	vor.u32 v5, v25  }
0x29b: {  	v21 =	vor.u32 v21, v24;
	v6 =	vshll.u32 v6, $0x4;
	v14 =	vor.u32 v14, v26  }
0x29c: {  	v17 =	vshll.u32 v17, $0x7;
	v20 =	vand.u32 $0x1FFFFE0, v20;
	v16 =	vand.u32 $0x7F, v16  }
0x29d: {  	v12 =	vand.u32 $0x7F, v12;
	v22 =	vor.u32 v22, v25;
	v17 =	vor.u32 v5, v17  }
0x29e: {  	v23 =	vor.u32 v5, v23;
	v27 =	vor.u32 v5, v27;
	v16 =	vor.u32 v16, v17  }
0x29f: {  	[tilespmem:v19+s15+$0x0] =	vst.idx.add.s32.msk $0xffff, v15;
	v15 =	vshll.u32 v20, $0x7;
	v12 =	vor.u32 v12, v23;
	v17 =	vand.u32 $0x7F, v63  }
0x2a0: {  	v6 =	vand.u32 $0x10, v6;
	[tilespmem:v14+s15+$0x0] =	vst.idx.add.s32.msk $0xffff, v8;
	v8 =	vor.u32 v5, v15;
	v14 =	vor.u32 v17, v27  }
0x2a1: {  	v11 =	vand.u32 $0x10, v11;
	v6 =	vshll.u32 v3, v6;
	[tilespmem:v21+s15+$0x0] =	vst.idx.add.s32.msk $0xffff, v13;
	v8 =	vor.u32 v18, v8  }
0x2a2: {  	v9 =	vand.u32 $0x10, v9;
	v10 =	vshll.u32 v10, $0x4;
	v11 =	vshll.u32 v3, v11;
	[tilespmem:v22+s15+$0x0] =	vst.idx.add.s32.msk $0xffff, v6  }
0x2a3: {  	v6 =	vshll.u32 v7, $0x4;
	v7 =	vshll.u32 v3, v9;
	v9 =	vand.u32 $0x10, v10;
	[tilespmem:v16+s15+$0x0] =	vst.idx.add.s32.msk $0xffff, v11  }
0x2a4: {  	v6 =	vand.u32 $0x10, v6;
	v9 =	vshll.u32 v3, v9;
	[tilespmem:v12+s15+$0x0] =	vst.idx.add.s32.msk $0xffff, v7  }
0x2a5: {  	s23 =	simm.s32 $0x2;
	v6 =	vshll.u32 v3, v6;
	[tilespmem:v14+s15+$0x0] =	vst.idx.add.s32.msk $0xffff, v9  }
0x2a6: {  	s21 =	simm.s32 $0x0;
	s24 =	simm.s32 $0x6;
	s22 =	simm.s32 $0x4;
	[tilespmem:v8+s15+$0x0] =	vst.idx.add.s32.msk $0xffff, v6;
	v6 =	vadd.s32 s23, v0  }
0x2a7: {  	v7 =	vadd.s32 s24, v0;
	[hbm4b:s8+s21] =	stream.linear.scatter [tilespmem:s15], [sflag:$0x1], $0x4000, $0x38;
	[tilespmem:$0xB200] =	vst v63  }
0x2a8: {  	v8 =	vadd.s32 s22, v0;
	_ =	swait.ge [sflag:s19], $0x4000  }
0x2a9: {  	s25 =	simm.s32 $0x1;
	v9 =	vadd.s32 s21, v0;
	[sflag:s19] =	ssyncset.done $0x0  }
0x2aa: {  	s26 =	simm.s32 $0x3;
	v10 =	vadd.s32 s25, v0;
	[sflag:s19] =	ssyncadd.s32 $0xFFFFC000  }
0x2ab: {  	s28 =	simm.s32 $0x5;
	v11 =	vadd.s32 s26, v0;
	v6 =	vld.idx.msk [tilespmem:v6+s16+$0x0], $0xffff  }
0x2ac: {  	v12 =	vadd.s32 s28, v0;
	v7 =	vld.idx.msk [tilespmem:v7+s16+$0x0], $0xffff  }
0x2ad: {  	v8 =	vld.idx.msk [tilespmem:v8+s16+$0x0], $0xffff  }
0x2ae: {  	v9 =	vld.idx.msk [tilespmem:v9+s16+$0x0], $0xffff  }
0x2af: {  	s29 =	simm.s32 $0x7;
	v16 =	vld.idx.msk [tilespmem:v10+s16+$0x0], $0xffff  }
0x2b0: {  	v14 =	vadd.s32 s29, v0;
	v18 =	vld.idx.msk [tilespmem:v11+s16+$0x0], $0xffff  }
0x2b1: {  	v20 =	vld.idx.msk [tilespmem:v12+s16+$0x0], $0xffff;
	_ =	sdelay $0x1  }
0x2b2: {  	v11 =	vshrl.u32 v6, $0x1;
	v10 =	vshrl.u32 v7, $0x3;
	v19 =	vshrl.u32 v7, $0x1  }
0x2b3: {  	v12 =	vshrl.u32 v6, $0x3;
	v13 =	vshrl.u32 v8, $0x1;
	v7 =	vshrl.u32 v9, $0x3  }
0x2b4: {  	v6 =	vld.idx.msk [tilespmem:v14+s16+$0x0], $0xffff;
	v14 =	vshrl.u32 v9, $0x1;
	v8 =	vshrl.u32 v8, $0x3;
	v9 =	vshrl.u32 v16, $0x1  }
0x2b5: {  	v21 =	vshrl.u32 v18, $0x3;
	v15 =	vshrl.u32 v20, $0x1;
	v20 =	vshrl.u32 v20, $0x3  }
0x2b6: {  	v18 =	vshrl.u32 v18, $0x1;
	v10 =	vand.u32 $0x1FFFFE0, v10;
	v12 =	vand.u32 $0x1FFFFE0, v12  }
0x2b7: {  	v7 =	vand.u32 $0x1FFFFE0, v7;
	v11 =	vand.u32 $0x7F, v11;
	v12 =	vshll.u32 v12, $0x7  }
0x2b8: {  	v17 =	vand.u32 $0x1FFFFE0, v8;
	v8 =	vand.u32 $0x7F, v14;
	v12 =	vor.u32 v1, v12  }
0x2b9: {  	v21 =	vand.u32 $0x1FFFFE0, v21;
	v14 =	vor.u32 v11, v12;
	v12 =	vand.u32 $0x7F, v19  }
0x2ba: {  	s30 =	simm.s32 $0x8;
	v19 =	vshrl.u32 v16, $0x3;
	v16 =	vshll.u32 v21, $0x7;
	v11 =	vshrl.u32 v6, $0x3  }
.LBB2_22:
0x2bb: {  	s0 =	sadd.s32 $0x1, s30  }
0x2bc: {  	s2 =	sadd.s32 $0x2, s30;
	s3 =	sadd.s32 $0x7, s30;
	v17 =	vshll.u32 v17, $0x7;
	v13 =	vand.u32 $0x7F, v13;
	v20 =	vand.u32 $0x1FFFFE0, v20;
	s4 =	smov.u32 s30  }
0x2bd: {  	s31 =	sadd.s32 $0x6, s30;
	v19 =	vand.u32 $0x1FFFFE0, v19;
	v21 =	vadd.s32 s0, v0;
	v22 =	vadd.s32 s2, v0;
	s0 =	sadd.s32 $0x3, s30;
	s2 =	sadd.s32 $0x4, s30  }
0x2be: {  	p0 =	slt.u32 s30, $0xC0;
	v10 =	vshll.u32 v10, $0x7;
	v24 =	vadd.s32 s31, v0;
	s30 =	sadd.s32 $0x8, s30;
	v23 =	vadd.s32 s2, v0;
	s2 =	sadd.s32 $0x5, s4;
	[tilespmem:v14+s17+$0x0] =	vst.idx.msk $0xffff, v2  }
0x2bf: {  	v18 =	vand.u32 $0x7F, v18;
	v14 =	vadd.s32 s0, v0;
	v25 =	vadd.s32 s2, v0  }
0x2c0: {  	v15 =	vand.u32 $0x7F, v15;
	v26 =	vadd.s32 s4, v0;
	v27 =	vadd.s32 s3, v0  }
0x2c1: {  	v16 =	vor.u32 v1, v16;
	v17 =	vor.u32 v1, v17;
	v20 =	vshll.u32 v20, $0x7  }
0x2c2: {  	v16 =	vor.u32 v18, v16;
	v10 =	vor.u32 v1, v10;
	v13 =	vor.u32 v13, v17;
	v22 =	vld.idx.msk [tilespmem:v22+s16+$0x0], $0xffff  }
0x2c3: {  	v18 =	vshll.u32 v19, $0x7;
	v19 =	vor.u32 v1, v20;
	v10 =	vor.u32 v12, v10;
	v17 =	vld.idx.msk [tilespmem:v24+s16+$0x0], $0xffff  }
0x2c4: {  	v9 =	vand.u32 $0x7F, v9;
	v11 =	vand.u32 $0x1FFFFE0, v11;
	v18 =	vor.u32 v1, v18;
	v12 =	vld.idx.msk [tilespmem:v23+s16+$0x0], $0xffff  }
0x2c5: {  	v11 =	vshll.u32 v11, $0x7;
	v9 =	vor.u32 v9, v18;
	v18 =	vshrl.u32 v6, $0x1;
	v20 =	vld.idx.msk [tilespmem:v26+s16+$0x0], $0xffff  }
0x2c6: {  	v7 =	vshll.u32 v7, $0x7;
	v11 =	vor.u32 v1, v11;
	v18 =	vand.u32 $0x7F, v18;
	v6 =	vld.idx.msk [tilespmem:v27+s16+$0x0], $0xffff  }
0x2c7: {  	v7 =	vor.u32 v1, v7;
	v11 =	vor.u32 v18, v11;
	v21 =	vld.idx.msk [tilespmem:v21+s16+$0x0], $0xffff;
	[tilespmem:v13+s17+$0x0] =	vst.idx.msk $0xffff, v2  }
0x2c8: {  	v18 =	vld.idx.msk [tilespmem:v14+s16+$0x0], $0xffff;
	v14 =	vor.u32 v8, v7;
	v8 =	vor.u32 v15, v19  }
0x2c9: {  	v15 =	vshrl.u32 v22, $0x1;
	v7 =	vshrl.u32 v17, $0x3;
	v23 =	vshrl.u32 v17, $0x1;
	v19 =	vld.idx.msk [tilespmem:v25+s16+$0x0], $0xffff;
	[tilespmem:v10+s17+$0x0] =	vst.idx.msk $0xffff, v2  }
0x2ca: {  	v17 =	vshrl.u32 v22, $0x3;
	v13 =	vshrl.u32 v12, $0x1;
	v10 =	vand.u32 $0x1FFFFE0, v7;
	[tilespmem:v9+s17+$0x0] =	vst.idx.msk $0xffff, v2  }
0x2cb: {  	v12 =	vshrl.u32 v12, $0x3;
	v7 =	vshrl.u32 v20, $0x3;
	v20 =	vshrl.u32 v20, $0x1;
	[tilespmem:v16+s17+$0x0] =	vst.idx.msk $0xffff, v2  }
0x2cc: {  	v15 =	vand.u32 $0x7F, v15;
	v7 =	vand.u32 $0x1FFFFE0, v7;
	v16 =	vand.u32 $0x1FFFFE0, v17;
	[tilespmem:v11+s17+$0x0] =	vst.idx.msk $0xffff, v2  }
.Ltmp10:
0x2cd: {  	v17 =	vand.u32 $0x1FFFFE0, v12;
	v9 =	vshrl.u32 v21, $0x1;
	v11 =	vshll.u32 v16, $0x7;
	[tilespmem:v8+s17+$0x0] =	vst.idx.msk $0xffff, v2;
	(pc) =	sbr.rel @p0 .LBB2_22-.Ltmp10, $4  }
0x2ce: {  	v8 =	vand.u32 $0x7F, v20;
	v11 =	vor.u32 v1, v11;
	v16 =	vshrl.u32 v18, $0x3;
	[tilespmem:v14+s17+$0x0] =	vst.idx.msk $0xffff, v2  }
0x2cf: {  	v12 =	vand.u32 $0x7F, v23;
	v14 =	vor.u32 v15, v11;
	v15 =	vshrl.u32 v19, $0x1  }
0x2d0: {  	v16 =	vand.u32 $0x1FFFFE0, v16;
	v20 =	vshrl.u32 v19, $0x3;
	v11 =	vshrl.u32 v6, $0x3  }
0x2d1: {  	v18 =	vshrl.u32 v18, $0x1;
	v19 =	vshrl.u32 v21, $0x3;
	v16 =	vshll.u32 v16, $0x7  }
0x2d2: {  	v17 =	vshll.u32 v17, $0x7  }
0x2d3: {  	v13 =	vand.u32 $0x7F, v13;
	v20 =	vand.u32 $0x1FFFFE0, v20;
	v19 =	vand.u32 $0x1FFFFE0, v19  }
0x2d4: {  	v10 =	vshll.u32 v10, $0x7;
	v15 =	vand.u32 $0x7F, v15;
	v11 =	vand.u32 $0x1FFFFE0, v11  }
0x2d5: {  	v6 =	vshrl.u32 v6, $0x1;
	v7 =	vshll.u32 v7, $0x7;
	v17 =	vor.u32 v1, v17  }
0x2d6: {  	v20 =	vshll.u32 v20, $0x7;
	v10 =	vor.u32 v1, v10;
	v13 =	vor.u32 v13, v17  }
0x2d7: {  	v11 =	vshll.u32 v11, $0x7;
	v7 =	vor.u32 v1, v7;
	v10 =	vor.u32 v12, v10  }
0x2d8: {  	v6 =	vand.u32 $0x7F, v6;
	v11 =	vor.u32 v1, v11;
	v7 =	vor.u32 v8, v7  }
0x2d9: {  	[tilespmem:v14+s17+$0x0] =	vst.idx.msk $0xffff, v2;
	v17 =	vshll.u32 v19, $0x7;
	v14 =	vor.u32 v1, v20;
	v6 =	vor.u32 v6, v11  }
0x2da: {  	v9 =	vand.u32 $0x7F, v9;
	v12 =	vor.u32 v1, v17;
	v11 =	vor.u32 v15, v14  }
0x2db: {  	v18 =	vand.u32 $0x7F, v18;
	v16 =	vor.u32 v1, v16;
	v9 =	vor.u32 v9, v12;
	[tilespmem:v13+s17+$0x0] =	vst.idx.msk $0xffff, v2  }
0x2dc: {  	v12 =	vor.u32 v18, v16;
	[tilespmem:v10+s17+$0x0] =	vst.idx.msk $0xffff, v2  }
0x2dd: {  	v8 =	vadd.s32 s23, v4;
	[tilespmem:v7+s17+$0x0] =	vst.idx.msk $0xffff, v2  }
0x2de: {  	v10 =	vadd.s32 s21, v4;
	[tilespmem:v6+s17+$0x0] =	vst.idx.msk $0xffff, v2  }
0x2df: {  	v7 =	vadd.s32 s25, v4;
	[tilespmem:v11+s17+$0x0] =	vst.idx.msk $0xffff, v2  }
0x2e0: {  	v6 =	vadd.s32 s22, v4;
	[tilespmem:v9+s17+$0x0] =	vst.idx.msk $0xffff, v2  }
0x2e1: {  	v11 =	vadd.s32 s26, v4;
	[tilespmem:v12+s17+$0x0] =	vst.idx.msk $0xffff, v2  }
0x2e2: {  	v9 =	vadd.s32 s24, v4;
	v8 =	vld.idx.msk [tilespmem:v8+s16+$0x0], $0xffff  }
0x2e3: {  	v15 =	vld.idx.msk [tilespmem:v10+s16+$0x0], $0xffff  }
0x2e4: {  	v16 =	vld.idx.msk [tilespmem:v7+s16+$0x0], $0xffff  }
0x2e5: {  	v12 =	vadd.s32 s28, v4;
	v14 =	vld.idx.msk [tilespmem:v6+s16+$0x0], $0xffff  }
0x2e6: {  	v18 =	vld.idx.msk [tilespmem:v11+s16+$0x0], $0xffff  }
0x2e7: {  	v6 =	vadd.s32 s29, v4;
	v9 =	vld.idx.msk [tilespmem:v9+s16+$0x0], $0xffff  }
0x2e8: {  	v11 =	vshrl.u32 v8, $0x1;
	v8 =	vshrl.u32 v8, $0x3  }
0x2e9: {  	v8 =	vand.u32 $0x1FFFFE0, v8  }
0x2ea: {  	v20 =	vld.idx.msk [tilespmem:v12+s16+$0x0], $0xffff;
	v11 =	vand.u32 $0x7F, v11;
	v12 =	vshrl.u32 v15, $0x1;
	v13 =	vshrl.u32 v14, $0x1  }
0x2eb: {  	v14 =	vshrl.u32 v14, $0x3;
	v21 =	vshrl.u32 v18, $0x3;
	v18 =	vshrl.u32 v18, $0x1  }
0x2ec: {  	v6 =	vld.idx.msk [tilespmem:v6+s16+$0x0], $0xffff;
	v7 =	vshrl.u32 v9, $0x3;
	v19 =	vshrl.u32 v9, $0x1;
	v9 =	vshrl.u32 v16, $0x1  }
0x2ed: {  	v17 =	vand.u32 $0x1FFFFE0, v14;
	v21 =	vand.u32 $0x1FFFFE0, v21;
	v10 =	vand.u32 $0x1FFFFE0, v7  }
0x2ee: {  	v7 =	vshrl.u32 v15, $0x3;
	v15 =	vshll.u32 v8, $0x7;
	v8 =	vand.u32 $0x7F, v12  }
0x2ef: {  	v7 =	vand.u32 $0x1FFFFE0, v7;
	v12 =	vor.u32 v5, v15;
	v15 =	vshrl.u32 v20, $0x1  }
0x2f0: {  	v20 =	vshrl.u32 v20, $0x3;
	v14 =	vor.u32 v11, v12;
	v12 =	vand.u32 $0x7F, v19  }
0x2f1: {  	s21 =	simm.s32 $0x8;
	v19 =	vshrl.u32 v16, $0x3;
	v16 =	vshll.u32 v21, $0x7;
	v11 =	vshrl.u32 v6, $0x3  }
.LBB2_24:
0x2f2: {  	s0 =	sadd.s32 $0x1, s21  }
0x2f3: {  	s2 =	sadd.s32 $0x2, s21;
	s3 =	sadd.s32 $0x7, s21;
	v17 =	vshll.u32 v17, $0x7;
	v13 =	vand.u32 $0x7F, v13;
	v20 =	vand.u32 $0x1FFFFE0, v20;
	s4 =	smov.u32 s21  }
0x2f4: {  	s22 =	sadd.s32 $0x6, s21;
	v19 =	vand.u32 $0x1FFFFE0, v19;
	v21 =	vadd.s32 s0, v4;
	v22 =	vadd.s32 s2, v4;
	s0 =	sadd.s32 $0x3, s21;
	s2 =	sadd.s32 $0x4, s21  }
0x2f5: {  	p0 =	slt.u32 s21, $0xC0;
	v10 =	vshll.u32 v10, $0x7;
	v24 =	vadd.s32 s22, v4;
	s21 =	sadd.s32 $0x8, s21;
	v23 =	vadd.s32 s2, v4;
	s2 =	sadd.s32 $0x5, s4;
	[tilespmem:v14+s17+$0x0] =	vst.idx.msk $0xffff, v2  }
0x2f6: {  	v18 =	vand.u32 $0x7F, v18;
	v14 =	vadd.s32 s0, v4;
	v25 =	vadd.s32 s2, v4  }
0x2f7: {  	v15 =	vand.u32 $0x7F, v15;
	v26 =	vadd.s32 s4, v4;
	v27 =	vadd.s32 s3, v4  }
0x2f8: {  	v16 =	vor.u32 v5, v16;
	v17 =	vor.u32 v5, v17;
	v20 =	vshll.u32 v20, $0x7  }
0x2f9: {  	v16 =	vor.u32 v18, v16;
	v10 =	vor.u32 v5, v10;
	v13 =	vor.u32 v13, v17;
	v22 =	vld.idx.msk [tilespmem:v22+s16+$0x0], $0xffff  }
0x2fa: {  	v18 =	vshll.u32 v19, $0x7;
	v19 =	vor.u32 v5, v20;
	v10 =	vor.u32 v12, v10;
	v17 =	vld.idx.msk [tilespmem:v24+s16+$0x0], $0xffff  }
0x2fb: {  	v9 =	vand.u32 $0x7F, v9;
	v11 =	vand.u32 $0x1FFFFE0, v11;
	v18 =	vor.u32 v5, v18;
	v12 =	vld.idx.msk [tilespmem:v23+s16+$0x0], $0xffff  }
0x2fc: {  	v11 =	vshll.u32 v11, $0x7;
	v9 =	vor.u32 v9, v18;
	v18 =	vshrl.u32 v6, $0x1;
	v20 =	vld.idx.msk [tilespmem:v26+s16+$0x0], $0xffff  }
0x2fd: {  	v7 =	vshll.u32 v7, $0x7;
	v11 =	vor.u32 v5, v11;
	v18 =	vand.u32 $0x7F, v18;
	v6 =	vld.idx.msk [tilespmem:v27+s16+$0x0], $0xffff  }
0x2fe: {  	v7 =	vor.u32 v5, v7;
	v11 =	vor.u32 v18, v11;
	v21 =	vld.idx.msk [tilespmem:v21+s16+$0x0], $0xffff;
	[tilespmem:v13+s17+$0x0] =	vst.idx.msk $0xffff, v2  }
0x2ff: {  	v18 =	vld.idx.msk [tilespmem:v14+s16+$0x0], $0xffff;
	v14 =	vor.u32 v8, v7;
	v8 =	vor.u32 v15, v19  }
0x300: {  	v15 =	vshrl.u32 v22, $0x1;
	v7 =	vshrl.u32 v17, $0x3;
	v23 =	vshrl.u32 v17, $0x1;
	v19 =	vld.idx.msk [tilespmem:v25+s16+$0x0], $0xffff;
	[tilespmem:v10+s17+$0x0] =	vst.idx.msk $0xffff, v2  }
0x301: {  	v17 =	vshrl.u32 v22, $0x3;
	v13 =	vshrl.u32 v12, $0x1;
	v10 =	vand.u32 $0x1FFFFE0, v7;
	[tilespmem:v9+s17+$0x0] =	vst.idx.msk $0xffff, v2  }
0x302: {  	v12 =	vshrl.u32 v12, $0x3;
	v7 =	vshrl.u32 v20, $0x3;
	v20 =	vshrl.u32 v20, $0x1;
	[tilespmem:v16+s17+$0x0] =	vst.idx.msk $0xffff, v2  }
0x303: {  	v15 =	vand.u32 $0x7F, v15;
	v7 =	vand.u32 $0x1FFFFE0, v7;
	v16 =	vand.u32 $0x1FFFFE0, v17;
	[tilespmem:v11+s17+$0x0] =	vst.idx.msk $0xffff, v2  }
.Ltmp11:
0x304: {  	v17 =	vand.u32 $0x1FFFFE0, v12;
	v9 =	vshrl.u32 v21, $0x1;
	v11 =	vshll.u32 v16, $0x7;
	[tilespmem:v8+s17+$0x0] =	vst.idx.msk $0xffff, v2;
	(pc) =	sbr.rel @p0 .LBB2_24-.Ltmp11, $4  }
0x305: {  	v8 =	vand.u32 $0x7F, v20;
	v11 =	vor.u32 v5, v11;
	v16 =	vshrl.u32 v18, $0x3;
	[tilespmem:v14+s17+$0x0] =	vst.idx.msk $0xffff, v2  }
0x306: {  	v12 =	vand.u32 $0x7F, v23;
	v14 =	vor.u32 v15, v11;
	v15 =	vshrl.u32 v19, $0x1  }
0x307: {  	v16 =	vand.u32 $0x1FFFFE0, v16;
	v20 =	vshrl.u32 v19, $0x3;
	v11 =	vshrl.u32 v6, $0x3  }
0x308: {  	v18 =	vshrl.u32 v18, $0x1;
	v19 =	vshrl.u32 v21, $0x3;
	v16 =	vshll.u32 v16, $0x7  }
0x309: {  	v17 =	vshll.u32 v17, $0x7  }
0x30a: {  	v13 =	vand.u32 $0x7F, v13;
	v20 =	vand.u32 $0x1FFFFE0, v20;
	v19 =	vand.u32 $0x1FFFFE0, v19  }
0x30b: {  	v10 =	vshll.u32 v10, $0x7;
	v15 =	vand.u32 $0x7F, v15;
	v11 =	vand.u32 $0x1FFFFE0, v11  }
0x30c: {  	v6 =	vshrl.u32 v6, $0x1;
	v7 =	vshll.u32 v7, $0x7;
	v17 =	vor.u32 v5, v17  }
0x30d: {  	v20 =	vshll.u32 v20, $0x7;
	v10 =	vor.u32 v5, v10;
	v13 =	vor.u32 v13, v17  }
0x30e: {  	v11 =	vshll.u32 v11, $0x7;
	v7 =	vor.u32 v5, v7;
	v10 =	vor.u32 v12, v10  }
0x30f: {  	v6 =	vand.u32 $0x7F, v6;
	v11 =	vor.u32 v5, v11;
	v7 =	vor.u32 v8, v7  }
0x310: {  	[tilespmem:v14+s17+$0x0] =	vst.idx.msk $0xffff, v2;
	v17 =	vshll.u32 v19, $0x7;
	v14 =	vor.u32 v5, v20;
	v6 =	vor.u32 v6, v11  }
0x311: {  	v9 =	vand.u32 $0x7F, v9;
	v12 =	vor.u32 v5, v17;
	v11 =	vor.u32 v15, v14  }
0x312: {  	v18 =	vand.u32 $0x7F, v18;
	v16 =	vor.u32 v5, v16;
	v9 =	vor.u32 v9, v12;
	[tilespmem:v13+s17+$0x0] =	vst.idx.msk $0xffff, v2  }
0x313: {  	v12 =	vor.u32 v18, v16;
	[tilespmem:v10+s17+$0x0] =	vst.idx.msk $0xffff, v2  }
0x314: {  	[tilespmem:v7+s17+$0x0] =	vst.idx.msk $0xffff, v2  }
0x315: {  	[tilespmem:v6+s17+$0x0] =	vst.idx.msk $0xffff, v2  }
0x316: {  	[tilespmem:v11+s17+$0x0] =	vst.idx.msk $0xffff, v2  }
0x317: {  	s26 =	simm.s32 $0x1;
	[tilespmem:v9+s17+$0x0] =	vst.idx.msk $0xffff, v2  }
0x318: {  	s23 =	simm.s32 $0x3;
	s22 =	simm.s32 $0x7;
	v6 =	vadd.s32 s26, v0;
	[tilespmem:v12+s17+$0x0] =	vst.idx.msk $0xffff, v2  }
0x319: {  	v7 =	vadd.s32 s23, v0;
	[tilespmem:s16], [sflag:$0x3] =	stream.strided.gather [hbm4b:s9+s12], $0x1900, s13, s12, $0x38;
	[tilespmem:$0xB200] =	vst v63  }
0x31a: {  	s21 =	simm.s32 $0x5;
	v8 =	vadd.s32 s22, v0;
	_ =	swait.ge [sflag:s14], $0x1900  }
0x31b: {  	s24 =	simm.s32 $0x4;
	v9 =	vadd.s32 s21, v0;
	[sflag:s14] =	ssyncset.done $0x0  }
0x31c: {  	v10 =	vadd.s32 s24, v0;
	[sflag:s14] =	ssyncadd.s32 $0xFFFFE700  }
0x31d: {  	v13 =	vld.idx.msk [tilespmem:v6+s16+$0x0], $0xffff  }
0x31e: {  	s28 =	simm.s32 $0x2;
	v7 =	vld.idx.msk [tilespmem:v7+s16+$0x0], $0xffff  }
0x31f: {  	v11 =	vadd.s32 s28, v0;
	v15 =	vld.idx.msk [tilespmem:v8+s16+$0x0], $0xffff  }
0x320: {  	v18 =	vld.idx.msk [tilespmem:v9+s16+$0x0], $0xffff  }
0x321: {  	v6 =	vld.idx.msk [tilespmem:v10+s16+$0x0], $0xffff  }
0x322: {  	s29 =	simm.s32 $0x6;
	s25 =	simm.s32 $0x0  }
0x323: {  	v17 =	vadd.s32 s25, v0;
	v9 =	vadd.s32 s29, v0  }
0x324: {  	v19 =	vld.idx.msk [tilespmem:v11+s16+$0x0], $0xffff;
	v8 =	vshll.u32 v13, $0x4;
	v11 =	vshrl.u32 v7, $0x3;
	v14 =	vshrl.u32 v7, $0x1  }
0x325: {  	v12 =	vshrl.u32 v18, $0x1;
	v16 =	vshrl.u32 v13, $0x3;
	v21 =	vshrl.u32 v13, $0x1  }
0x326: {  	v22 =	vshrl.u32 v6, $0x1;
	v25 =	vshrl.u32 v15, $0x3;
	v26 =	vshrl.u32 v15, $0x1  }
0x327: {  	v27 =	vshrl.u32 v6, $0x3;
	v10 =	vand.u32 $0x10, v8;
	v8 =	vshll.u32 v7, $0x4  }
0x328: {  	v28 =	vshrl.u32 v18, $0x3;
	v23 =	vand.u32 $0x1FFFFE0, v11;
	v7 =	vand.u32 $0x10, v8  }
0x329: {  	v11 =	vshll.u32 v18, $0x4;
	v8 =	vshll.u32 v3, v7;
	v7 =	vshll.u32 v15, $0x4  }
0x32a: {  	v24 =	vand.u32 $0x1FFFFE0, v16;
	v16 =	vshrl.u32 v19, $0x1;
	v20 =	vand.u32 $0x10, v7;
	v7 =	vld.idx.msk [tilespmem:v9+s16+$0x0], $0xffff  }
0x32b: {  	v18 =	vand.u32 $0x7F, v21;
	v15 =	vshll.u32 v3, v10;
	v10 =	vshll.u32 v19, $0x4;
	v9 =	vld.idx.msk [tilespmem:v17+s16+$0x0], $0xffff  }
0x32c: {  	v13 =	vshll.u32 v3, v20;
	v20 =	vshrl.u32 v19, $0x3;
	v19 =	vshll.u32 v24, $0x7  }
0x32d: {  	v21 =	vand.u32 $0x7F, v26;
	v22 =	vand.u32 $0x7F, v22;
	v19 =	vor.u32 v1, v19  }
0x32e: {  	v26 =	vand.u32 $0x1FFFFE0, v27;
	v19 =	vor.u32 v18, v19;
	v18 =	vand.u32 $0x1FFFFE0, v25  }
0x32f: {  	v28 =	vand.u32 $0x1FFFFE0, v28;
	v17 =	vand.u32 $0x1FFFFE0, v20;
	v25 =	vshll.u32 v18, $0x7  }
0x330: {  	v20 =	vshrl.u32 v7, $0x3;
	v24 =	vshrl.u32 v7, $0x1;
	v27 =	vshrl.u32 v9, $0x3  }
0x331: {  	v18 =	vand.u32 $0x7F, v24;
	v24 =	vor.u32 v1, v25;
	v25 =	vshll.u32 v26, $0x7  }
0x332: {  	s30 =	simm.s32 $0x8;
	v27 =	vand.u32 $0x1FFFFE0, v27;
	v26 =	vshll.u32 v23, $0x7;
	v23 =	vshll.u32 v28, $0x7  }
.LBB2_26:
0x333: {  	s0 =	sadd.s32 $0x1, s30  }
0x334: {  	s2 =	sadd.s32 $0x2, s30;
	s3 =	sadd.s32 $0x3, s30;
	v27 =	vshll.u32 v27, $0x7;
	v14 =	vand.u32 $0x7F, v14;
	v26 =	vor.u32 v1, v26;
	s4 =	smov.u32 s30  }
0x335: {  	s31 =	sadd.s32 $0x6, s30;
	v28 =	vadd.s32 s0, v0;
	v29 =	vadd.s32 s2, v0;
	s0 =	sadd.s32 $0x4, s30;
	s2 =	sadd.s32 $0x5, s30;
	v27 =	vor.u32 v1, v27  }
0x336: {  	p0 =	slt.u32 s30, $0xC0;
	s30 =	sadd.s32 $0x8, s30;
	v14 =	vor.u32 v14, v26;
	v30 =	vadd.s32 s0, v0;
	v31 =	vadd.s32 s2, v0;
	s0 =	sadd.s32 $0x7, s4  }
0x337: {  	v26 =	vadd.s32 s3, v0;
	v32 =	vadd.s32 s31, v0;
	v33 =	vadd.s32 s0, v0  }
0x338: {  	v34 =	vshrl.u32 v9, $0x1;
	v25 =	vor.u32 v1, v25;
	v21 =	vor.u32 v21, v24  }
0x339: {  	v6 =	vshll.u32 v6, $0x4;
	[tilespmem:v19+s17+$0x0] =	vst.idx.add.s32.msk $0xffff, v15;
	v15 =	vor.u32 v22, v25;
	v19 =	vand.u32 $0x1FFFFE0, v20  }
0x33a: {  	v16 =	vand.u32 $0x7F, v16;
	v6 =	vand.u32 $0x10, v6;
	v20 =	vld.idx.msk [tilespmem:v28+s16+$0x0], $0xffff;
	v19 =	vshll.u32 v19, $0x7  }
0x33b: {  	v11 =	vand.u32 $0x10, v11;
	[tilespmem:v14+s17+$0x0] =	vst.idx.add.s32.msk $0xffff, v8;
	v8 =	vshll.u32 v3, v6;
	v6 =	vor.u32 v1, v19  }
0x33c: {  	v12 =	vand.u32 $0x7F, v12;
	v14 =	vshll.u32 v17, $0x7;
	v17 =	vor.u32 v1, v23;
	v19 =	vld.idx.msk [tilespmem:v26+s16+$0x0], $0xffff  }
0x33d: {  	v14 =	vor.u32 v1, v14;
	v12 =	vor.u32 v12, v17;
	v17 =	vor.u32 v18, v6;
	v22 =	vld.idx.msk [tilespmem:v33+s16+$0x0], $0xffff  }
0x33e: {  	v23 =	vand.u32 $0x7F, v34;
	v18 =	vadd.s32 s4, v0;
	v16 =	vor.u32 v16, v14;
	[tilespmem:v21+s17+$0x0] =	vst.idx.add.s32.msk $0xffff, v13  }
0x33f: {  	v9 =	vshll.u32 v9, $0x4;
	v7 =	vshll.u32 v7, $0x4;
	v13 =	vor.u32 v23, v27;
	v6 =	vld.idx.msk [tilespmem:v30+s16+$0x0], $0xffff  }
0x340: {  	v10 =	vand.u32 $0x10, v10;
	v7 =	vand.u32 $0x10, v7;
	v14 =	vshll.u32 v20, $0x4;
	v21 =	vld.idx.msk [tilespmem:v31+s16+$0x0], $0xffff  }
0x341: {  	v10 =	vshll.u32 v3, v10;
	v11 =	vshll.u32 v3, v11;
	v23 =	vand.u32 $0x10, v14;
	v24 =	vld.idx.msk [tilespmem:v29+s16+$0x0], $0xffff  }
0x342: {  	v25 =	vshrl.u32 v19, $0x3;
	v14 =	vshrl.u32 v19, $0x1;
	v19 =	vshll.u32 v19, $0x4;
	[tilespmem:v15+s17+$0x0] =	vst.idx.add.s32.msk $0xffff, v8  }
0x343: {  	v9 =	vand.u32 $0x10, v9;
	v26 =	vand.u32 $0x1FFFFE0, v25;
	v8 =	vand.u32 $0x10, v19;
	[tilespmem:v16+s17+$0x0] =	vst.idx.add.s32.msk $0xffff, v10  }
0x344: {  	v9 =	vshll.u32 v3, v9;
	v8 =	vshll.u32 v3, v8;
	v10 =	vshll.u32 v22, $0x4;
	[tilespmem:v12+s17+$0x0] =	vst.idx.add.s32.msk $0xffff, v11  }
0x345: {  	v7 =	vshll.u32 v3, v7;
	v10 =	vand.u32 $0x10, v10;
	[tilespmem:v13+s17+$0x0] =	vst.idx.add.s32.msk $0xffff, v9  }
0x346: {  	v12 =	vshrl.u32 v21, $0x1;
	v11 =	vshll.u32 v21, $0x4;
	[tilespmem:v17+s17+$0x0] =	vst.idx.add.s32.msk $0xffff, v7  }
0x347: {  	v19 =	vshrl.u32 v20, $0x1;
	v25 =	vshrl.u32 v6, $0x1;
	v13 =	vshrl.u32 v20, $0x3;
	v7 =	vld.idx.msk [tilespmem:v32+s16+$0x0], $0xffff  }
0x348: {  	v20 =	vshrl.u32 v22, $0x1;
	v17 =	vand.u32 $0x1FFFFE0, v13;
	v9 =	vld.idx.msk [tilespmem:v18+s16+$0x0], $0xffff;
	v18 =	vshrl.u32 v22, $0x3  }
0x349: {  	v15 =	vshll.u32 v3, v23;
	v16 =	vshrl.u32 v24, $0x1;
	v13 =	vshll.u32 v3, v10  }
0x34a: {  	v23 =	vshrl.u32 v6, $0x3;
	v10 =	vshll.u32 v24, $0x4;
	v22 =	vshrl.u32 v24, $0x3  }
0x34b: {  	v27 =	vshrl.u32 v21, $0x3;
	v24 =	vshll.u32 v17, $0x7;
	v17 =	vand.u32 $0x1FFFFE0, v22  }
0x34c: {  	v19 =	vand.u32 $0x7F, v19;
	v21 =	vand.u32 $0x7F, v20;
	v22 =	vor.u32 v1, v24  }
.Ltmp12:
0x34d: {  	v18 =	vand.u32 $0x1FFFFE0, v18;
	v19 =	vor.u32 v19, v22;
	v20 =	vshrl.u32 v7, $0x3;
	(pc) =	sbr.rel @p0 .LBB2_26-.Ltmp12, $4  }
0x34e: {  	v22 =	vand.u32 $0x7F, v25;
	v25 =	vshll.u32 v18, $0x7;
	v24 =	vshrl.u32 v7, $0x1  }
0x34f: {  	v23 =	vand.u32 $0x1FFFFE0, v23;
	v18 =	vand.u32 $0x7F, v24;
	v24 =	vor.u32 v1, v25  }
0x350: {  	v28 =	vshrl.u32 v9, $0x3;
	v25 =	vshll.u32 v23, $0x7;
	v23 =	vand.u32 $0x1FFFFE0, v27  }
0x351: {  	v26 =	vshll.u32 v26, $0x7;
	v27 =	vand.u32 $0x1FFFFE0, v28;
	v23 =	vshll.u32 v23, $0x7  }
0x352: {  	v27 =	vshll.u32 v27, $0x7  }
0x353: {  	v14 =	vand.u32 $0x7F, v14;
	v26 =	vor.u32 v1, v26;
	v25 =	vor.u32 v1, v25  }
0x354: {  	v21 =	vor.u32 v21, v24;
	v6 =	vshll.u32 v6, $0x4;
	v20 =	vand.u32 $0x1FFFFE0, v20  }
0x355: {  	v16 =	vand.u32 $0x7F, v16;
	v17 =	vshll.u32 v17, $0x7;
	v14 =	vor.u32 v14, v26  }
0x356: {  	v12 =	vand.u32 $0x7F, v12;
	v23 =	vor.u32 v1, v23;
	v10 =	vand.u32 $0x10, v10  }
0x357: {  	v27 =	vor.u32 v1, v27;
	v22 =	vor.u32 v22, v25;
	v17 =	vor.u32 v1, v17  }
0x358: {  	v26 =	vshrl.u32 v9, $0x1;
	v6 =	vand.u32 $0x10, v6;
	v16 =	vor.u32 v16, v17  }
0x359: {  	[tilespmem:v19+s17+$0x0] =	vst.idx.add.s32.msk $0xffff, v15;
	v20 =	vshll.u32 v20, $0x7;
	v12 =	vor.u32 v12, v23;
	v15 =	vand.u32 $0x7F, v26  }
0x35a: {  	[tilespmem:v14+s17+$0x0] =	vst.idx.add.s32.msk $0xffff, v8;
	v8 =	vand.u32 $0x10, v11;
	v11 =	vor.u32 v1, v20;
	v14 =	vor.u32 v15, v27  }
0x35b: {  	v7 =	vshll.u32 v7, $0x4;
	v6 =	vshll.u32 v3, v6;
	[tilespmem:v21+s17+$0x0] =	vst.idx.add.s32.msk $0xffff, v13;
	v11 =	vor.u32 v18, v11  }
0x35c: {  	v9 =	vshll.u32 v9, $0x4;
	v10 =	vshll.u32 v3, v10;
	[tilespmem:v22+s17+$0x0] =	vst.idx.add.s32.msk $0xffff, v6;
	v6 =	vadd.s32 s26, v4  }
0x35d: {  	v9 =	vand.u32 $0x10, v9;
	v8 =	vshll.u32 v3, v8;
	[tilespmem:v16+s17+$0x0] =	vst.idx.add.s32.msk $0xffff, v10;
	v10 =	vadd.s32 s23, v4  }
0x35e: {  	v7 =	vand.u32 $0x10, v7;
	v9 =	vshll.u32 v3, v9;
	[tilespmem:v12+s17+$0x0] =	vst.idx.add.s32.msk $0xffff, v8;
	v8 =	vadd.s32 s22, v4  }
0x35f: {  	v7 =	vshll.u32 v3, v7;
	v12 =	vadd.s32 s28, v4;
	[tilespmem:v14+s17+$0x0] =	vst.idx.add.s32.msk $0xffff, v9  }
0x360: {  	[tilespmem:v11+s17+$0x0] =	vst.idx.add.s32.msk $0xffff, v7  }
0x361: {  	v7 =	vadd.s32 s21, v4;
	v11 =	vld.idx.msk [tilespmem:v6+s16+$0x0], $0xffff  }
0x362: {  	v9 =	vadd.s32 s24, v4;
	v10 =	vld.idx.msk [tilespmem:v10+s16+$0x0], $0xffff  }
0x363: {  	v13 =	vld.idx.msk [tilespmem:v8+s16+$0x0], $0xffff  }
0x364: {  	v19 =	vld.idx.msk [tilespmem:v12+s16+$0x0], $0xffff;
	_ =	sdelay $0x1  }
0x365: {  	v17 =	vadd.s32 s25, v4;
	v18 =	vld.idx.msk [tilespmem:v7+s16+$0x0], $0xffff;
	v7 =	vadd.s32 s29, v4  }
0x366: {  	v6 =	vld.idx.msk [tilespmem:v9+s16+$0x0], $0xffff;
	v8 =	vshll.u32 v11, $0x4;
	v9 =	vshrl.u32 v10, $0x3;
	v14 =	vshrl.u32 v10, $0x1  }
0x367: {  	v16 =	vshrl.u32 v11, $0x3;
	v20 =	vshrl.u32 v11, $0x1;
	v24 =	vshrl.u32 v13, $0x3  }
0x368: {  	v25 =	vshrl.u32 v13, $0x1;
	v26 =	vshrl.u32 v19, $0x3;
	v11 =	vshll.u32 v19, $0x4  }
0x369: {  	v15 =	vand.u32 $0x10, v8;
	v8 =	vshll.u32 v10, $0x4;
	v23 =	vand.u32 $0x1FFFFE0, v9  }
0x36a: {  	v9 =	vshll.u32 v13, $0x4;
	v21 =	vand.u32 $0x1FFFFE0, v16;
	v16 =	vshrl.u32 v19, $0x1  }
0x36b: {  	v8 =	vand.u32 $0x10, v8;
	v10 =	vand.u32 $0x10, v9;
	v15 =	vshll.u32 v3, v15  }
0x36c: {  	v19 =	vshll.u32 v21, $0x7;
	v21 =	vand.u32 $0x7F, v25;
	v8 =	vshll.u32 v3, v8  }
0x36d: {  	v22 =	vshrl.u32 v6, $0x1;
	v13 =	vshll.u32 v3, v10;
	v27 =	vshrl.u32 v6, $0x3;
	v7 =	vld.idx.msk [tilespmem:v7+s16+$0x0], $0xffff  }
0x36e: {  	v10 =	vld.idx.msk [tilespmem:v17+s16+$0x0], $0xffff;
	v17 =	vand.u32 $0x1FFFFE0, v26;
	v19 =	vor.u32 v5, v19;
	v12 =	vshrl.u32 v18, $0x1  }
0x36f: {  	v9 =	vshll.u32 v18, $0x4;
	v26 =	vshrl.u32 v18, $0x3;
	v18 =	vand.u32 $0x7F, v20  }
0x370: {  	v22 =	vand.u32 $0x7F, v22;
	v27 =	vand.u32 $0x1FFFFE0, v27;
	v19 =	vor.u32 v18, v19  }
0x371: {  	v18 =	vand.u32 $0x1FFFFE0, v24;
	v29 =	vand.u32 $0x1FFFFE0, v26;
	v26 =	vshll.u32 v23, $0x7  }
0x372: {  	v25 =	vshll.u32 v18, $0x7;
	v23 =	vshll.u32 v29, $0x7;
	v24 =	vshrl.u32 v7, $0x1  }
0x373: {  	v28 =	vshrl.u32 v10, $0x3;
	v20 =	vshrl.u32 v7, $0x3;
	v18 =	vand.u32 $0x7F, v24  }
0x374: {  	s21 =	simm.s32 $0x8;
	v24 =	vor.u32 v5, v25;
	v25 =	vshll.u32 v27, $0x7;
	v27 =	vand.u32 $0x1FFFFE0, v28  }
.LBB2_28:
0x375: {  	s0 =	sadd.s32 $0x1, s21  }
0x376: {  	s2 =	sadd.s32 $0x2, s21;
	s3 =	sadd.s32 $0x3, s21;
	v27 =	vshll.u32 v27, $0x7;
	v14 =	vand.u32 $0x7F, v14;
	v26 =	vor.u32 v5, v26;
	s4 =	smov.u32 s21  }
0x377: {  	s22 =	sadd.s32 $0x6, s21;
	v28 =	vadd.s32 s0, v4;
	v29 =	vadd.s32 s2, v4;
	s0 =	sadd.s32 $0x4, s21;
	s2 =	sadd.s32 $0x5, s21;
	v27 =	vor.u32 v5, v27  }
0x378: {  	p0 =	slt.u32 s21, $0xC0;
	s21 =	sadd.s32 $0x8, s21;
	v14 =	vor.u32 v14, v26;
	v30 =	vadd.s32 s0, v4;
	v31 =	vadd.s32 s2, v4;
	s0 =	sadd.s32 $0x7, s4  }
0x379: {  	v26 =	vadd.s32 s3, v4;
	v32 =	vadd.s32 s22, v4;
	v33 =	vadd.s32 s0, v4  }
0x37a: {  	v34 =	vshrl.u32 v10, $0x1;
	v25 =	vor.u32 v5, v25;
	v21 =	vor.u32 v21, v24  }
0x37b: {  	v6 =	vshll.u32 v6, $0x4;
	[tilespmem:v19+s17+$0x0] =	vst.idx.add.s32.msk $0xffff, v15;
	v15 =	vor.u32 v22, v25;
	v19 =	vand.u32 $0x1FFFFE0, v20  }
0x37c: {  	v16 =	vand.u32 $0x7F, v16;
	v6 =	vand.u32 $0x10, v6;
	v20 =	vld.idx.msk [tilespmem:v28+s16+$0x0], $0xffff;
	v19 =	vshll.u32 v19, $0x7  }
0x37d: {  	v9 =	vand.u32 $0x10, v9;
	[tilespmem:v14+s17+$0x0] =	vst.idx.add.s32.msk $0xffff, v8;
	v8 =	vshll.u32 v3, v6;
	v6 =	vor.u32 v5, v19  }
0x37e: {  	v12 =	vand.u32 $0x7F, v12;
	v14 =	vshll.u32 v17, $0x7;
	v17 =	vor.u32 v5, v23;
	v19 =	vld.idx.msk [tilespmem:v26+s16+$0x0], $0xffff  }
0x37f: {  	v14 =	vor.u32 v5, v14;
	v12 =	vor.u32 v12, v17;
	v17 =	vor.u32 v18, v6;
	v22 =	vld.idx.msk [tilespmem:v33+s16+$0x0], $0xffff  }
0x380: {  	v23 =	vand.u32 $0x7F, v34;
	v18 =	vadd.s32 s4, v4;
	v16 =	vor.u32 v16, v14;
	[tilespmem:v21+s17+$0x0] =	vst.idx.add.s32.msk $0xffff, v13  }
0x381: {  	v10 =	vshll.u32 v10, $0x4;
	v7 =	vshll.u32 v7, $0x4;
	v13 =	vor.u32 v23, v27;
	v6 =	vld.idx.msk [tilespmem:v30+s16+$0x0], $0xffff  }
0x382: {  	v11 =	vand.u32 $0x10, v11;
	v7 =	vand.u32 $0x10, v7;
	v14 =	vshll.u32 v20, $0x4;
	v21 =	vld.idx.msk [tilespmem:v31+s16+$0x0], $0xffff  }
0x383: {  	v11 =	vshll.u32 v3, v11;
	v9 =	vshll.u32 v3, v9;
	v23 =	vand.u32 $0x10, v14;
	v24 =	vld.idx.msk [tilespmem:v29+s16+$0x0], $0xffff  }
0x384: {  	v25 =	vshrl.u32 v19, $0x3;
	v14 =	vshrl.u32 v19, $0x1;
	v19 =	vshll.u32 v19, $0x4;
	[tilespmem:v15+s17+$0x0] =	vst.idx.add.s32.msk $0xffff, v8  }
0x385: {  	v10 =	vand.u32 $0x10, v10;
	v26 =	vand.u32 $0x1FFFFE0, v25;
	v8 =	vand.u32 $0x10, v19;
	[tilespmem:v16+s17+$0x0] =	vst.idx.add.s32.msk $0xffff, v11  }
0x386: {  	v10 =	vshll.u32 v3, v10;
	v8 =	vshll.u32 v3, v8;
	v11 =	vshll.u32 v22, $0x4;
	[tilespmem:v12+s17+$0x0] =	vst.idx.add.s32.msk $0xffff, v9  }
0x387: {  	v7 =	vshll.u32 v3, v7;
	v11 =	vand.u32 $0x10, v11;
	[tilespmem:v13+s17+$0x0] =	vst.idx.add.s32.msk $0xffff, v10  }
0x388: {  	v12 =	vshrl.u32 v21, $0x1;
	v9 =	vshll.u32 v21, $0x4;
	[tilespmem:v17+s17+$0x0] =	vst.idx.add.s32.msk $0xffff, v7  }
0x389: {  	v19 =	vshrl.u32 v20, $0x1;
	v25 =	vshrl.u32 v6, $0x1;
	v13 =	vshrl.u32 v20, $0x3;
	v7 =	vld.idx.msk [tilespmem:v32+s16+$0x0], $0xffff  }
0x38a: {  	v20 =	vshrl.u32 v22, $0x1;
	v17 =	vand.u32 $0x1FFFFE0, v13;
	v10 =	vld.idx.msk [tilespmem:v18+s16+$0x0], $0xffff;
	v18 =	vshrl.u32 v22, $0x3  }
0x38b: {  	v15 =	vshll.u32 v3, v23;
	v16 =	vshrl.u32 v24, $0x1;
	v13 =	vshll.u32 v3, v11  }
0x38c: {  	v23 =	vshrl.u32 v6, $0x3;
	v11 =	vshll.u32 v24, $0x4;
	v22 =	vshrl.u32 v24, $0x3  }
0x38d: {  	v27 =	vshrl.u32 v21, $0x3;
	v24 =	vshll.u32 v17, $0x7;
	v17 =	vand.u32 $0x1FFFFE0, v22  }
0x38e: {  	v19 =	vand.u32 $0x7F, v19;
	v21 =	vand.u32 $0x7F, v20;
	v22 =	vor.u32 v5, v24  }
.Ltmp13:
0x38f: {  	v18 =	vand.u32 $0x1FFFFE0, v18;
	v19 =	vor.u32 v19, v22;
	v20 =	vshrl.u32 v7, $0x3;
	(pc) =	sbr.rel @p0 .LBB2_28-.Ltmp13, $4  }
0x390: {  	v22 =	vand.u32 $0x7F, v25;
	v25 =	vshll.u32 v18, $0x7;
	v24 =	vshrl.u32 v7, $0x1  }
0x391: {  	v23 =	vand.u32 $0x1FFFFE0, v23;
	v18 =	vand.u32 $0x7F, v24;
	v24 =	vor.u32 v5, v25  }
0x392: {  	v28 =	vshrl.u32 v10, $0x3;
	v25 =	vshll.u32 v23, $0x7;
	v23 =	vand.u32 $0x1FFFFE0, v27  }
0x393: {  	v26 =	vshll.u32 v26, $0x7;
	v27 =	vand.u32 $0x1FFFFE0, v28;
	v23 =	vshll.u32 v23, $0x7  }
0x394: {  	v27 =	vshll.u32 v27, $0x7;
	v14 =	vand.u32 $0x7F, v14  }
0x395: {  	v26 =	vor.u32 v5, v26;
	v57 =	vshrl.u32 v10, $0x1;
	v25 =	vor.u32 v5, v25  }
0x396: {  	v21 =	vor.u32 v21, v24;
	v6 =	vshll.u32 v6, $0x4;
	v17 =	vshll.u32 v17, $0x7  }
0x397: {  	v20 =	vand.u32 $0x1FFFFE0, v20;
	v16 =	vand.u32 $0x7F, v16;
	v14 =	vor.u32 v14, v26  }
0x398: {  	v12 =	vand.u32 $0x7F, v12;
	v22 =	vor.u32 v22, v25;
	v17 =	vor.u32 v5, v17  }
0x399: {  	v23 =	vor.u32 v5, v23;
	v27 =	vor.u32 v5, v27;
	v16 =	vor.u32 v16, v17  }
0x39a: {  	[tilespmem:v19+s17+$0x0] =	vst.idx.add.s32.msk $0xffff, v15;
	v58 =	vshll.u32 v20, $0x7;
	v12 =	vor.u32 v12, v23;
	v59 =	vand.u32 $0x7F, v57  }
0x39b: {  	v6 =	vand.u32 $0x10, v6;
	v60 =	vor.u32 v5, v58;
	v61 =	vor.u32 v59, v27;
	[tilespmem:v21+s17+$0x0] =	vst.idx.add.s32.msk $0xffff, v13  }
0x39c: {  	v11 =	vand.u32 $0x10, v11;
	v6 =	vshll.u32 v3, v6;
	[tilespmem:v14+s17+$0x0] =	vst.idx.add.s32.msk $0xffff, v8;
	v8 =	vor.u32 v18, v60  }
0x39d: {  	v9 =	vand.u32 $0x10, v9;
	v62 =	vshll.u32 v10, $0x4;
	v11 =	vshll.u32 v3, v11;
	[tilespmem:v22+s17+$0x0] =	vst.idx.add.s32.msk $0xffff, v6  }
0x39e: {  	v63 =	vand.u32 $0x10, v62;
	v6 =	vshll.u32 v7, $0x4;
	v7 =	vshll.u32 v3, v9;
	[tilespmem:v16+s17+$0x0] =	vst.idx.add.s32.msk $0xffff, v11  }
0x39f: {  	v9 =	vshll.u32 v3, v63;
	v6 =	vand.u32 $0x10, v6;
	[tilespmem:v12+s17+$0x0] =	vst.idx.add.s32.msk $0xffff, v7  }
0x3a0: {  	[tilespmem:v61+s17+$0x0] =	vst.idx.add.s32.msk $0xffff, v9;
	v6 =	vshll.u32 v3, v6  }
0x3a1: {  	s20 =	sadd.s32 $0x1, s20;
	[tilespmem:v8+s17+$0x0] =	vst.idx.add.s32.msk $0xffff, v6  }
0x3a2: {  	[hbm4b:s10+s1] =	stream.linear.scatter [tilespmem:s17], [sflag:$0x2], $0x4000, $0x38;
	[tilespmem:$0xB200] =	vst v63  }
0x3a3: {  	p0 =	sne.s32 s20, s11;
	_ =	swait.ge [sflag:s18], $0x4000  }
.Ltmp14:
0x3a4: {  	[sflag:s18] =	ssyncset.done $0x0;
	(pc) =	sbr.rel @p0 .LBB2_1-.Ltmp14, $4  }
0x3a5: {  	[sflag:s18] =	ssyncadd.s32 $0xFFFFC000  }
0x3a6: {  	_ =	swait.ge [sflag:s19], $0x4000  }
0x3a7: {  	[sflag:s19] =	ssyncset.done $0x0  }
0x3a8: {  	[sflag:s19] =	ssyncadd.s32 $0xFFFFC000  }
0x3a9: {  	_ =	sfence.sel $0x180000  }
0x3aa: {  	[bflag:$0x0] =	sbarrier.arrive $0xFFFF  }
0x3ab: {  	_ =	strace $0x90000047  }
0x3ac: {  	s0 =	stileid.u32;
	[bflag:$0x2] =	sbarrier.arrive $0xFFFF  }
0x3ad: {  	p0 =	sne.s32 s0, $0x0;
	s0 =	rddreg [dreg:$0x1]  }
0x3ae: {  	s0 =	sadd.s32 @!p0 $0x100000, s0  }
0x3af: {  	[sflag:s0] =	ssyncadd.tile.s32 @!p0 $0x1;
	_ =	shalt  }
.Lfunc_end2:
_tile_overlayer_lowered:
.L_overlay_start_2:
0x3b0: {  	(tag) =	ssettag $0x2  }
0x3b1: {  	s0 =	rddreg [dreg:$0x0];
	s2 =	stileid.u32  }
0x3b2: {  	s1 =	rddreg [dreg:$0x1];
	p0 =	sne.s32 s2, $0x0  }
0x3b3: {  	s3 =	rddreg [dreg:$0x2];
	[bflag:$0x3] =	sbarrier.arrive $0xFFFF;
	s2 =	simm.s32 @!p0 $0x1C03  }
0x3b4: {  	[timem:s3], [sflag:s2] =	dma.local @!p0 [hbm:s0], s1  }
0x3b5: {  	s0 =	simm.s32 @!p0 $0x3  }
0x3b6: {  	_ =	swait.ge @!p0 [sflag:s0], s1  }
0x3b7: {  	s1 =	ssub.s32 @!p0 $0x0, s1;
	[sflag:s0] =	ssyncset.done @!p0 $0x0  }
0x3b8: {  	[sflag:s0] =	ssyncadd.s32 @!p0 s1  }
0x3b9: {  	[bflag:$0x3] =	sbarrier.arrive $0xFFFF  }
0x3ba: {  	_ =	shalt  }

</sc_bundles>
